<compile_context>
chip_gen: v7x
topology: tpu7x:2x2x1
jax: 0.10.2.dev20260603
libtpu: 0.0.44.dev20260713+nightly
codegen_flags: <defaults>
</compile_context>

<pallas_src>
import functools

import jax
import jax.numpy as jnp
from jax import lax
from jax.experimental import pallas as pl
from jax.experimental.pallas import tpu as pltpu
from jax.experimental.pallas import tpu_sc as plsc

B = 16384
IN_F = 128
OUT_F = 128
KNOTS = 50
NINT = 48
X_MIN = -10.0
X_MAX = 10.0
H = (X_MAX - X_MIN) / (KNOTS - 1)
INV_H = 1.0 / H
U0 = -X_MIN * INV_H

NUM_CORES = 2
NUM_SUBCORES = 16
LANES = 16
NW = NUM_CORES * NUM_SUBCORES

VECS_PER_ROW = IN_F // LANES
SUB = 32768
ROWS_SUB = SUB // IN_F


def _make_spline(total):
    chunk = total // NW
    nsub = chunk // SUB

    def body(x_hbm, ky_hbm, out_hbm,
             xb0, xb1, kybuf, ca, cb, cc, cd,
             sky, si0, si1, so0, so1):
        wid = lax.axis_index("s") * NUM_CORES + lax.axis_index("c")
        base = wid * chunk
        xb, si, so = [xb0, xb1], [si0, si1], [so0, so1]

        cky = pltpu.async_copy(ky_hbm, kybuf, sky)
        cin = [pltpu.async_copy(x_hbm.at[pl.ds(base, SUB)], xb[0], si[0]),
               None]
        cky.wait()

        iota = lax.iota(jnp.int32, LANES)

        @plsc.parallel_loop(0, IN_F, 1)
        def build(f):
            for jj in range(NINT // LANES):
                g0 = f * KNOTS + jj * LANES + iota
                g0 = jnp.minimum(g0, IN_F * KNOTS - 4)
                y0 = plsc.load_gather(kybuf, [g0])
                y1 = plsc.load_gather(kybuf, [g0 + 1])
                y2 = plsc.load_gather(kybuf, [g0 + 2])
                y3 = plsc.load_gather(kybuf, [g0 + 3])
                bv = 0.5 * (y2 - y0)
                dv = 0.5 * (y3 - y0) + 1.5 * (y1 - y2)
                cv = (y2 - y1) - bv - dv
                sl = pl.ds(f * NINT + jj * LANES, LANES)
                ca[sl] = y1
                cb[sl] = bv
                cc[sl] = cv
                cd[sl] = dv

        col_base = [(iota + j * LANES) * NINT - 1 for j in range(VECS_PER_ROW)]

        cout = [None, None]
        for sub in range(nsub):
            cur = sub % 2
            nxt = (sub + 1) % 2
            if sub + 1 < nsub:
                if cout[nxt] is not None:
                    cout[nxt].wait()
                cin[nxt] = pltpu.async_copy(
                    x_hbm.at[pl.ds(base + (sub + 1) * SUB, SUB)],
                    xb[nxt], si[nxt])
            cin[cur].wait()
            xbuf = xb[cur]

            @plsc.parallel_loop(0, ROWS_SUB, 1)
            def row_body(r):
                off = r * IN_F
                for j in range(VECS_PER_ROW):
                    sl = pl.ds(off + j * LANES, LANES)
                    xv = xbuf[sl]
                    u = xv * INV_H + U0
                    uc = jnp.minimum(jnp.maximum(u, 1.0), 47.0)
                    idx = uc.astype(jnp.int32)
                    t = u - idx.astype(jnp.float32)
                    g = col_base[j] + idx
                    av = plsc.load_gather(ca, [g])
                    bv = plsc.load_gather(cb, [g])
                    cv = plsc.load_gather(cc, [g])
                    dv = plsc.load_gather(cd, [g])
                    xbuf[sl] = ((dv * t + cv) * t + bv) * t + av

            cout[cur] = pltpu.async_copy(
                xbuf, out_hbm.at[pl.ds(base + sub * SUB, SUB)], so[cur])
        for c in cout:
            if c is not None:
                c.wait()

    return functools.partial(
        pl.kernel,
        mesh=plsc.VectorSubcoreMesh(core_axis_name="c", subcore_axis_name="s"),
        out_type=jax.ShapeDtypeStruct((total,), jnp.float32),
        scratch_types=[
            pltpu.VMEM((SUB,), jnp.float32),
            pltpu.VMEM((SUB,), jnp.float32),
            pltpu.VMEM((IN_F * KNOTS,), jnp.float32),
            pltpu.VMEM((IN_F * NINT,), jnp.float32),
            pltpu.VMEM((IN_F * NINT,), jnp.float32),
            pltpu.VMEM((IN_F * NINT,), jnp.float32),
            pltpu.VMEM((IN_F * NINT,), jnp.float32),
            pltpu.SemaphoreType.DMA,
            pltpu.SemaphoreType.DMA,
            pltpu.SemaphoreType.DMA,
            pltpu.SemaphoreType.DMA,
            pltpu.SemaphoreType.DMA,
        ],
        compiler_params=pltpu.CompilerParams(needs_layout_passes=False),
    )(body)


TOTAL = B * IN_F

_spline_sc = _make_spline(TOTAL)

BT = 8192


def _mm_body(t_ref, w_ref, b_ref, o_ref):
    o_ref[...] = jax.lax.dot_general(
        t_ref[...], w_ref[...], (((1,), (1,)), ((), ())),
        preferred_element_type=jnp.float32,
    ) + b_ref[...]


_mm = pl.pallas_call(
    _mm_body,
    grid=(B // BT,),
    in_specs=[
        pl.BlockSpec((BT, IN_F), lambda i: (i, 0)),
        pl.BlockSpec((OUT_F, IN_F), lambda i: (0, 0)),
        pl.BlockSpec((1, OUT_F), lambda i: (0, 0)),
    ],
    out_specs=pl.BlockSpec((BT, OUT_F), lambda i: (i, 0)),
    out_shape=jax.ShapeDtypeStruct((B, OUT_F), jnp.float32),
)


def kernel(x, knot_y, W, b):
    transformed = _spline_sc(x.reshape(-1), knot_y.reshape(-1))
    return _mm(transformed.reshape(B, IN_F), W, b.reshape(1, OUT_F))

# --- scband reference (transcript-rebuilt; emitter-appended) ---
"""Pipeline reference for scband-kanlayer-71605694759485 (READ-ONLY COPY).

The authoritative reference and input builder live on the scoring server;
editing this copy changes nothing except your own understanding.
"""

import jax, jax.numpy as jnp
import numpy as np

B = 16384
IN_F = 128
OUT_F = 128
KNOTS = 50
X_MIN = -10.0
X_MAX = 10.0


def setup_inputs(seed: int = 0) -> dict:
    key = jax.random.key(seed)
    k1, k2, k3, k4 = jax.random.split(key, 4)
    x = jax.random.normal(k1, (B, IN_F), dtype=jnp.float32)
    # knot_y: torch.rand(knots) per feature -> uniform [0,1), stacked [IN_F, KNOTS]
    knot_y = jax.random.uniform(k2, (IN_F, KNOTS), dtype=jnp.float32)
    # combo linear layer params (nn.Linear(in_features, out_features))
    bound = 1.0 / np.sqrt(IN_F)
    W = jax.random.uniform(k3, (OUT_F, IN_F), dtype=jnp.float32, minval=-bound, maxval=bound)
    b = jax.random.uniform(k4, (OUT_F,), dtype=jnp.float32, minval=-bound, maxval=bound)
    return {"x": x, "knot_y": knot_y, "W": W, "b": b}


def reference(x, knot_y, W, b):
    knot_x = jnp.linspace(X_MIN, X_MAX, KNOTS)

    def spline_one_feature(xc, yc):
        # xc: [B], yc: [KNOTS]
        # torch.bucketize(x, boundaries, right=False) == searchsorted side='left'
        idx = jnp.searchsorted(knot_x, xc, side='left') - 1
        idx = jnp.clip(idx, 1, KNOTS - 3)
        x_second = knot_x[idx]
        x_third = knot_x[idx + 1]
        first = yc[idx - 1]
        second = yc[idx]
        third = yc[idx + 1]
        forth = yc[idx + 2]
        t = (xc - x_second) / (x_third - x_second)
        interpolated_y = 0.5 * (
            2 * second
            + (-first + third) * t
            + (2 * first - 5 * second + 4 * third - forth) * t ** 2
            + (-first + 3 * second - 3 * third + forth) * t ** 3
        )
        return interpolated_y

    # vectorize over the in_features axis (replaces the python loop + stack)
    transformed_x = jax.vmap(spline_one_feature, in_axes=(1, 0), out_axes=1)(x, knot_y)
    combination = transformed_x @ W.T + b
    return combination

if __name__ == "__main__":
    import jax
    _d = setup_inputs()
    print(jax.jit(kernel)(*tuple(_d.values())))

</pallas_src>

<mosaic_0001>
#map = affine_map<(d0, d1) -> (0)>
module attributes {stable_mosaic.version = 14 : i64} {
  func.func @body(%arg0: i32, %arg1: i32, %arg2: memref<2097152xf32, #tpu.memory_space<hbm>>, %arg3: memref<6400xf32, #tpu.memory_space<hbm>>, %arg4: memref<2097152xf32, #tpu.memory_space<hbm>>, %arg5: memref<32768xf32, #tpu.memory_space<vmem>>, %arg6: memref<32768xf32, #tpu.memory_space<vmem>>, %arg7: memref<6400xf32, #tpu.memory_space<vmem>>, %arg8: memref<6144xf32, #tpu.memory_space<vmem>>, %arg9: memref<6144xf32, #tpu.memory_space<vmem>>, %arg10: memref<6144xf32, #tpu.memory_space<vmem>>, %arg11: memref<6144xf32, #tpu.memory_space<vmem>>, %arg12: memref<!tpu.dma_semaphore, #tpu.memory_space<semaphore_mem>>, %arg13: memref<!tpu.dma_semaphore, #tpu.memory_space<semaphore_mem>>, %arg14: memref<!tpu.dma_semaphore, #tpu.memory_space<semaphore_mem>>, %arg15: memref<!tpu.dma_semaphore, #tpu.memory_space<semaphore_mem>>, %arg16: memref<!tpu.dma_semaphore, #tpu.memory_space<semaphore_mem>>) attributes {dimension_semantics = [#tpu.dimension_semantics<core_parallel>, #tpu.dimension_semantics<subcore_parallel>], iteration_bounds = array<i64: 2, 16>, scalar_prefetch = 0 : i64, scratch_operands = 12 : i64, tpu.core_type = #tpu.core_type<sc_vector_subcore>, window_params = [{transform_indices = #map}, {transform_indices = #map}, {transform_indices = #map}]} {
    %mul3A = arith.constant 2 : i32
    %mul3A_0 = arith.muli %arg1, %mul3A : i32
    %add3A = arith.addi %mul3A_0, %arg0 : i32
    %mul3A_1 = arith.constant 65536 : i32
    %mul3A_2 = arith.muli %add3A, %mul3A_1 : i32
    tpu.enqueue_dma source(%arg3 : memref<6400xf32, #tpu.memory_space<hbm>>) target(%arg7 : memref<6400xf32, #tpu.memory_space<vmem>>) target_semaphore(%arg12 : memref<!tpu.dma_semaphore, #tpu.memory_space<semaphore_mem>>)
    %dma_start3A = tpu.memref_slice %arg2[%mul3A_2] : memref<2097152xf32, #tpu.memory_space<hbm>> -> memref<32768xf32, #tpu.memory_space<hbm>>
    %dma_start3A_3 = tpu.memref_slice %arg2[%mul3A_2] : memref<2097152xf32, #tpu.memory_space<hbm>> -> memref<32768xf32, #tpu.memory_space<hbm>>
    tpu.enqueue_dma source(%dma_start3A_3 : memref<32768xf32, #tpu.memory_space<hbm>>) target(%arg5 : memref<32768xf32, #tpu.memory_space<vmem>>) target_semaphore(%arg13 : memref<!tpu.dma_semaphore, #tpu.memory_space<semaphore_mem>>)
    tpu.wait_dma2 semaphore(%arg12 : memref<!tpu.dma_semaphore, #tpu.memory_space<semaphore_mem>>) src(%arg3 : memref<6400xf32, #tpu.memory_space<hbm>>) dst(%arg7 : memref<6400xf32, #tpu.memory_space<vmem>>)
    %iota3A = tpu.iota {dimensions = array<i32: 0>} : vector<16xi32>
    %parallel_loop3A = arith.constant 0 : i32
    %parallel_loop3A_4 = arith.constant 128 : i32
    %parallel_loop3A_5 = arith.constant 1 : i32
    scf.for %parallel_loop3A_102 = %parallel_loop3A to %parallel_loop3A_4 step %parallel_loop3A_5  : i32 {
      %parallel_loop3A_103 = arith.constant 50 : i32
      %parallel_loop3A_104 = arith.muli %parallel_loop3A_102, %parallel_loop3A_103 : i32
      %parallel_loop3A_105 = arith.constant 0 : i32
      %parallel_loop3A_106 = arith.addi %parallel_loop3A_104, %parallel_loop3A_105 : i32
      %parallel_loop3A_107 = vector.broadcast %parallel_loop3A_106 : i32 to vector<16xi32>
      %parallel_loop3A_108 = arith.addi %parallel_loop3A_107, %iota3A : vector<16xi32>
      %parallel_loop3A_109 = arith.constant 6396 : i32
      %parallel_loop3A_110 = vector.broadcast %parallel_loop3A_109 : i32 to vector<16xi32>
      %parallel_loop3A_111 = arith.minsi %parallel_loop3A_108, %parallel_loop3A_110 : vector<16xi32>
      %parallel_loop3A_112 = tpu.vector_load_idx %arg7[%parallel_loop3A_111] : memref<6400xf32, #tpu.memory_space<vmem>>[vector<16xi32>], vector<16xf32>,
      %parallel_loop3A_113 = arith.constant 1 : i32
      %parallel_loop3A_114 = vector.broadcast %parallel_loop3A_113 : i32 to vector<16xi32>
      %parallel_loop3A_115 = arith.addi %parallel_loop3A_111, %parallel_loop3A_114 : vector<16xi32>
      %parallel_loop3A_116 = tpu.vector_load_idx %arg7[%parallel_loop3A_115] : memref<6400xf32, #tpu.memory_space<vmem>>[vector<16xi32>], vector<16xf32>,
      %parallel_loop3A_117 = arith.constant 2 : i32
      %parallel_loop3A_118 = vector.broadcast %parallel_loop3A_117 : i32 to vector<16xi32>
      %parallel_loop3A_119 = arith.addi %parallel_loop3A_111, %parallel_loop3A_118 : vector<16xi32>
      %parallel_loop3A_120 = tpu.vector_load_idx %arg7[%parallel_loop3A_119] : memref<6400xf32, #tpu.memory_space<vmem>>[vector<16xi32>], vector<16xf32>,
      %parallel_loop3A_121 = arith.constant 3 : i32
      %parallel_loop3A_122 = vector.broadcast %parallel_loop3A_121 : i32 to vector<16xi32>
      %parallel_loop3A_123 = arith.addi %parallel_loop3A_111, %parallel_loop3A_122 : vector<16xi32>
      %parallel_loop3A_124 = tpu.vector_load_idx %arg7[%parallel_loop3A_123] : memref<6400xf32, #tpu.memory_space<vmem>>[vector<16xi32>], vector<16xf32>,
      %parallel_loop3A_125 = arith.subf %parallel_loop3A_120, %parallel_loop3A_112 : vector<16xf32>
      %parallel_loop3A_126 = arith.constant 5.000000e-01 : f32
      %parallel_loop3A_127 = vector.broadcast %parallel_loop3A_126 : f32 to vector<16xf32>
      %parallel_loop3A_128 = arith.mulf %parallel_loop3A_127, %parallel_loop3A_125 : vector<16xf32>
      %parallel_loop3A_129 = arith.subf %parallel_loop3A_124, %parallel_loop3A_112 : vector<16xf32>
      %parallel_loop3A_130 = arith.constant 5.000000e-01 : f32
      %parallel_loop3A_131 = vector.broadcast %parallel_loop3A_130 : f32 to vector<16xf32>
      %parallel_loop3A_132 = arith.mulf %parallel_loop3A_131, %parallel_loop3A_129 : vector<16xf32>
      %parallel_loop3A_133 = arith.subf %parallel_loop3A_116, %parallel_loop3A_120 : vector<16xf32>
      %parallel_loop3A_134 = arith.constant 1.500000e+00 : f32
      %parallel_loop3A_135 = vector.broadcast %parallel_loop3A_134 : f32 to vector<16xf32>
      %parallel_loop3A_136 = arith.mulf %parallel_loop3A_135, %parallel_loop3A_133 : vector<16xf32>
      %parallel_loop3A_137 = arith.addf %parallel_loop3A_132, %parallel_loop3A_136 : vector<16xf32>
      %parallel_loop3A_138 = arith.subf %parallel_loop3A_120, %parallel_loop3A_116 : vector<16xf32>
      %parallel_loop3A_139 = arith.subf %parallel_loop3A_138, %parallel_loop3A_128 : vector<16xf32>
      %parallel_loop3A_140 = arith.subf %parallel_loop3A_139, %parallel_loop3A_137 : vector<16xf32>
      %parallel_loop3A_141 = arith.constant 48 : i32
      %parallel_loop3A_142 = arith.muli %parallel_loop3A_102, %parallel_loop3A_141 : i32
      %parallel_loop3A_143 = arith.constant 0 : i32
      %parallel_loop3A_144 = arith.addi %parallel_loop3A_142, %parallel_loop3A_143 : i32
      %parallel_loop3A_145 = arith.index_cast %parallel_loop3A_144 : i32 to index
      %parallel_loop3A_146 = tpu.vector_load %arg8[%parallel_loop3A_145] {strides = array<i32>} : memref<6144xf32, #tpu.memory_space<vmem>>, vector<16xf32>,
      tpu.vector_store %arg8[%parallel_loop3A_145], %parallel_loop3A_116 {strides = array<i32>} : memref<6144xf32, #tpu.memory_space<vmem>>, vector<16xf32>,
      %parallel_loop3A_147 = arith.index_cast %parallel_loop3A_144 : i32 to index
      %parallel_loop3A_148 = tpu.vector_load %arg9[%parallel_loop3A_147] {strides = array<i32>} : memref<6144xf32, #tpu.memory_space<vmem>>, vector<16xf32>,
      tpu.vector_store %arg9[%parallel_loop3A_147], %parallel_loop3A_128 {strides = array<i32>} : memref<6144xf32, #tpu.memory_space<vmem>>, vector<16xf32>,
      %parallel_loop3A_149 = arith.index_cast %parallel_loop3A_144 : i32 to index
      %parallel_loop3A_150 = tpu.vector_load %arg10[%parallel_loop3A_149] {strides = array<i32>} : memref<6144xf32, #tpu.memory_space<vmem>>, vector<16xf32>,
      tpu.vector_store %arg10[%parallel_loop3A_149], %parallel_loop3A_140 {strides = array<i32>} : memref<6144xf32, #tpu.memory_space<vmem>>, vector<16xf32>,
      %parallel_loop3A_151 = arith.index_cast %parallel_loop3A_144 : i32 to index
      %parallel_loop3A_152 = tpu.vector_load %arg11[%parallel_loop3A_151] {strides = array<i32>} : memref<6144xf32, #tpu.memory_space<vmem>>, vector<16xf32>,
      tpu.vector_store %arg11[%parallel_loop3A_151], %parallel_loop3A_137 {strides = array<i32>} : memref<6144xf32, #tpu.memory_space<vmem>>, vector<16xf32>,
      %parallel_loop3A_153 = arith.constant 50 : i32
      %parallel_loop3A_154 = arith.muli %parallel_loop3A_102, %parallel_loop3A_153 : i32
      %parallel_loop3A_155 = arith.constant 16 : i32
      %parallel_loop3A_156 = arith.addi %parallel_loop3A_154, %parallel_loop3A_155 : i32
      %parallel_loop3A_157 = vector.broadcast %parallel_loop3A_156 : i32 to vector<16xi32>
      %parallel_loop3A_158 = arith.addi %parallel_loop3A_157, %iota3A : vector<16xi32>
      %parallel_loop3A_159 = arith.constant 6396 : i32
      %parallel_loop3A_160 = vector.broadcast %parallel_loop3A_159 : i32 to vector<16xi32>
      %parallel_loop3A_161 = arith.minsi %parallel_loop3A_158, %parallel_loop3A_160 : vector<16xi32>
      %parallel_loop3A_162 = tpu.vector_load_idx %arg7[%parallel_loop3A_161] : memref<6400xf32, #tpu.memory_space<vmem>>[vector<16xi32>], vector<16xf32>,
      %parallel_loop3A_163 = arith.constant 1 : i32
      %parallel_loop3A_164 = vector.broadcast %parallel_loop3A_163 : i32 to vector<16xi32>
      %parallel_loop3A_165 = arith.addi %parallel_loop3A_161, %parallel_loop3A_164 : vector<16xi32>
      %parallel_loop3A_166 = tpu.vector_load_idx %arg7[%parallel_loop3A_165] : memref<6400xf32, #tpu.memory_space<vmem>>[vector<16xi32>], vector<16xf32>,
      %parallel_loop3A_167 = arith.constant 2 : i32
      %parallel_loop3A_168 = vector.broadcast %parallel_loop3A_167 : i32 to vector<16xi32>
      %parallel_loop3A_169 = arith.addi %parallel_loop3A_161, %parallel_loop3A_168 : vector<16xi32>
      %parallel_loop3A_170 = tpu.vector_load_idx %arg7[%parallel_loop3A_169] : memref<6400xf32, #tpu.memory_space<vmem>>[vector<16xi32>], vector<16xf32>,
      %parallel_loop3A_171 = arith.constant 3 : i32
      %parallel_loop3A_172 = vector.broadcast %parallel_loop3A_171 : i32 to vector<16xi32>
      %parallel_loop3A_173 = arith.addi %parallel_loop3A_161, %parallel_loop3A_172 : vector<16xi32>
      %parallel_loop3A_174 = tpu.vector_load_idx %arg7[%parallel_loop3A_173] : memref<6400xf32, #tpu.memory_space<vmem>>[vector<16xi32>], vector<16xf32>,
      %parallel_loop3A_175 = arith.subf %parallel_loop3A_170, %parallel_loop3A_162 : vector<16xf32>
      %parallel_loop3A_176 = arith.constant 5.000000e-01 : f32
      %parallel_loop3A_177 = vector.broadcast %parallel_loop3A_176 : f32 to vector<16xf32>
      %parallel_loop3A_178 = arith.mulf %parallel_loop3A_177, %parallel_loop3A_175 : vector<16xf32>
      %parallel_loop3A_179 = arith.subf %parallel_loop3A_174, %parallel_loop3A_162 : vector<16xf32>
      %parallel_loop3A_180 = arith.constant 5.000000e-01 : f32
      %parallel_loop3A_181 = vector.broadcast %parallel_loop3A_180 : f32 to vector<16xf32>
      %parallel_loop3A_182 = arith.mulf %parallel_loop3A_181, %parallel_loop3A_179 : vector<16xf32>
      %parallel_loop3A_183 = arith.subf %parallel_loop3A_166, %parallel_loop3A_170 : vector<16xf32>
      %parallel_loop3A_184 = arith.constant 1.500000e+00 : f32
      %parallel_loop3A_185 = vector.broadcast %parallel_loop3A_184 : f32 to vector<16xf32>
      %parallel_loop3A_186 = arith.mulf %parallel_loop3A_185, %parallel_loop3A_183 : vector<16xf32>
      %parallel_loop3A_187 = arith.addf %parallel_loop3A_182, %parallel_loop3A_186 : vector<16xf32>
      %parallel_loop3A_188 = arith.subf %parallel_loop3A_170, %parallel_loop3A_166 : vector<16xf32>
      %parallel_loop3A_189 = arith.subf %parallel_loop3A_188, %parallel_loop3A_178 : vector<16xf32>
      %parallel_loop3A_190 = arith.subf %parallel_loop3A_189, %parallel_loop3A_187 : vector<16xf32>
      %parallel_loop3A_191 = arith.constant 48 : i32
      %parallel_loop3A_192 = arith.muli %parallel_loop3A_102, %parallel_loop3A_191 : i32
      %parallel_loop3A_193 = arith.constant 16 : i32
      %parallel_loop3A_194 = arith.addi %parallel_loop3A_192, %parallel_loop3A_193 : i32
      %parallel_loop3A_195 = arith.index_cast %parallel_loop3A_194 : i32 to index
      %parallel_loop3A_196 = tpu.vector_load %arg8[%parallel_loop3A_195] {strides = array<i32>} : memref<6144xf32, #tpu.memory_space<vmem>>, vector<16xf32>,
      tpu.vector_store %arg8[%parallel_loop3A_195], %parallel_loop3A_166 {strides = array<i32>} : memref<6144xf32, #tpu.memory_space<vmem>>, vector<16xf32>,
      %parallel_loop3A_197 = arith.index_cast %parallel_loop3A_194 : i32 to index
      %parallel_loop3A_198 = tpu.vector_load %arg9[%parallel_loop3A_197] {strides = array<i32>} : memref<6144xf32, #tpu.memory_space<vmem>>, vector<16xf32>,
      tpu.vector_store %arg9[%parallel_loop3A_197], %parallel_loop3A_178 {strides = array<i32>} : memref<6144xf32, #tpu.memory_space<vmem>>, vector<16xf32>,
      %parallel_loop3A_199 = arith.index_cast %parallel_loop3A_194 : i32 to index
      %parallel_loop3A_200 = tpu.vector_load %arg10[%parallel_loop3A_199] {strides = array<i32>} : memref<6144xf32, #tpu.memory_space<vmem>>, vector<16xf32>,
      tpu.vector_store %arg10[%parallel_loop3A_199], %parallel_loop3A_190 {strides = array<i32>} : memref<6144xf32, #tpu.memory_space<vmem>>, vector<16xf32>,
      %parallel_loop3A_201 = arith.index_cast %parallel_loop3A_194 : i32 to index
      %parallel_loop3A_202 = tpu.vector_load %arg11[%parallel_loop3A_201] {strides = array<i32>} : memref<6144xf32, #tpu.memory_space<vmem>>, vector<16xf32>,
      tpu.vector_store %arg11[%parallel_loop3A_201], %parallel_loop3A_187 {strides = array<i32>} : memref<6144xf32, #tpu.memory_space<vmem>>, vector<16xf32>,
      %parallel_loop3A_203 = arith.constant 50 : i32
      %parallel_loop3A_204 = arith.muli %parallel_loop3A_102, %parallel_loop3A_203 : i32
      %parallel_loop3A_205 = arith.constant 32 : i32
      %parallel_loop3A_206 = arith.addi %parallel_loop3A_204, %parallel_loop3A_205 : i32
      %parallel_loop3A_207 = vector.broadcast %parallel_loop3A_206 : i32 to vector<16xi32>
      %parallel_loop3A_208 = arith.addi %parallel_loop3A_207, %iota3A : vector<16xi32>
      %parallel_loop3A_209 = arith.constant 6396 : i32
      %parallel_loop3A_210 = vector.broadcast %parallel_loop3A_209 : i32 to vector<16xi32>
      %parallel_loop3A_211 = arith.minsi %parallel_loop3A_208, %parallel_loop3A_210 : vector<16xi32>
      %parallel_loop3A_212 = tpu.vector_load_idx %arg7[%parallel_loop3A_211] : memref<6400xf32, #tpu.memory_space<vmem>>[vector<16xi32>], vector<16xf32>,
      %parallel_loop3A_213 = arith.constant 1 : i32
      %parallel_loop3A_214 = vector.broadcast %parallel_loop3A_213 : i32 to vector<16xi32>
      %parallel_loop3A_215 = arith.addi %parallel_loop3A_211, %parallel_loop3A_214 : vector<16xi32>
      %parallel_loop3A_216 = tpu.vector_load_idx %arg7[%parallel_loop3A_215] : memref<6400xf32, #tpu.memory_space<vmem>>[vector<16xi32>], vector<16xf32>,
      %parallel_loop3A_217 = arith.constant 2 : i32
      %parallel_loop3A_218 = vector.broadcast %parallel_loop3A_217 : i32 to vector<16xi32>
      %parallel_loop3A_219 = arith.addi %parallel_loop3A_211, %parallel_loop3A_218 : vector<16xi32>
      %parallel_loop3A_220 = tpu.vector_load_idx %arg7[%parallel_loop3A_219] : memref<6400xf32, #tpu.memory_space<vmem>>[vector<16xi32>], vector<16xf32>,
      %parallel_loop3A_221 = arith.constant 3 : i32
      %parallel_loop3A_222 = vector.broadcast %parallel_loop3A_221 : i32 to vector<16xi32>
      %parallel_loop3A_223 = arith.addi %parallel_loop3A_211, %parallel_loop3A_222 : vector<16xi32>
      %parallel_loop3A_224 = tpu.vector_load_idx %arg7[%parallel_loop3A_223] : memref<6400xf32, #tpu.memory_space<vmem>>[vector<16xi32>], vector<16xf32>,
      %parallel_loop3A_225 = arith.subf %parallel_loop3A_220, %parallel_loop3A_212 : vector<16xf32>
      %parallel_loop3A_226 = arith.constant 5.000000e-01 : f32
      %parallel_loop3A_227 = vector.broadcast %parallel_loop3A_226 : f32 to vector<16xf32>
      %parallel_loop3A_228 = arith.mulf %parallel_loop3A_227, %parallel_loop3A_225 : vector<16xf32>
      %parallel_loop3A_229 = arith.subf %parallel_loop3A_224, %parallel_loop3A_212 : vector<16xf32>
      %parallel_loop3A_230 = arith.constant 5.000000e-01 : f32
      %parallel_loop3A_231 = vector.broadcast %parallel_loop3A_230 : f32 to vector<16xf32>
      %parallel_loop3A_232 = arith.mulf %parallel_loop3A_231, %parallel_loop3A_229 : vector<16xf32>
      %parallel_loop3A_233 = arith.subf %parallel_loop3A_216, %parallel_loop3A_220 : vector<16xf32>
      %parallel_loop3A_234 = arith.constant 1.500000e+00 : f32
      %parallel_loop3A_235 = vector.broadcast %parallel_loop3A_234 : f32 to vector<16xf32>
      %parallel_loop3A_236 = arith.mulf %parallel_loop3A_235, %parallel_loop3A_233 : vector<16xf32>
      %parallel_loop3A_237 = arith.addf %parallel_loop3A_232, %parallel_loop3A_236 : vector<16xf32>
      %parallel_loop3A_238 = arith.subf %parallel_loop3A_220, %parallel_loop3A_216 : vector<16xf32>
      %parallel_loop3A_239 = arith.subf %parallel_loop3A_238, %parallel_loop3A_228 : vector<16xf32>
      %parallel_loop3A_240 = arith.subf %parallel_loop3A_239, %parallel_loop3A_237 : vector<16xf32>
      %parallel_loop3A_241 = arith.constant 48 : i32
      %parallel_loop3A_242 = arith.muli %parallel_loop3A_102, %parallel_loop3A_241 : i32
      %parallel_loop3A_243 = arith.constant 32 : i32
      %parallel_loop3A_244 = arith.addi %parallel_loop3A_242, %parallel_loop3A_243 : i32
      %parallel_loop3A_245 = arith.index_cast %parallel_loop3A_244 : i32 to index
      %parallel_loop3A_246 = tpu.vector_load %arg8[%parallel_loop3A_245] {strides = array<i32>} : memref<6144xf32, #tpu.memory_space<vmem>>, vector<16xf32>,
      tpu.vector_store %arg8[%parallel_loop3A_245], %parallel_loop3A_216 {strides = array<i32>} : memref<6144xf32, #tpu.memory_space<vmem>>, vector<16xf32>,
      %parallel_loop3A_247 = arith.index_cast %parallel_loop3A_244 : i32 to index
      %parallel_loop3A_248 = tpu.vector_load %arg9[%parallel_loop3A_247] {strides = array<i32>} : memref<6144xf32, #tpu.memory_space<vmem>>, vector<16xf32>,
      tpu.vector_store %arg9[%parallel_loop3A_247], %parallel_loop3A_228 {strides = array<i32>} : memref<6144xf32, #tpu.memory_space<vmem>>, vector<16xf32>,
      %parallel_loop3A_249 = arith.index_cast %parallel_loop3A_244 : i32 to index
      %parallel_loop3A_250 = tpu.vector_load %arg10[%parallel_loop3A_249] {strides = array<i32>} : memref<6144xf32, #tpu.memory_space<vmem>>, vector<16xf32>,
      tpu.vector_store %arg10[%parallel_loop3A_249], %parallel_loop3A_240 {strides = array<i32>} : memref<6144xf32, #tpu.memory_space<vmem>>, vector<16xf32>,
      %parallel_loop3A_251 = arith.index_cast %parallel_loop3A_244 : i32 to index
      %parallel_loop3A_252 = tpu.vector_load %arg11[%parallel_loop3A_251] {strides = array<i32>} : memref<6144xf32, #tpu.memory_space<vmem>>, vector<16xf32>,
      tpu.vector_store %arg11[%parallel_loop3A_251], %parallel_loop3A_237 {strides = array<i32>} : memref<6144xf32, #tpu.memory_space<vmem>>, vector<16xf32>,
    } {sc.loop_unroll_factor = 1 : i64, sc.parallel_access}
    %add3A_6 = arith.constant 0 : i32
    %add3A_7 = vector.broadcast %add3A_6 : i32 to vector<16xi32>
    %add3A_8 = arith.addi %iota3A, %add3A_7 : vector<16xi32>
    %mul3A_9 = arith.constant 48 : i32
    %mul3A_10 = vector.broadcast %mul3A_9 : i32 to vector<16xi32>
    %mul3A_11 = arith.muli %add3A_8, %mul3A_10 : vector<16xi32>
    %sub3A = arith.constant 1 : i32
    %sub3A_12 = vector.broadcast %sub3A : i32 to vector<16xi32>
    %sub3A_13 = arith.subi %mul3A_11, %sub3A_12 : vector<16xi32>
    %add3A_14 = arith.constant 16 : i32
    %add3A_15 = vector.broadcast %add3A_14 : i32 to vector<16xi32>
    %add3A_16 = arith.addi %iota3A, %add3A_15 : vector<16xi32>
    %mul3A_17 = arith.constant 48 : i32
    %mul3A_18 = vector.broadcast %mul3A_17 : i32 to vector<16xi32>
    %mul3A_19 = arith.muli %add3A_16, %mul3A_18 : vector<16xi32>
    %sub3A_20 = arith.constant 1 : i32
    %sub3A_21 = vector.broadcast %sub3A_20 : i32 to vector<16xi32>
    %sub3A_22 = arith.subi %mul3A_19, %sub3A_21 : vector<16xi32>
    %add3A_23 = arith.constant 32 : i32
    %add3A_24 = vector.broadcast %add3A_23 : i32 to vector<16xi32>
    %add3A_25 = arith.addi %iota3A, %add3A_24 : vector<16xi32>
    %mul3A_26 = arith.constant 48 : i32
    %mul3A_27 = vector.broadcast %mul3A_26 : i32 to vector<16xi32>
    %mul3A_28 = arith.muli %add3A_25, %mul3A_27 : vector<16xi32>
    %sub3A_29 = arith.constant 1 : i32
    %sub3A_30 = vector.broadcast %sub3A_29 : i32 to vector<16xi32>
    %sub3A_31 = arith.subi %mul3A_28, %sub3A_30 : vector<16xi32>
    %add3A_32 = arith.constant 48 : i32
    %add3A_33 = vector.broadcast %add3A_32 : i32 to vector<16xi32>
    %add3A_34 = arith.addi %iota3A, %add3A_33 : vector<16xi32>
    %mul3A_35 = arith.constant 48 : i32
    %mul3A_36 = vector.broadcast %mul3A_35 : i32 to vector<16xi32>
    %mul3A_37 = arith.muli %add3A_34, %mul3A_36 : vector<16xi32>
    %sub3A_38 = arith.constant 1 : i32
    %sub3A_39 = vector.broadcast %sub3A_38 : i32 to vector<16xi32>
    %sub3A_40 = arith.subi %mul3A_37, %sub3A_39 : vector<16xi32>
    %add3A_41 = arith.constant 64 : i32
    %add3A_42 = vector.broadcast %add3A_41 : i32 to vector<16xi32>
    %add3A_43 = arith.addi %iota3A, %add3A_42 : vector<16xi32>
    %mul3A_44 = arith.constant 48 : i32
    %mul3A_45 = vector.broadcast %mul3A_44 : i32 to vector<16xi32>
    %mul3A_46 = arith.muli %add3A_43, %mul3A_45 : vector<16xi32>
    %sub3A_47 = arith.constant 1 : i32
    %sub3A_48 = vector.broadcast %sub3A_47 : i32 to vector<16xi32>
    %sub3A_49 = arith.subi %mul3A_46, %sub3A_48 : vector<16xi32>
    %add3A_50 = arith.constant 80 : i32
    %add3A_51 = vector.broadcast %add3A_50 : i32 to vector<16xi32>
    %add3A_52 = arith.addi %iota3A, %add3A_51 : vector<16xi32>
    %mul3A_53 = arith.constant 48 : i32
    %mul3A_54 = vector.broadcast %mul3A_53 : i32 to vector<16xi32>
    %mul3A_55 = arith.muli %add3A_52, %mul3A_54 : vector<16xi32>
    %sub3A_56 = arith.constant 1 : i32
    %sub3A_57 = vector.broadcast %sub3A_56 : i32 to vector<16xi32>
    %sub3A_58 = arith.subi %mul3A_55, %sub3A_57 : vector<16xi32>
    %add3A_59 = arith.constant 96 : i32
    %add3A_60 = vector.broadcast %add3A_59 : i32 to vector<16xi32>
    %add3A_61 = arith.addi %iota3A, %add3A_60 : vector<16xi32>
    %mul3A_62 = arith.constant 48 : i32
    %mul3A_63 = vector.broadcast %mul3A_62 : i32 to vector<16xi32>
    %mul3A_64 = arith.muli %add3A_61, %mul3A_63 : vector<16xi32>
    %sub3A_65 = arith.constant 1 : i32
    %sub3A_66 = vector.broadcast %sub3A_65 : i32 to vector<16xi32>
    %sub3A_67 = arith.subi %mul3A_64, %sub3A_66 : vector<16xi32>
    %add3A_68 = arith.constant 112 : i32
    %add3A_69 = vector.broadcast %add3A_68 : i32 to vector<16xi32>
    %add3A_70 = arith.addi %iota3A, %add3A_69 : vector<16xi32>
    %mul3A_71 = arith.constant 48 : i32
    %mul3A_72 = vector.broadcast %mul3A_71 : i32 to vector<16xi32>
    %mul3A_73 = arith.muli %add3A_70, %mul3A_72 : vector<16xi32>
    %sub3A_74 = arith.constant 1 : i32
    %sub3A_75 = vector.broadcast %sub3A_74 : i32 to vector<16xi32>
    %sub3A_76 = arith.subi %mul3A_73, %sub3A_75 : vector<16xi32>
    %add3A_77 = arith.constant 32768 : i32
    %add3A_78 = arith.addi %mul3A_2, %add3A_77 : i32
    %dma_start3A_79 = tpu.memref_slice %arg2[%add3A_78] : memref<2097152xf32, #tpu.memory_space<hbm>> -> memref<32768xf32, #tpu.memory_space<hbm>>
    %dma_start3A_80 = tpu.memref_slice %arg2[%add3A_78] : memref<2097152xf32, #tpu.memory_space<hbm>> -> memref<32768xf32, #tpu.memory_space<hbm>>
    tpu.enqueue_dma source(%dma_start3A_80 : memref<32768xf32, #tpu.memory_space<hbm>>) target(%arg6 : memref<32768xf32, #tpu.memory_space<vmem>>) target_semaphore(%arg14 : memref<!tpu.dma_semaphore, #tpu.memory_space<semaphore_mem>>)
    %dma_wait3A = tpu.memref_slice %arg2[%mul3A_2] : memref<2097152xf32, #tpu.memory_space<hbm>> -> memref<32768xf32, #tpu.memory_space<hbm>>
    %dma_wait3A_81 = tpu.memref_slice %arg2[%mul3A_2] : memref<2097152xf32, #tpu.memory_space<hbm>> -> memref<32768xf32, #tpu.memory_space<hbm>>
    tpu.wait_dma2 semaphore(%arg13 : memref<!tpu.dma_semaphore, #tpu.memory_space<semaphore_mem>>) src(%dma_wait3A_81 : memref<32768xf32, #tpu.memory_space<hbm>>) dst(%arg5 : memref<32768xf32, #tpu.memory_space<vmem>>)
    %parallel_loop3A_82 = arith.constant 0 : i32
    %parallel_loop3A_83 = arith.constant 256 : i32
    %parallel_loop3A_84 = arith.constant 1 : i32
    scf.for %parallel_loop3A_102 = %parallel_loop3A_82 to %parallel_loop3A_83 step %parallel_loop3A_84  : i32 {
      %parallel_loop3A_103 = arith.constant 128 : i32
      %parallel_loop3A_104 = arith.muli %parallel_loop3A_102, %parallel_loop3A_103 : i32
      %parallel_loop3A_105 = arith.constant 0 : i32
      %parallel_loop3A_106 = arith.addi %parallel_loop3A_104, %parallel_loop3A_105 : i32
      %parallel_loop3A_107 = arith.index_cast %parallel_loop3A_106 : i32 to index
      %parallel_loop3A_108 = tpu.vector_load %arg5[%parallel_loop3A_107] {strides = array<i32>} : memref<32768xf32, #tpu.memory_space<vmem>>, vector<16xf32>,
      %parallel_loop3A_109 = arith.constant 2.450000e+00 : f32
      %parallel_loop3A_110 = vector.broadcast %parallel_loop3A_109 : f32 to vector<16xf32>
      %parallel_loop3A_111 = arith.mulf %parallel_loop3A_108, %parallel_loop3A_110 : vector<16xf32>
      %parallel_loop3A_112 = arith.constant 2.450000e+01 : f32
      %parallel_loop3A_113 = vector.broadcast %parallel_loop3A_112 : f32 to vector<16xf32>
      %parallel_loop3A_114 = arith.addf %parallel_loop3A_111, %parallel_loop3A_113 : vector<16xf32>
      %parallel_loop3A_115 = arith.constant 1.000000e+00 : f32
      %parallel_loop3A_116 = vector.broadcast %parallel_loop3A_115 : f32 to vector<16xf32>
      %parallel_loop3A_117 = arith.maximumf %parallel_loop3A_114, %parallel_loop3A_116 : vector<16xf32>
      %parallel_loop3A_118 = arith.constant 4.700000e+01 : f32
      %parallel_loop3A_119 = vector.broadcast %parallel_loop3A_118 : f32 to vector<16xf32>
      %parallel_loop3A_120 = arith.minimumf %parallel_loop3A_117, %parallel_loop3A_119 : vector<16xf32>
      %parallel_loop3A_121 = arith.fptosi %parallel_loop3A_120 : vector<16xf32> to vector<16xi32>
      %parallel_loop3A_122 = arith.sitofp %parallel_loop3A_121 : vector<16xi32> to vector<16xf32>
      %parallel_loop3A_123 = arith.subf %parallel_loop3A_114, %parallel_loop3A_122 : vector<16xf32>
      %parallel_loop3A_124 = arith.addi %sub3A_13, %parallel_loop3A_121 : vector<16xi32>
      %parallel_loop3A_125 = tpu.vector_load_idx %arg8[%parallel_loop3A_124] : memref<6144xf32, #tpu.memory_space<vmem>>[vector<16xi32>], vector<16xf32>,
      %parallel_loop3A_126 = tpu.vector_load_idx %arg9[%parallel_loop3A_124] : memref<6144xf32, #tpu.memory_space<vmem>>[vector<16xi32>], vector<16xf32>,
      %parallel_loop3A_127 = tpu.vector_load_idx %arg10[%parallel_loop3A_124] : memref<6144xf32, #tpu.memory_space<vmem>>[vector<16xi32>], vector<16xf32>,
      %parallel_loop3A_128 = tpu.vector_load_idx %arg11[%parallel_loop3A_124] : memref<6144xf32, #tpu.memory_space<vmem>>[vector<16xi32>], vector<16xf32>,
      %parallel_loop3A_129 = arith.mulf %parallel_loop3A_128, %parallel_loop3A_123 : vector<16xf32>
      %parallel_loop3A_130 = arith.addf %parallel_loop3A_129, %parallel_loop3A_127 : vector<16xf32>
      %parallel_loop3A_131 = arith.mulf %parallel_loop3A_130, %parallel_loop3A_123 : vector<16xf32>
      %parallel_loop3A_132 = arith.addf %parallel_loop3A_131, %parallel_loop3A_126 : vector<16xf32>
      %parallel_loop3A_133 = arith.mulf %parallel_loop3A_132, %parallel_loop3A_123 : vector<16xf32>
      %parallel_loop3A_134 = arith.addf %parallel_loop3A_133, %parallel_loop3A_125 : vector<16xf32>
      %parallel_loop3A_135 = arith.index_cast %parallel_loop3A_106 : i32 to index
      %parallel_loop3A_136 = tpu.vector_load %arg5[%parallel_loop3A_135] {strides = array<i32>} : memref<32768xf32, #tpu.memory_space<vmem>>, vector<16xf32>,
      tpu.vector_store %arg5[%parallel_loop3A_135], %parallel_loop3A_134 {strides = array<i32>} : memref<32768xf32, #tpu.memory_space<vmem>>, vector<16xf32>,
      %parallel_loop3A_137 = arith.constant 16 : i32
      %parallel_loop3A_138 = arith.addi %parallel_loop3A_104, %parallel_loop3A_137 : i32
      %parallel_loop3A_139 = arith.index_cast %parallel_loop3A_138 : i32 to index
      %parallel_loop3A_140 = tpu.vector_load %arg5[%parallel_loop3A_139] {strides = array<i32>} : memref<32768xf32, #tpu.memory_space<vmem>>, vector<16xf32>,
      %parallel_loop3A_141 = arith.constant 2.450000e+00 : f32
      %parallel_loop3A_142 = vector.broadcast %parallel_loop3A_141 : f32 to vector<16xf32>
      %parallel_loop3A_143 = arith.mulf %parallel_loop3A_140, %parallel_loop3A_142 : vector<16xf32>
      %parallel_loop3A_144 = arith.constant 2.450000e+01 : f32
      %parallel_loop3A_145 = vector.broadcast %parallel_loop3A_144 : f32 to vector<16xf32>
      %parallel_loop3A_146 = arith.addf %parallel_loop3A_143, %parallel_loop3A_145 : vector<16xf32>
      %parallel_loop3A_147 = arith.constant 1.000000e+00 : f32
      %parallel_loop3A_148 = vector.broadcast %parallel_loop3A_147 : f32 to vector<16xf32>
      %parallel_loop3A_149 = arith.maximumf %parallel_loop3A_146, %parallel_loop3A_148 : vector<16xf32>
      %parallel_loop3A_150 = arith.constant 4.700000e+01 : f32
      %parallel_loop3A_151 = vector.broadcast %parallel_loop3A_150 : f32 to vector<16xf32>
      %parallel_loop3A_152 = arith.minimumf %parallel_loop3A_149, %parallel_loop3A_151 : vector<16xf32>
      %parallel_loop3A_153 = arith.fptosi %parallel_loop3A_152 : vector<16xf32> to vector<16xi32>
      %parallel_loop3A_154 = arith.sitofp %parallel_loop3A_153 : vector<16xi32> to vector<16xf32>
      %parallel_loop3A_155 = arith.subf %parallel_loop3A_146, %parallel_loop3A_154 : vector<16xf32>
      %parallel_loop3A_156 = arith.addi %sub3A_22, %parallel_loop3A_153 : vector<16xi32>
      %parallel_loop3A_157 = tpu.vector_load_idx %arg8[%parallel_loop3A_156] : memref<6144xf32, #tpu.memory_space<vmem>>[vector<16xi32>], vector<16xf32>,
      %parallel_loop3A_158 = tpu.vector_load_idx %arg9[%parallel_loop3A_156] : memref<6144xf32, #tpu.memory_space<vmem>>[vector<16xi32>], vector<16xf32>,
      %parallel_loop3A_159 = tpu.vector_load_idx %arg10[%parallel_loop3A_156] : memref<6144xf32, #tpu.memory_space<vmem>>[vector<16xi32>], vector<16xf32>,
      %parallel_loop3A_160 = tpu.vector_load_idx %arg11[%parallel_loop3A_156] : memref<6144xf32, #tpu.memory_space<vmem>>[vector<16xi32>], vector<16xf32>,
      %parallel_loop3A_161 = arith.mulf %parallel_loop3A_160, %parallel_loop3A_155 : vector<16xf32>
      %parallel_loop3A_162 = arith.addf %parallel_loop3A_161, %parallel_loop3A_159 : vector<16xf32>
      %parallel_loop3A_163 = arith.mulf %parallel_loop3A_162, %parallel_loop3A_155 : vector<16xf32>
      %parallel_loop3A_164 = arith.addf %parallel_loop3A_163, %parallel_loop3A_158 : vector<16xf32>
      %parallel_loop3A_165 = arith.mulf %parallel_loop3A_164, %parallel_loop3A_155 : vector<16xf32>
      %parallel_loop3A_166 = arith.addf %parallel_loop3A_165, %parallel_loop3A_157 : vector<16xf32>
      %parallel_loop3A_167 = arith.index_cast %parallel_loop3A_138 : i32 to index
      %parallel_loop3A_168 = tpu.vector_load %arg5[%parallel_loop3A_167] {strides = array<i32>} : memref<32768xf32, #tpu.memory_space<vmem>>, vector<16xf32>,
      tpu.vector_store %arg5[%parallel_loop3A_167], %parallel_loop3A_166 {strides = array<i32>} : memref<32768xf32, #tpu.memory_space<vmem>>, vector<16xf32>,
      %parallel_loop3A_169 = arith.constant 32 : i32
      %parallel_loop3A_170 = arith.addi %parallel_loop3A_104, %parallel_loop3A_169 : i32
      %parallel_loop3A_171 = arith.index_cast %parallel_loop3A_170 : i32 to index
      %parallel_loop3A_172 = tpu.vector_load %arg5[%parallel_loop3A_171] {strides = array<i32>} : memref<32768xf32, #tpu.memory_space<vmem>>, vector<16xf32>,
      %parallel_loop3A_173 = arith.constant 2.450000e+00 : f32
      %parallel_loop3A_174 = vector.broadcast %parallel_loop3A_173 : f32 to vector<16xf32>
      %parallel_loop3A_175 = arith.mulf %parallel_loop3A_172, %parallel_loop3A_174 : vector<16xf32>
      %parallel_loop3A_176 = arith.constant 2.450000e+01 : f32
      %parallel_loop3A_177 = vector.broadcast %parallel_loop3A_176 : f32 to vector<16xf32>
      %parallel_loop3A_178 = arith.addf %parallel_loop3A_175, %parallel_loop3A_177 : vector<16xf32>
      %parallel_loop3A_179 = arith.constant 1.000000e+00 : f32
      %parallel_loop3A_180 = vector.broadcast %parallel_loop3A_179 : f32 to vector<16xf32>
      %parallel_loop3A_181 = arith.maximumf %parallel_loop3A_178, %parallel_loop3A_180 : vector<16xf32>
      %parallel_loop3A_182 = arith.constant 4.700000e+01 : f32
      %parallel_loop3A_183 = vector.broadcast %parallel_loop3A_182 : f32 to vector<16xf32>
      %parallel_loop3A_184 = arith.minimumf %parallel_loop3A_181, %parallel_loop3A_183 : vector<16xf32>
      %parallel_loop3A_185 = arith.fptosi %parallel_loop3A_184 : vector<16xf32> to vector<16xi32>
      %parallel_loop3A_186 = arith.sitofp %parallel_loop3A_185 : vector<16xi32> to vector<16xf32>
      %parallel_loop3A_187 = arith.subf %parallel_loop3A_178, %parallel_loop3A_186 : vector<16xf32>
      %parallel_loop3A_188 = arith.addi %sub3A_31, %parallel_loop3A_185 : vector<16xi32>
      %parallel_loop3A_189 = tpu.vector_load_idx %arg8[%parallel_loop3A_188] : memref<6144xf32, #tpu.memory_space<vmem>>[vector<16xi32>], vector<16xf32>,
      %parallel_loop3A_190 = tpu.vector_load_idx %arg9[%parallel_loop3A_188] : memref<6144xf32, #tpu.memory_space<vmem>>[vector<16xi32>], vector<16xf32>,
      %parallel_loop3A_191 = tpu.vector_load_idx %arg10[%parallel_loop3A_188] : memref<6144xf32, #tpu.memory_space<vmem>>[vector<16xi32>], vector<16xf32>,
      %parallel_loop3A_192 = tpu.vector_load_idx %arg11[%parallel_loop3A_188] : memref<6144xf32, #tpu.memory_space<vmem>>[vector<16xi32>], vector<16xf32>,
      %parallel_loop3A_193 = arith.mulf %parallel_loop3A_192, %parallel_loop3A_187 : vector<16xf32>
      %parallel_loop3A_194 = arith.addf %parallel_loop3A_193, %parallel_loop3A_191 : vector<16xf32>
      %parallel_loop3A_195 = arith.mulf %parallel_loop3A_194, %parallel_loop3A_187 : vector<16xf32>
      %parallel_loop3A_196 = arith.addf %parallel_loop3A_195, %parallel_loop3A_190 : vector<16xf32>
      %parallel_loop3A_197 = arith.mulf %parallel_loop3A_196, %parallel_loop3A_187 : vector<16xf32>
      %parallel_loop3A_198 = arith.addf %parallel_loop3A_197, %parallel_loop3A_189 : vector<16xf32>
      %parallel_loop3A_199 = arith.index_cast %parallel_loop3A_170 : i32 to index
      %parallel_loop3A_200 = tpu.vector_load %arg5[%parallel_loop3A_199] {strides = array<i32>} : memref<32768xf32, #tpu.memory_space<vmem>>, vector<16xf32>,
      tpu.vector_store %arg5[%parallel_loop3A_199], %parallel_loop3A_198 {strides = array<i32>} : memref<32768xf32, #tpu.memory_space<vmem>>, vector<16xf32>,
      %parallel_loop3A_201 = arith.constant 48 : i32
      %parallel_loop3A_202 = arith.addi %parallel_loop3A_104, %parallel_loop3A_201 : i32
      %parallel_loop3A_203 = arith.index_cast %parallel_loop3A_202 : i32 to index
      %parallel_loop3A_204 = tpu.vector_load %arg5[%parallel_loop3A_203] {strides = array<i32>} : memref<32768xf32, #tpu.memory_space<vmem>>, vector<16xf32>,
      %parallel_loop3A_205 = arith.constant 2.450000e+00 : f32
      %parallel_loop3A_206 = vector.broadcast %parallel_loop3A_205 : f32 to vector<16xf32>
      %parallel_loop3A_207 = arith.mulf %parallel_loop3A_204, %parallel_loop3A_206 : vector<16xf32>
      %parallel_loop3A_208 = arith.constant 2.450000e+01 : f32
      %parallel_loop3A_209 = vector.broadcast %parallel_loop3A_208 : f32 to vector<16xf32>
      %parallel_loop3A_210 = arith.addf %parallel_loop3A_207, %parallel_loop3A_209 : vector<16xf32>
      %parallel_loop3A_211 = arith.constant 1.000000e+00 : f32
      %parallel_loop3A_212 = vector.broadcast %parallel_loop3A_211 : f32 to vector<16xf32>
      %parallel_loop3A_213 = arith.maximumf %parallel_loop3A_210, %parallel_loop3A_212 : vector<16xf32>
      %parallel_loop3A_214 = arith.constant 4.700000e+01 : f32
      %parallel_loop3A_215 = vector.broadcast %parallel_loop3A_214 : f32 to vector<16xf32>
      %parallel_loop3A_216 = arith.minimumf %parallel_loop3A_213, %parallel_loop3A_215 : vector<16xf32>
      %parallel_loop3A_217 = arith.fptosi %parallel_loop3A_216 : vector<16xf32> to vector<16xi32>
      %parallel_loop3A_218 = arith.sitofp %parallel_loop3A_217 : vector<16xi32> to vector<16xf32>
      %parallel_loop3A_219 = arith.subf %parallel_loop3A_210, %parallel_loop3A_218 : vector<16xf32>
      %parallel_loop3A_220 = arith.addi %sub3A_40, %parallel_loop3A_217 : vector<16xi32>
      %parallel_loop3A_221 = tpu.vector_load_idx %arg8[%parallel_loop3A_220] : memref<6144xf32, #tpu.memory_space<vmem>>[vector<16xi32>], vector<16xf32>,
      %parallel_loop3A_222 = tpu.vector_load_idx %arg9[%parallel_loop3A_220] : memref<6144xf32, #tpu.memory_space<vmem>>[vector<16xi32>], vector<16xf32>,
      %parallel_loop3A_223 = tpu.vector_load_idx %arg10[%parallel_loop3A_220] : memref<6144xf32, #tpu.memory_space<vmem>>[vector<16xi32>], vector<16xf32>,
      %parallel_loop3A_224 = tpu.vector_load_idx %arg11[%parallel_loop3A_220] : memref<6144xf32, #tpu.memory_space<vmem>>[vector<16xi32>], vector<16xf32>,
      %parallel_loop3A_225 = arith.mulf %parallel_loop3A_224, %parallel_loop3A_219 : vector<16xf32>
      %parallel_loop3A_226 = arith.addf %parallel_loop3A_225, %parallel_loop3A_223 : vector<16xf32>
      %parallel_loop3A_227 = arith.mulf %parallel_loop3A_226, %parallel_loop3A_219 : vector<16xf32>
      %parallel_loop3A_228 = arith.addf %parallel_loop3A_227, %parallel_loop3A_222 : vector<16xf32>
      %parallel_loop3A_229 = arith.mulf %parallel_loop3A_228, %parallel_loop3A_219 : vector<16xf32>
      %parallel_loop3A_230 = arith.addf %parallel_loop3A_229, %parallel_loop3A_221 : vector<16xf32>
      %parallel_loop3A_231 = arith.index_cast %parallel_loop3A_202 : i32 to index
      %parallel_loop3A_232 = tpu.vector_load %arg5[%parallel_loop3A_231] {strides = array<i32>} : memref<32768xf32, #tpu.memory_space<vmem>>, vector<16xf32>,
      tpu.vector_store %arg5[%parallel_loop3A_231], %parallel_loop3A_230 {strides = array<i32>} : memref<32768xf32, #tpu.memory_space<vmem>>, vector<16xf32>,
      %parallel_loop3A_233 = arith.constant 64 : i32
      %parallel_loop3A_234 = arith.addi %parallel_loop3A_104, %parallel_loop3A_233 : i32
      %parallel_loop3A_235 = arith.index_cast %parallel_loop3A_234 : i32 to index
      %parallel_loop3A_236 = tpu.vector_load %arg5[%parallel_loop3A_235] {strides = array<i32>} : memref<32768xf32, #tpu.memory_space<vmem>>, vector<16xf32>,
      %parallel_loop3A_237 = arith.constant 2.450000e+00 : f32
      %parallel_loop3A_238 = vector.broadcast %parallel_loop3A_237 : f32 to vector<16xf32>
      %parallel_loop3A_239 = arith.mulf %parallel_loop3A_236, %parallel_loop3A_238 : vector<16xf32>
      %parallel_loop3A_240 = arith.constant 2.450000e+01 : f32
      %parallel_loop3A_241 = vector.broadcast %parallel_loop3A_240 : f32 to vector<16xf32>
      %parallel_loop3A_242 = arith.addf %parallel_loop3A_239, %parallel_loop3A_241 : vector<16xf32>
      %parallel_loop3A_243 = arith.constant 1.000000e+00 : f32
      %parallel_loop3A_244 = vector.broadcast %parallel_loop3A_243 : f32 to vector<16xf32>
      %parallel_loop3A_245 = arith.maximumf %parallel_loop3A_242, %parallel_loop3A_244 : vector<16xf32>
      %parallel_loop3A_246 = arith.constant 4.700000e+01 : f32
      %parallel_loop3A_247 = vector.broadcast %parallel_loop3A_246 : f32 to vector<16xf32>
      %parallel_loop3A_248 = arith.minimumf %parallel_loop3A_245, %parallel_loop3A_247 : vector<16xf32>
      %parallel_loop3A_249 = arith.fptosi %parallel_loop3A_248 : vector<16xf32> to vector<16xi32>
      %parallel_loop3A_250 = arith.sitofp %parallel_loop3A_249 : vector<16xi32> to vector<16xf32>
      %parallel_loop3A_251 = arith.subf %parallel_loop3A_242, %parallel_loop3A_250 : vector<16xf32>
      %parallel_loop3A_252 = arith.addi %sub3A_49, %parallel_loop3A_249 : vector<16xi32>
      %parallel_loop3A_253 = tpu.vector_load_idx %arg8[%parallel_loop3A_252] : memref<6144xf32, #tpu.memory_space<vmem>>[vector<16xi32>], vector<16xf32>,
      %parallel_loop3A_254 = tpu.vector_load_idx %arg9[%parallel_loop3A_252] : memref<6144xf32, #tpu.memory_space<vmem>>[vector<16xi32>], vector<16xf32>,
      %parallel_loop3A_255 = tpu.vector_load_idx %arg10[%parallel_loop3A_252] : memref<6144xf32, #tpu.memory_space<vmem>>[vector<16xi32>], vector<16xf32>,
      %parallel_loop3A_256 = tpu.vector_load_idx %arg11[%parallel_loop3A_252] : memref<6144xf32, #tpu.memory_space<vmem>>[vector<16xi32>], vector<16xf32>,
      %parallel_loop3A_257 = arith.mulf %parallel_loop3A_256, %parallel_loop3A_251 : vector<16xf32>
      %parallel_loop3A_258 = arith.addf %parallel_loop3A_257, %parallel_loop3A_255 : vector<16xf32>
      %parallel_loop3A_259 = arith.mulf %parallel_loop3A_258, %parallel_loop3A_251 : vector<16xf32>
      %parallel_loop3A_260 = arith.addf %parallel_loop3A_259, %parallel_loop3A_254 : vector<16xf32>
      %parallel_loop3A_261 = arith.mulf %parallel_loop3A_260, %parallel_loop3A_251 : vector<16xf32>
      %parallel_loop3A_262 = arith.addf %parallel_loop3A_261, %parallel_loop3A_253 : vector<16xf32>
      %parallel_loop3A_263 = arith.index_cast %parallel_loop3A_234 : i32 to index
      %parallel_loop3A_264 = tpu.vector_load %arg5[%parallel_loop3A_263] {strides = array<i32>} : memref<32768xf32, #tpu.memory_space<vmem>>, vector<16xf32>,
      tpu.vector_store %arg5[%parallel_loop3A_263], %parallel_loop3A_262 {strides = array<i32>} : memref<32768xf32, #tpu.memory_space<vmem>>, vector<16xf32>,
      %parallel_loop3A_265 = arith.constant 80 : i32
      %parallel_loop3A_266 = arith.addi %parallel_loop3A_104, %parallel_loop3A_265 : i32
      %parallel_loop3A_267 = arith.index_cast %parallel_loop3A_266 : i32 to index
      %parallel_loop3A_268 = tpu.vector_load %arg5[%parallel_loop3A_267] {strides = array<i32>} : memref<32768xf32, #tpu.memory_space<vmem>>, vector<16xf32>,
      %parallel_loop3A_269 = arith.constant 2.450000e+00 : f32
      %parallel_loop3A_270 = vector.broadcast %parallel_loop3A_269 : f32 to vector<16xf32>
      %parallel_loop3A_271 = arith.mulf %parallel_loop3A_268, %parallel_loop3A_270 : vector<16xf32>
      %parallel_loop3A_272 = arith.constant 2.450000e+01 : f32
      %parallel_loop3A_273 = vector.broadcast %parallel_loop3A_272 : f32 to vector<16xf32>
      %parallel_loop3A_274 = arith.addf %parallel_loop3A_271, %parallel_loop3A_273 : vector<16xf32>
      %parallel_loop3A_275 = arith.constant 1.000000e+00 : f32
      %parallel_loop3A_276 = vector.broadcast %parallel_loop3A_275 : f32 to vector<16xf32>
      %parallel_loop3A_277 = arith.maximumf %parallel_loop3A_274, %parallel_loop3A_276 : vector<16xf32>
      %parallel_loop3A_278 = arith.constant 4.700000e+01 : f32
      %parallel_loop3A_279 = vector.broadcast %parallel_loop3A_278 : f32 to vector<16xf32>
      %parallel_loop3A_280 = arith.minimumf %parallel_loop3A_277, %parallel_loop3A_279 : vector<16xf32>
      %parallel_loop3A_281 = arith.fptosi %parallel_loop3A_280 : vector<16xf32> to vector<16xi32>
      %parallel_loop3A_282 = arith.sitofp %parallel_loop3A_281 : vector<16xi32> to vector<16xf32>
      %parallel_loop3A_283 = arith.subf %parallel_loop3A_274, %parallel_loop3A_282 : vector<16xf32>
      %parallel_loop3A_284 = arith.addi %sub3A_58, %parallel_loop3A_281 : vector<16xi32>
      %parallel_loop3A_285 = tpu.vector_load_idx %arg8[%parallel_loop3A_284] : memref<6144xf32, #tpu.memory_space<vmem>>[vector<16xi32>], vector<16xf32>,
      %parallel_loop3A_286 = tpu.vector_load_idx %arg9[%parallel_loop3A_284] : memref<6144xf32, #tpu.memory_space<vmem>>[vector<16xi32>], vector<16xf32>,
      %parallel_loop3A_287 = tpu.vector_load_idx %arg10[%parallel_loop3A_284] : memref<6144xf32, #tpu.memory_space<vmem>>[vector<16xi32>], vector<16xf32>,
      %parallel_loop3A_288 = tpu.vector_load_idx %arg11[%parallel_loop3A_284] : memref<6144xf32, #tpu.memory_space<vmem>>[vector<16xi32>], vector<16xf32>,
      %parallel_loop3A_289 = arith.mulf %parallel_loop3A_288, %parallel_loop3A_283 : vector<16xf32>
      %parallel_loop3A_290 = arith.addf %parallel_loop3A_289, %parallel_loop3A_287 : vector<16xf32>
      %parallel_loop3A_291 = arith.mulf %parallel_loop3A_290, %parallel_loop3A_283 : vector<16xf32>
      %parallel_loop3A_292 = arith.addf %parallel_loop3A_291, %parallel_loop3A_286 : vector<16xf32>
      %parallel_loop3A_293 = arith.mulf %parallel_loop3A_292, %parallel_loop3A_283 : vector<16xf32>
      %parallel_loop3A_294 = arith.addf %parallel_loop3A_293, %parallel_loop3A_285 : vector<16xf32>
      %parallel_loop3A_295 = arith.index_cast %parallel_loop3A_266 : i32 to index
      %parallel_loop3A_296 = tpu.vector_load %arg5[%parallel_loop3A_295] {strides = array<i32>} : memref<32768xf32, #tpu.memory_space<vmem>>, vector<16xf32>,
      tpu.vector_store %arg5[%parallel_loop3A_295], %parallel_loop3A_294 {strides = array<i32>} : memref<32768xf32, #tpu.memory_space<vmem>>, vector<16xf32>,
      %parallel_loop3A_297 = arith.constant 96 : i32
      %parallel_loop3A_298 = arith.addi %parallel_loop3A_104, %parallel_loop3A_297 : i32
      %parallel_loop3A_299 = arith.index_cast %parallel_loop3A_298 : i32 to index
      %parallel_loop3A_300 = tpu.vector_load %arg5[%parallel_loop3A_299] {strides = array<i32>} : memref<32768xf32, #tpu.memory_space<vmem>>, vector<16xf32>,
      %parallel_loop3A_301 = arith.constant 2.450000e+00 : f32
      %parallel_loop3A_302 = vector.broadcast %parallel_loop3A_301 : f32 to vector<16xf32>
      %parallel_loop3A_303 = arith.mulf %parallel_loop3A_300, %parallel_loop3A_302 : vector<16xf32>
      %parallel_loop3A_304 = arith.constant 2.450000e+01 : f32
      %parallel_loop3A_305 = vector.broadcast %parallel_loop3A_304 : f32 to vector<16xf32>
      %parallel_loop3A_306 = arith.addf %parallel_loop3A_303, %parallel_loop3A_305 : vector<16xf32>
      %parallel_loop3A_307 = arith.constant 1.000000e+00 : f32
      %parallel_loop3A_308 = vector.broadcast %parallel_loop3A_307 : f32 to vector<16xf32>
      %parallel_loop3A_309 = arith.maximumf %parallel_loop3A_306, %parallel_loop3A_308 : vector<16xf32>
      %parallel_loop3A_310 = arith.constant 4.700000e+01 : f32
      %parallel_loop3A_311 = vector.broadcast %parallel_loop3A_310 : f32 to vector<16xf32>
      %parallel_loop3A_312 = arith.minimumf %parallel_loop3A_309, %parallel_loop3A_311 : vector<16xf32>
      %parallel_loop3A_313 = arith.fptosi %parallel_loop3A_312 : vector<16xf32> to vector<16xi32>
      %parallel_loop3A_314 = arith.sitofp %parallel_loop3A_313 : vector<16xi32> to vector<16xf32>
      %parallel_loop3A_315 = arith.subf %parallel_loop3A_306, %parallel_loop3A_314 : vector<16xf32>
      %parallel_loop3A_316 = arith.addi %sub3A_67, %parallel_loop3A_313 : vector<16xi32>
      %parallel_loop3A_317 = tpu.vector_load_idx %arg8[%parallel_loop3A_316] : memref<6144xf32, #tpu.memory_space<vmem>>[vector<16xi32>], vector<16xf32>,
      %parallel_loop3A_318 = tpu.vector_load_idx %arg9[%parallel_loop3A_316] : memref<6144xf32, #tpu.memory_space<vmem>>[vector<16xi32>], vector<16xf32>,
      %parallel_loop3A_319 = tpu.vector_load_idx %arg10[%parallel_loop3A_316] : memref<6144xf32, #tpu.memory_space<vmem>>[vector<16xi32>], vector<16xf32>,
      %parallel_loop3A_320 = tpu.vector_load_idx %arg11[%parallel_loop3A_316] : memref<6144xf32, #tpu.memory_space<vmem>>[vector<16xi32>], vector<16xf32>,
      %parallel_loop3A_321 = arith.mulf %parallel_loop3A_320, %parallel_loop3A_315 : vector<16xf32>
      %parallel_loop3A_322 = arith.addf %parallel_loop3A_321, %parallel_loop3A_319 : vector<16xf32>
      %parallel_loop3A_323 = arith.mulf %parallel_loop3A_322, %parallel_loop3A_315 : vector<16xf32>
      %parallel_loop3A_324 = arith.addf %parallel_loop3A_323, %parallel_loop3A_318 : vector<16xf32>
      %parallel_loop3A_325 = arith.mulf %parallel_loop3A_324, %parallel_loop3A_315 : vector<16xf32>
      %parallel_loop3A_326 = arith.addf %parallel_loop3A_325, %parallel_loop3A_317 : vector<16xf32>
      %parallel_loop3A_327 = arith.index_cast %parallel_loop3A_298 : i32 to index
      %parallel_loop3A_328 = tpu.vector_load %arg5[%parallel_loop3A_327] {strides = array<i32>} : memref<32768xf32, #tpu.memory_space<vmem>>, vector<16xf32>,
      tpu.vector_store %arg5[%parallel_loop3A_327], %parallel_loop3A_326 {strides = array<i32>} : memref<32768xf32, #tpu.memory_space<vmem>>, vector<16xf32>,
      %parallel_loop3A_329 = arith.constant 112 : i32
      %parallel_loop3A_330 = arith.addi %parallel_loop3A_104, %parallel_loop3A_329 : i32
      %parallel_loop3A_331 = arith.index_cast %parallel_loop3A_330 : i32 to index
      %parallel_loop3A_332 = tpu.vector_load %arg5[%parallel_loop3A_331] {strides = array<i32>} : memref<32768xf32, #tpu.memory_space<vmem>>, vector<16xf32>,
      %parallel_loop3A_333 = arith.constant 2.450000e+00 : f32
      %parallel_loop3A_334 = vector.broadcast %parallel_loop3A_333 : f32 to vector<16xf32>
      %parallel_loop3A_335 = arith.mulf %parallel_loop3A_332, %parallel_loop3A_334 : vector<16xf32>
      %parallel_loop3A_336 = arith.constant 2.450000e+01 : f32
      %parallel_loop3A_337 = vector.broadcast %parallel_loop3A_336 : f32 to vector<16xf32>
      %parallel_loop3A_338 = arith.addf %parallel_loop3A_335, %parallel_loop3A_337 : vector<16xf32>
      %parallel_loop3A_339 = arith.constant 1.000000e+00 : f32
      %parallel_loop3A_340 = vector.broadcast %parallel_loop3A_339 : f32 to vector<16xf32>
      %parallel_loop3A_341 = arith.maximumf %parallel_loop3A_338, %parallel_loop3A_340 : vector<16xf32>
      %parallel_loop3A_342 = arith.constant 4.700000e+01 : f32
      %parallel_loop3A_343 = vector.broadcast %parallel_loop3A_342 : f32 to vector<16xf32>
      %parallel_loop3A_344 = arith.minimumf %parallel_loop3A_341, %parallel_loop3A_343 : vector<16xf32>
      %parallel_loop3A_345 = arith.fptosi %parallel_loop3A_344 : vector<16xf32> to vector<16xi32>
      %parallel_loop3A_346 = arith.sitofp %parallel_loop3A_345 : vector<16xi32> to vector<16xf32>
      %parallel_loop3A_347 = arith.subf %parallel_loop3A_338, %parallel_loop3A_346 : vector<16xf32>
      %parallel_loop3A_348 = arith.addi %sub3A_76, %parallel_loop3A_345 : vector<16xi32>
      %parallel_loop3A_349 = tpu.vector_load_idx %arg8[%parallel_loop3A_348] : memref<6144xf32, #tpu.memory_space<vmem>>[vector<16xi32>], vector<16xf32>,
      %parallel_loop3A_350 = tpu.vector_load_idx %arg9[%parallel_loop3A_348] : memref<6144xf32, #tpu.memory_space<vmem>>[vector<16xi32>], vector<16xf32>,
      %parallel_loop3A_351 = tpu.vector_load_idx %arg10[%parallel_loop3A_348] : memref<6144xf32, #tpu.memory_space<vmem>>[vector<16xi32>], vector<16xf32>,
      %parallel_loop3A_352 = tpu.vector_load_idx %arg11[%parallel_loop3A_348] : memref<6144xf32, #tpu.memory_space<vmem>>[vector<16xi32>], vector<16xf32>,
      %parallel_loop3A_353 = arith.mulf %parallel_loop3A_352, %parallel_loop3A_347 : vector<16xf32>
      %parallel_loop3A_354 = arith.addf %parallel_loop3A_353, %parallel_loop3A_351 : vector<16xf32>
      %parallel_loop3A_355 = arith.mulf %parallel_loop3A_354, %parallel_loop3A_347 : vector<16xf32>
      %parallel_loop3A_356 = arith.addf %parallel_loop3A_355, %parallel_loop3A_350 : vector<16xf32>
      %parallel_loop3A_357 = arith.mulf %parallel_loop3A_356, %parallel_loop3A_347 : vector<16xf32>
      %parallel_loop3A_358 = arith.addf %parallel_loop3A_357, %parallel_loop3A_349 : vector<16xf32>
      %parallel_loop3A_359 = arith.index_cast %parallel_loop3A_330 : i32 to index
      %parallel_loop3A_360 = tpu.vector_load %arg5[%parallel_loop3A_359] {strides = array<i32>} : memref<32768xf32, #tpu.memory_space<vmem>>, vector<16xf32>,
      tpu.vector_store %arg5[%parallel_loop3A_359], %parallel_loop3A_358 {strides = array<i32>} : memref<32768xf32, #tpu.memory_space<vmem>>, vector<16xf32>,
    } {sc.loop_unroll_factor = 1 : i64, sc.parallel_access}
    %add3A_85 = arith.constant 0 : i32
    %add3A_86 = arith.addi %mul3A_2, %add3A_85 : i32
    %dma_start3A_87 = tpu.memref_slice %arg4[%add3A_86] : memref<2097152xf32, #tpu.memory_space<hbm>> -> memref<32768xf32, #tpu.memory_space<hbm>>
    %dma_start3A_88 = tpu.memref_slice %arg4[%add3A_86] : memref<2097152xf32, #tpu.memory_space<hbm>> -> memref<32768xf32, #tpu.memory_space<hbm>>
    tpu.enqueue_dma source(%arg5 : memref<32768xf32, #tpu.memory_space<vmem>>) target(%dma_start3A_88 : memref<32768xf32, #tpu.memory_space<hbm>>) target_semaphore(%arg15 : memref<!tpu.dma_semaphore, #tpu.memory_space<semaphore_mem>>)
    %dma_wait3A_89 = tpu.memref_slice %arg2[%add3A_78] : memref<2097152xf32, #tpu.memory_space<hbm>> -> memref<32768xf32, #tpu.memory_space<hbm>>
    %dma_wait3A_90 = tpu.memref_slice %arg2[%add3A_78] : memref<2097152xf32, #tpu.memory_space<hbm>> -> memref<32768xf32, #tpu.memory_space<hbm>>
    tpu.wait_dma2 semaphore(%arg14 : memref<!tpu.dma_semaphore, #tpu.memory_space<semaphore_mem>>) src(%dma_wait3A_90 : memref<32768xf32, #tpu.memory_space<hbm>>) dst(%arg6 : memref<32768xf32, #tpu.memory_space<vmem>>)
    %parallel_loop3A_91 = arith.constant 0 : i32
    %parallel_loop3A_92 = arith.constant 256 : i32
    %parallel_loop3A_93 = arith.constant 1 : i32
    scf.for %parallel_loop3A_102 = %parallel_loop3A_91 to %parallel_loop3A_92 step %parallel_loop3A_93  : i32 {
      %parallel_loop3A_103 = arith.constant 128 : i32
      %parallel_loop3A_104 = arith.muli %parallel_loop3A_102, %parallel_loop3A_103 : i32
      %parallel_loop3A_105 = arith.constant 0 : i32
      %parallel_loop3A_106 = arith.addi %parallel_loop3A_104, %parallel_loop3A_105 : i32
      %parallel_loop3A_107 = arith.index_cast %parallel_loop3A_106 : i32 to index
      %parallel_loop3A_108 = tpu.vector_load %arg6[%parallel_loop3A_107] {strides = array<i32>} : memref<32768xf32, #tpu.memory_space<vmem>>, vector<16xf32>,
      %parallel_loop3A_109 = arith.constant 2.450000e+00 : f32
      %parallel_loop3A_110 = vector.broadcast %parallel_loop3A_109 : f32 to vector<16xf32>
      %parallel_loop3A_111 = arith.mulf %parallel_loop3A_108, %parallel_loop3A_110 : vector<16xf32>
      %parallel_loop3A_112 = arith.constant 2.450000e+01 : f32
      %parallel_loop3A_113 = vector.broadcast %parallel_loop3A_112 : f32 to vector<16xf32>
      %parallel_loop3A_114 = arith.addf %parallel_loop3A_111, %parallel_loop3A_113 : vector<16xf32>
      %parallel_loop3A_115 = arith.constant 1.000000e+00 : f32
      %parallel_loop3A_116 = vector.broadcast %parallel_loop3A_115 : f32 to vector<16xf32>
      %parallel_loop3A_117 = arith.maximumf %parallel_loop3A_114, %parallel_loop3A_116 : vector<16xf32>
      %parallel_loop3A_118 = arith.constant 4.700000e+01 : f32
      %parallel_loop3A_119 = vector.broadcast %parallel_loop3A_118 : f32 to vector<16xf32>
      %parallel_loop3A_120 = arith.minimumf %parallel_loop3A_117, %parallel_loop3A_119 : vector<16xf32>
      %parallel_loop3A_121 = arith.fptosi %parallel_loop3A_120 : vector<16xf32> to vector<16xi32>
      %parallel_loop3A_122 = arith.sitofp %parallel_loop3A_121 : vector<16xi32> to vector<16xf32>
      %parallel_loop3A_123 = arith.subf %parallel_loop3A_114, %parallel_loop3A_122 : vector<16xf32>
      %parallel_loop3A_124 = arith.addi %sub3A_13, %parallel_loop3A_121 : vector<16xi32>
      %parallel_loop3A_125 = tpu.vector_load_idx %arg8[%parallel_loop3A_124] : memref<6144xf32, #tpu.memory_space<vmem>>[vector<16xi32>], vector<16xf32>,
      %parallel_loop3A_126 = tpu.vector_load_idx %arg9[%parallel_loop3A_124] : memref<6144xf32, #tpu.memory_space<vmem>>[vector<16xi32>], vector<16xf32>,
      %parallel_loop3A_127 = tpu.vector_load_idx %arg10[%parallel_loop3A_124] : memref<6144xf32, #tpu.memory_space<vmem>>[vector<16xi32>], vector<16xf32>,
      %parallel_loop3A_128 = tpu.vector_load_idx %arg11[%parallel_loop3A_124] : memref<6144xf32, #tpu.memory_space<vmem>>[vector<16xi32>], vector<16xf32>,
      %parallel_loop3A_129 = arith.mulf %parallel_loop3A_128, %parallel_loop3A_123 : vector<16xf32>
      %parallel_loop3A_130 = arith.addf %parallel_loop3A_129, %parallel_loop3A_127 : vector<16xf32>
      %parallel_loop3A_131 = arith.mulf %parallel_loop3A_130, %parallel_loop3A_123 : vector<16xf32>
      %parallel_loop3A_132 = arith.addf %parallel_loop3A_131, %parallel_loop3A_126 : vector<16xf32>
      %parallel_loop3A_133 = arith.mulf %parallel_loop3A_132, %parallel_loop3A_123 : vector<16xf32>
      %parallel_loop3A_134 = arith.addf %parallel_loop3A_133, %parallel_loop3A_125 : vector<16xf32>
      %parallel_loop3A_135 = arith.index_cast %parallel_loop3A_106 : i32 to index
      %parallel_loop3A_136 = tpu.vector_load %arg6[%parallel_loop3A_135] {strides = array<i32>} : memref<32768xf32, #tpu.memory_space<vmem>>, vector<16xf32>,
      tpu.vector_store %arg6[%parallel_loop3A_135], %parallel_loop3A_134 {strides = array<i32>} : memref<32768xf32, #tpu.memory_space<vmem>>, vector<16xf32>,
      %parallel_loop3A_137 = arith.constant 16 : i32
      %parallel_loop3A_138 = arith.addi %parallel_loop3A_104, %parallel_loop3A_137 : i32
      %parallel_loop3A_139 = arith.index_cast %parallel_loop3A_138 : i32 to index
      %parallel_loop3A_140 = tpu.vector_load %arg6[%parallel_loop3A_139] {strides = array<i32>} : memref<32768xf32, #tpu.memory_space<vmem>>, vector<16xf32>,
      %parallel_loop3A_141 = arith.constant 2.450000e+00 : f32
      %parallel_loop3A_142 = vector.broadcast %parallel_loop3A_141 : f32 to vector<16xf32>
      %parallel_loop3A_143 = arith.mulf %parallel_loop3A_140, %parallel_loop3A_142 : vector<16xf32>
      %parallel_loop3A_144 = arith.constant 2.450000e+01 : f32
      %parallel_loop3A_145 = vector.broadcast %parallel_loop3A_144 : f32 to vector<16xf32>
      %parallel_loop3A_146 = arith.addf %parallel_loop3A_143, %parallel_loop3A_145 : vector<16xf32>
      %parallel_loop3A_147 = arith.constant 1.000000e+00 : f32
      %parallel_loop3A_148 = vector.broadcast %parallel_loop3A_147 : f32 to vector<16xf32>
      %parallel_loop3A_149 = arith.maximumf %parallel_loop3A_146, %parallel_loop3A_148 : vector<16xf32>
      %parallel_loop3A_150 = arith.constant 4.700000e+01 : f32
      %parallel_loop3A_151 = vector.broadcast %parallel_loop3A_150 : f32 to vector<16xf32>
      %parallel_loop3A_152 = arith.minimumf %parallel_loop3A_149, %parallel_loop3A_151 : vector<16xf32>
      %parallel_loop3A_153 = arith.fptosi %parallel_loop3A_152 : vector<16xf32> to vector<16xi32>
      %parallel_loop3A_154 = arith.sitofp %parallel_loop3A_153 : vector<16xi32> to vector<16xf32>
      %parallel_loop3A_155 = arith.subf %parallel_loop3A_146, %parallel_loop3A_154 : vector<16xf32>
      %parallel_loop3A_156 = arith.addi %sub3A_22, %parallel_loop3A_153 : vector<16xi32>
      %parallel_loop3A_157 = tpu.vector_load_idx %arg8[%parallel_loop3A_156] : memref<6144xf32, #tpu.memory_space<vmem>>[vector<16xi32>], vector<16xf32>,
      %parallel_loop3A_158 = tpu.vector_load_idx %arg9[%parallel_loop3A_156] : memref<6144xf32, #tpu.memory_space<vmem>>[vector<16xi32>], vector<16xf32>,
      %parallel_loop3A_159 = tpu.vector_load_idx %arg10[%parallel_loop3A_156] : memref<6144xf32, #tpu.memory_space<vmem>>[vector<16xi32>], vector<16xf32>,
      %parallel_loop3A_160 = tpu.vector_load_idx %arg11[%parallel_loop3A_156] : memref<6144xf32, #tpu.memory_space<vmem>>[vector<16xi32>], vector<16xf32>,
      %parallel_loop3A_161 = arith.mulf %parallel_loop3A_160, %parallel_loop3A_155 : vector<16xf32>
      %parallel_loop3A_162 = arith.addf %parallel_loop3A_161, %parallel_loop3A_159 : vector<16xf32>
      %parallel_loop3A_163 = arith.mulf %parallel_loop3A_162, %parallel_loop3A_155 : vector<16xf32>
      %parallel_loop3A_164 = arith.addf %parallel_loop3A_163, %parallel_loop3A_158 : vector<16xf32>
      %parallel_loop3A_165 = arith.mulf %parallel_loop3A_164, %parallel_loop3A_155 : vector<16xf32>
      %parallel_loop3A_166 = arith.addf %parallel_loop3A_165, %parallel_loop3A_157 : vector<16xf32>
      %parallel_loop3A_167 = arith.index_cast %parallel_loop3A_138 : i32 to index
      %parallel_loop3A_168 = tpu.vector_load %arg6[%parallel_loop3A_167] {strides = array<i32>} : memref<32768xf32, #tpu.memory_space<vmem>>, vector<16xf32>,
      tpu.vector_store %arg6[%parallel_loop3A_167], %parallel_loop3A_166 {strides = array<i32>} : memref<32768xf32, #tpu.memory_space<vmem>>, vector<16xf32>,
      %parallel_loop3A_169 = arith.constant 32 : i32
      %parallel_loop3A_170 = arith.addi %parallel_loop3A_104, %parallel_loop3A_169 : i32
      %parallel_loop3A_171 = arith.index_cast %parallel_loop3A_170 : i32 to index
      %parallel_loop3A_172 = tpu.vector_load %arg6[%parallel_loop3A_171] {strides = array<i32>} : memref<32768xf32, #tpu.memory_space<vmem>>, vector<16xf32>,
      %parallel_loop3A_173 = arith.constant 2.450000e+00 : f32
      %parallel_loop3A_174 = vector.broadcast %parallel_loop3A_173 : f32 to vector<16xf32>
      %parallel_loop3A_175 = arith.mulf %parallel_loop3A_172, %parallel_loop3A_174 : vector<16xf32>
      %parallel_loop3A_176 = arith.constant 2.450000e+01 : f32
      %parallel_loop3A_177 = vector.broadcast %parallel_loop3A_176 : f32 to vector<16xf32>
      %parallel_loop3A_178 = arith.addf %parallel_loop3A_175, %parallel_loop3A_177 : vector<16xf32>
      %parallel_loop3A_179 = arith.constant 1.000000e+00 : f32
      %parallel_loop3A_180 = vector.broadcast %parallel_loop3A_179 : f32 to vector<16xf32>
      %parallel_loop3A_181 = arith.maximumf %parallel_loop3A_178, %parallel_loop3A_180 : vector<16xf32>
      %parallel_loop3A_182 = arith.constant 4.700000e+01 : f32
      %parallel_loop3A_183 = vector.broadcast %parallel_loop3A_182 : f32 to vector<16xf32>
      %parallel_loop3A_184 = arith.minimumf %parallel_loop3A_181, %parallel_loop3A_183 : vector<16xf32>
      %parallel_loop3A_185 = arith.fptosi %parallel_loop3A_184 : vector<16xf32> to vector<16xi32>
      %parallel_loop3A_186 = arith.sitofp %parallel_loop3A_185 : vector<16xi32> to vector<16xf32>
      %parallel_loop3A_187 = arith.subf %parallel_loop3A_178, %parallel_loop3A_186 : vector<16xf32>
      %parallel_loop3A_188 = arith.addi %sub3A_31, %parallel_loop3A_185 : vector<16xi32>
      %parallel_loop3A_189 = tpu.vector_load_idx %arg8[%parallel_loop3A_188] : memref<6144xf32, #tpu.memory_space<vmem>>[vector<16xi32>], vector<16xf32>,
      %parallel_loop3A_190 = tpu.vector_load_idx %arg9[%parallel_loop3A_188] : memref<6144xf32, #tpu.memory_space<vmem>>[vector<16xi32>], vector<16xf32>,
      %parallel_loop3A_191 = tpu.vector_load_idx %arg10[%parallel_loop3A_188] : memref<6144xf32, #tpu.memory_space<vmem>>[vector<16xi32>], vector<16xf32>,
      %parallel_loop3A_192 = tpu.vector_load_idx %arg11[%parallel_loop3A_188] : memref<6144xf32, #tpu.memory_space<vmem>>[vector<16xi32>], vector<16xf32>,
      %parallel_loop3A_193 = arith.mulf %parallel_loop3A_192, %parallel_loop3A_187 : vector<16xf32>
      %parallel_loop3A_194 = arith.addf %parallel_loop3A_193, %parallel_loop3A_191 : vector<16xf32>
      %parallel_loop3A_195 = arith.mulf %parallel_loop3A_194, %parallel_loop3A_187 : vector<16xf32>
      %parallel_loop3A_196 = arith.addf %parallel_loop3A_195, %parallel_loop3A_190 : vector<16xf32>
      %parallel_loop3A_197 = arith.mulf %parallel_loop3A_196, %parallel_loop3A_187 : vector<16xf32>
      %parallel_loop3A_198 = arith.addf %parallel_loop3A_197, %parallel_loop3A_189 : vector<16xf32>
      %parallel_loop3A_199 = arith.index_cast %parallel_loop3A_170 : i32 to index
      %parallel_loop3A_200 = tpu.vector_load %arg6[%parallel_loop3A_199] {strides = array<i32>} : memref<32768xf32, #tpu.memory_space<vmem>>, vector<16xf32>,
      tpu.vector_store %arg6[%parallel_loop3A_199], %parallel_loop3A_198 {strides = array<i32>} : memref<32768xf32, #tpu.memory_space<vmem>>, vector<16xf32>,
      %parallel_loop3A_201 = arith.constant 48 : i32
      %parallel_loop3A_202 = arith.addi %parallel_loop3A_104, %parallel_loop3A_201 : i32
      %parallel_loop3A_203 = arith.index_cast %parallel_loop3A_202 : i32 to index
      %parallel_loop3A_204 = tpu.vector_load %arg6[%parallel_loop3A_203] {strides = array<i32>} : memref<32768xf32, #tpu.memory_space<vmem>>, vector<16xf32>,
      %parallel_loop3A_205 = arith.constant 2.450000e+00 : f32
      %parallel_loop3A_206 = vector.broadcast %parallel_loop3A_205 : f32 to vector<16xf32>
      %parallel_loop3A_207 = arith.mulf %parallel_loop3A_204, %parallel_loop3A_206 : vector<16xf32>
      %parallel_loop3A_208 = arith.constant 2.450000e+01 : f32
      %parallel_loop3A_209 = vector.broadcast %parallel_loop3A_208 : f32 to vector<16xf32>
      %parallel_loop3A_210 = arith.addf %parallel_loop3A_207, %parallel_loop3A_209 : vector<16xf32>
      %parallel_loop3A_211 = arith.constant 1.000000e+00 : f32
      %parallel_loop3A_212 = vector.broadcast %parallel_loop3A_211 : f32 to vector<16xf32>
      %parallel_loop3A_213 = arith.maximumf %parallel_loop3A_210, %parallel_loop3A_212 : vector<16xf32>
      %parallel_loop3A_214 = arith.constant 4.700000e+01 : f32
      %parallel_loop3A_215 = vector.broadcast %parallel_loop3A_214 : f32 to vector<16xf32>
      %parallel_loop3A_216 = arith.minimumf %parallel_loop3A_213, %parallel_loop3A_215 : vector<16xf32>
      %parallel_loop3A_217 = arith.fptosi %parallel_loop3A_216 : vector<16xf32> to vector<16xi32>
      %parallel_loop3A_218 = arith.sitofp %parallel_loop3A_217 : vector<16xi32> to vector<16xf32>
      %parallel_loop3A_219 = arith.subf %parallel_loop3A_210, %parallel_loop3A_218 : vector<16xf32>
      %parallel_loop3A_220 = arith.addi %sub3A_40, %parallel_loop3A_217 : vector<16xi32>
      %parallel_loop3A_221 = tpu.vector_load_idx %arg8[%parallel_loop3A_220] : memref<6144xf32, #tpu.memory_space<vmem>>[vector<16xi32>], vector<16xf32>,
      %parallel_loop3A_222 = tpu.vector_load_idx %arg9[%parallel_loop3A_220] : memref<6144xf32, #tpu.memory_space<vmem>>[vector<16xi32>], vector<16xf32>,
      %parallel_loop3A_223 = tpu.vector_load_idx %arg10[%parallel_loop3A_220] : memref<6144xf32, #tpu.memory_space<vmem>>[vector<16xi32>], vector<16xf32>,
      %parallel_loop3A_224 = tpu.vector_load_idx %arg11[%parallel_loop3A_220] : memref<6144xf32, #tpu.memory_space<vmem>>[vector<16xi32>], vector<16xf32>,
      %parallel_loop3A_225 = arith.mulf %parallel_loop3A_224, %parallel_loop3A_219 : vector<16xf32>
      %parallel_loop3A_226 = arith.addf %parallel_loop3A_225, %parallel_loop3A_223 : vector<16xf32>
      %parallel_loop3A_227 = arith.mulf %parallel_loop3A_226, %parallel_loop3A_219 : vector<16xf32>
      %parallel_loop3A_228 = arith.addf %parallel_loop3A_227, %parallel_loop3A_222 : vector<16xf32>
      %parallel_loop3A_229 = arith.mulf %parallel_loop3A_228, %parallel_loop3A_219 : vector<16xf32>
      %parallel_loop3A_230 = arith.addf %parallel_loop3A_229, %parallel_loop3A_221 : vector<16xf32>
      %parallel_loop3A_231 = arith.index_cast %parallel_loop3A_202 : i32 to index
      %parallel_loop3A_232 = tpu.vector_load %arg6[%parallel_loop3A_231] {strides = array<i32>} : memref<32768xf32, #tpu.memory_space<vmem>>, vector<16xf32>,
      tpu.vector_store %arg6[%parallel_loop3A_231], %parallel_loop3A_230 {strides = array<i32>} : memref<32768xf32, #tpu.memory_space<vmem>>, vector<16xf32>,
      %parallel_loop3A_233 = arith.constant 64 : i32
      %parallel_loop3A_234 = arith.addi %parallel_loop3A_104, %parallel_loop3A_233 : i32
      %parallel_loop3A_235 = arith.index_cast %parallel_loop3A_234 : i32 to index
      %parallel_loop3A_236 = tpu.vector_load %arg6[%parallel_loop3A_235] {strides = array<i32>} : memref<32768xf32, #tpu.memory_space<vmem>>, vector<16xf32>,
      %parallel_loop3A_237 = arith.constant 2.450000e+00 : f32
      %parallel_loop3A_238 = vector.broadcast %parallel_loop3A_237 : f32 to vector<16xf32>
      %parallel_loop3A_239 = arith.mulf %parallel_loop3A_236, %parallel_loop3A_238 : vector<16xf32>
      %parallel_loop3A_240 = arith.constant 2.450000e+01 : f32
      %parallel_loop3A_241 = vector.broadcast %parallel_loop3A_240 : f32 to vector<16xf32>
      %parallel_loop3A_242 = arith.addf %parallel_loop3A_239, %parallel_loop3A_241 : vector<16xf32>
      %parallel_loop3A_243 = arith.constant 1.000000e+00 : f32
      %parallel_loop3A_244 = vector.broadcast %parallel_loop3A_243 : f32 to vector<16xf32>
      %parallel_loop3A_245 = arith.maximumf %parallel_loop3A_242, %parallel_loop3A_244 : vector<16xf32>
      %parallel_loop3A_246 = arith.constant 4.700000e+01 : f32
      %parallel_loop3A_247 = vector.broadcast %parallel_loop3A_246 : f32 to vector<16xf32>
      %parallel_loop3A_248 = arith.minimumf %parallel_loop3A_245, %parallel_loop3A_247 : vector<16xf32>
      %parallel_loop3A_249 = arith.fptosi %parallel_loop3A_248 : vector<16xf32> to vector<16xi32>
      %parallel_loop3A_250 = arith.sitofp %parallel_loop3A_249 : vector<16xi32> to vector<16xf32>
      %parallel_loop3A_251 = arith.subf %parallel_loop3A_242, %parallel_loop3A_250 : vector<16xf32>
      %parallel_loop3A_252 = arith.addi %sub3A_49, %parallel_loop3A_249 : vector<16xi32>
      %parallel_loop3A_253 = tpu.vector_load_idx %arg8[%parallel_loop3A_252] : memref<6144xf32, #tpu.memory_space<vmem>>[vector<16xi32>], vector<16xf32>,
      %parallel_loop3A_254 = tpu.vector_load_idx %arg9[%parallel_loop3A_252] : memref<6144xf32, #tpu.memory_space<vmem>>[vector<16xi32>], vector<16xf32>,
      %parallel_loop3A_255 = tpu.vector_load_idx %arg10[%parallel_loop3A_252] : memref<6144xf32, #tpu.memory_space<vmem>>[vector<16xi32>], vector<16xf32>,
      %parallel_loop3A_256 = tpu.vector_load_idx %arg11[%parallel_loop3A_252] : memref<6144xf32, #tpu.memory_space<vmem>>[vector<16xi32>], vector<16xf32>,
      %parallel_loop3A_257 = arith.mulf %parallel_loop3A_256, %parallel_loop3A_251 : vector<16xf32>
      %parallel_loop3A_258 = arith.addf %parallel_loop3A_257, %parallel_loop3A_255 : vector<16xf32>
      %parallel_loop3A_259 = arith.mulf %parallel_loop3A_258, %parallel_loop3A_251 : vector<16xf32>
      %parallel_loop3A_260 = arith.addf %parallel_loop3A_259, %parallel_loop3A_254 : vector<16xf32>
      %parallel_loop3A_261 = arith.mulf %parallel_loop3A_260, %parallel_loop3A_251 : vector<16xf32>
      %parallel_loop3A_262 = arith.addf %parallel_loop3A_261, %parallel_loop3A_253 : vector<16xf32>
      %parallel_loop3A_263 = arith.index_cast %parallel_loop3A_234 : i32 to index
      %parallel_loop3A_264 = tpu.vector_load %arg6[%parallel_loop3A_263] {strides = array<i32>} : memref<32768xf32, #tpu.memory_space<vmem>>, vector<16xf32>,
      tpu.vector_store %arg6[%parallel_loop3A_263], %parallel_loop3A_262 {strides = array<i32>} : memref<32768xf32, #tpu.memory_space<vmem>>, vector<16xf32>,
      %parallel_loop3A_265 = arith.constant 80 : i32
      %parallel_loop3A_266 = arith.addi %parallel_loop3A_104, %parallel_loop3A_265 : i32
      %parallel_loop3A_267 = arith.index_cast %parallel_loop3A_266 : i32 to index
      %parallel_loop3A_268 = tpu.vector_load %arg6[%parallel_loop3A_267] {strides = array<i32>} : memref<32768xf32, #tpu.memory_space<vmem>>, vector<16xf32>,
      %parallel_loop3A_269 = arith.constant 2.450000e+00 : f32
      %parallel_loop3A_270 = vector.broadcast %parallel_loop3A_269 : f32 to vector<16xf32>
      %parallel_loop3A_271 = arith.mulf %parallel_loop3A_268, %parallel_loop3A_270 : vector<16xf32>
      %parallel_loop3A_272 = arith.constant 2.450000e+01 : f32
      %parallel_loop3A_273 = vector.broadcast %parallel_loop3A_272 : f32 to vector<16xf32>
      %parallel_loop3A_274 = arith.addf %parallel_loop3A_271, %parallel_loop3A_273 : vector<16xf32>
      %parallel_loop3A_275 = arith.constant 1.000000e+00 : f32
      %parallel_loop3A_276 = vector.broadcast %parallel_loop3A_275 : f32 to vector<16xf32>
      %parallel_loop3A_277 = arith.maximumf %parallel_loop3A_274, %parallel_loop3A_276 : vector<16xf32>
      %parallel_loop3A_278 = arith.constant 4.700000e+01 : f32
      %parallel_loop3A_279 = vector.broadcast %parallel_loop3A_278 : f32 to vector<16xf32>
      %parallel_loop3A_280 = arith.minimumf %parallel_loop3A_277, %parallel_loop3A_279 : vector<16xf32>
      %parallel_loop3A_281 = arith.fptosi %parallel_loop3A_280 : vector<16xf32> to vector<16xi32>
      %parallel_loop3A_282 = arith.sitofp %parallel_loop3A_281 : vector<16xi32> to vector<16xf32>
      %parallel_loop3A_283 = arith.subf %parallel_loop3A_274, %parallel_loop3A_282 : vector<16xf32>
      %parallel_loop3A_284 = arith.addi %sub3A_58, %parallel_loop3A_281 : vector<16xi32>
      %parallel_loop3A_285 = tpu.vector_load_idx %arg8[%parallel_loop3A_284] : memref<6144xf32, #tpu.memory_space<vmem>>[vector<16xi32>], vector<16xf32>,
      %parallel_loop3A_286 = tpu.vector_load_idx %arg9[%parallel_loop3A_284] : memref<6144xf32, #tpu.memory_space<vmem>>[vector<16xi32>], vector<16xf32>,
      %parallel_loop3A_287 = tpu.vector_load_idx %arg10[%parallel_loop3A_284] : memref<6144xf32, #tpu.memory_space<vmem>>[vector<16xi32>], vector<16xf32>,
      %parallel_loop3A_288 = tpu.vector_load_idx %arg11[%parallel_loop3A_284] : memref<6144xf32, #tpu.memory_space<vmem>>[vector<16xi32>], vector<16xf32>,
      %parallel_loop3A_289 = arith.mulf %parallel_loop3A_288, %parallel_loop3A_283 : vector<16xf32>
      %parallel_loop3A_290 = arith.addf %parallel_loop3A_289, %parallel_loop3A_287 : vector<16xf32>
      %parallel_loop3A_291 = arith.mulf %parallel_loop3A_290, %parallel_loop3A_283 : vector<16xf32>
      %parallel_loop3A_292 = arith.addf %parallel_loop3A_291, %parallel_loop3A_286 : vector<16xf32>
      %parallel_loop3A_293 = arith.mulf %parallel_loop3A_292, %parallel_loop3A_283 : vector<16xf32>
      %parallel_loop3A_294 = arith.addf %parallel_loop3A_293, %parallel_loop3A_285 : vector<16xf32>
      %parallel_loop3A_295 = arith.index_cast %parallel_loop3A_266 : i32 to index
      %parallel_loop3A_296 = tpu.vector_load %arg6[%parallel_loop3A_295] {strides = array<i32>} : memref<32768xf32, #tpu.memory_space<vmem>>, vector<16xf32>,
      tpu.vector_store %arg6[%parallel_loop3A_295], %parallel_loop3A_294 {strides = array<i32>} : memref<32768xf32, #tpu.memory_space<vmem>>, vector<16xf32>,
      %parallel_loop3A_297 = arith.constant 96 : i32
      %parallel_loop3A_298 = arith.addi %parallel_loop3A_104, %parallel_loop3A_297 : i32
      %parallel_loop3A_299 = arith.index_cast %parallel_loop3A_298 : i32 to index
      %parallel_loop3A_300 = tpu.vector_load %arg6[%parallel_loop3A_299] {strides = array<i32>} : memref<32768xf32, #tpu.memory_space<vmem>>, vector<16xf32>,
      %parallel_loop3A_301 = arith.constant 2.450000e+00 : f32
      %parallel_loop3A_302 = vector.broadcast %parallel_loop3A_301 : f32 to vector<16xf32>
      %parallel_loop3A_303 = arith.mulf %parallel_loop3A_300, %parallel_loop3A_302 : vector<16xf32>
      %parallel_loop3A_304 = arith.constant 2.450000e+01 : f32
      %parallel_loop3A_305 = vector.broadcast %parallel_loop3A_304 : f32 to vector<16xf32>
      %parallel_loop3A_306 = arith.addf %parallel_loop3A_303, %parallel_loop3A_305 : vector<16xf32>
      %parallel_loop3A_307 = arith.constant 1.000000e+00 : f32
      %parallel_loop3A_308 = vector.broadcast %parallel_loop3A_307 : f32 to vector<16xf32>
      %parallel_loop3A_309 = arith.maximumf %parallel_loop3A_306, %parallel_loop3A_308 : vector<16xf32>
      %parallel_loop3A_310 = arith.constant 4.700000e+01 : f32
      %parallel_loop3A_311 = vector.broadcast %parallel_loop3A_310 : f32 to vector<16xf32>
      %parallel_loop3A_312 = arith.minimumf %parallel_loop3A_309, %parallel_loop3A_311 : vector<16xf32>
      %parallel_loop3A_313 = arith.fptosi %parallel_loop3A_312 : vector<16xf32> to vector<16xi32>
      %parallel_loop3A_314 = arith.sitofp %parallel_loop3A_313 : vector<16xi32> to vector<16xf32>
      %parallel_loop3A_315 = arith.subf %parallel_loop3A_306, %parallel_loop3A_314 : vector<16xf32>
      %parallel_loop3A_316 = arith.addi %sub3A_67, %parallel_loop3A_313 : vector<16xi32>
      %parallel_loop3A_317 = tpu.vector_load_idx %arg8[%parallel_loop3A_316] : memref<6144xf32, #tpu.memory_space<vmem>>[vector<16xi32>], vector<16xf32>,
      %parallel_loop3A_318 = tpu.vector_load_idx %arg9[%parallel_loop3A_316] : memref<6144xf32, #tpu.memory_space<vmem>>[vector<16xi32>], vector<16xf32>,
      %parallel_loop3A_319 = tpu.vector_load_idx %arg10[%parallel_loop3A_316] : memref<6144xf32, #tpu.memory_space<vmem>>[vector<16xi32>], vector<16xf32>,
      %parallel_loop3A_320 = tpu.vector_load_idx %arg11[%parallel_loop3A_316] : memref<6144xf32, #tpu.memory_space<vmem>>[vector<16xi32>], vector<16xf32>,
      %parallel_loop3A_321 = arith.mulf %parallel_loop3A_320, %parallel_loop3A_315 : vector<16xf32>
      %parallel_loop3A_322 = arith.addf %parallel_loop3A_321, %parallel_loop3A_319 : vector<16xf32>
      %parallel_loop3A_323 = arith.mulf %parallel_loop3A_322, %parallel_loop3A_315 : vector<16xf32>
      %parallel_loop3A_324 = arith.addf %parallel_loop3A_323, %parallel_loop3A_318 : vector<16xf32>
      %parallel_loop3A_325 = arith.mulf %parallel_loop3A_324, %parallel_loop3A_315 : vector<16xf32>
      %parallel_loop3A_326 = arith.addf %parallel_loop3A_325, %parallel_loop3A_317 : vector<16xf32>
      %parallel_loop3A_327 = arith.index_cast %parallel_loop3A_298 : i32 to index
      %parallel_loop3A_328 = tpu.vector_load %arg6[%parallel_loop3A_327] {strides = array<i32>} : memref<32768xf32, #tpu.memory_space<vmem>>, vector<16xf32>,
      tpu.vector_store %arg6[%parallel_loop3A_327], %parallel_loop3A_326 {strides = array<i32>} : memref<32768xf32, #tpu.memory_space<vmem>>, vector<16xf32>,
      %parallel_loop3A_329 = arith.constant 112 : i32
      %parallel_loop3A_330 = arith.addi %parallel_loop3A_104, %parallel_loop3A_329 : i32
      %parallel_loop3A_331 = arith.index_cast %parallel_loop3A_330 : i32 to index
      %parallel_loop3A_332 = tpu.vector_load %arg6[%parallel_loop3A_331] {strides = array<i32>} : memref<32768xf32, #tpu.memory_space<vmem>>, vector<16xf32>,
      %parallel_loop3A_333 = arith.constant 2.450000e+00 : f32
      %parallel_loop3A_334 = vector.broadcast %parallel_loop3A_333 : f32 to vector<16xf32>
      %parallel_loop3A_335 = arith.mulf %parallel_loop3A_332, %parallel_loop3A_334 : vector<16xf32>
      %parallel_loop3A_336 = arith.constant 2.450000e+01 : f32
      %parallel_loop3A_337 = vector.broadcast %parallel_loop3A_336 : f32 to vector<16xf32>
      %parallel_loop3A_338 = arith.addf %parallel_loop3A_335, %parallel_loop3A_337 : vector<16xf32>
      %parallel_loop3A_339 = arith.constant 1.000000e+00 : f32
      %parallel_loop3A_340 = vector.broadcast %parallel_loop3A_339 : f32 to vector<16xf32>
      %parallel_loop3A_341 = arith.maximumf %parallel_loop3A_338, %parallel_loop3A_340 : vector<16xf32>
      %parallel_loop3A_342 = arith.constant 4.700000e+01 : f32
      %parallel_loop3A_343 = vector.broadcast %parallel_loop3A_342 : f32 to vector<16xf32>
      %parallel_loop3A_344 = arith.minimumf %parallel_loop3A_341, %parallel_loop3A_343 : vector<16xf32>
      %parallel_loop3A_345 = arith.fptosi %parallel_loop3A_344 : vector<16xf32> to vector<16xi32>
      %parallel_loop3A_346 = arith.sitofp %parallel_loop3A_345 : vector<16xi32> to vector<16xf32>
      %parallel_loop3A_347 = arith.subf %parallel_loop3A_338, %parallel_loop3A_346 : vector<16xf32>
      %parallel_loop3A_348 = arith.addi %sub3A_76, %parallel_loop3A_345 : vector<16xi32>
      %parallel_loop3A_349 = tpu.vector_load_idx %arg8[%parallel_loop3A_348] : memref<6144xf32, #tpu.memory_space<vmem>>[vector<16xi32>], vector<16xf32>,
      %parallel_loop3A_350 = tpu.vector_load_idx %arg9[%parallel_loop3A_348] : memref<6144xf32, #tpu.memory_space<vmem>>[vector<16xi32>], vector<16xf32>,
      %parallel_loop3A_351 = tpu.vector_load_idx %arg10[%parallel_loop3A_348] : memref<6144xf32, #tpu.memory_space<vmem>>[vector<16xi32>], vector<16xf32>,
      %parallel_loop3A_352 = tpu.vector_load_idx %arg11[%parallel_loop3A_348] : memref<6144xf32, #tpu.memory_space<vmem>>[vector<16xi32>], vector<16xf32>,
      %parallel_loop3A_353 = arith.mulf %parallel_loop3A_352, %parallel_loop3A_347 : vector<16xf32>
      %parallel_loop3A_354 = arith.addf %parallel_loop3A_353, %parallel_loop3A_351 : vector<16xf32>
      %parallel_loop3A_355 = arith.mulf %parallel_loop3A_354, %parallel_loop3A_347 : vector<16xf32>
      %parallel_loop3A_356 = arith.addf %parallel_loop3A_355, %parallel_loop3A_350 : vector<16xf32>
      %parallel_loop3A_357 = arith.mulf %parallel_loop3A_356, %parallel_loop3A_347 : vector<16xf32>
      %parallel_loop3A_358 = arith.addf %parallel_loop3A_357, %parallel_loop3A_349 : vector<16xf32>
      %parallel_loop3A_359 = arith.index_cast %parallel_loop3A_330 : i32 to index
      %parallel_loop3A_360 = tpu.vector_load %arg6[%parallel_loop3A_359] {strides = array<i32>} : memref<32768xf32, #tpu.memory_space<vmem>>, vector<16xf32>,
      tpu.vector_store %arg6[%parallel_loop3A_359], %parallel_loop3A_358 {strides = array<i32>} : memref<32768xf32, #tpu.memory_space<vmem>>, vector<16xf32>,
    } {sc.loop_unroll_factor = 1 : i64, sc.parallel_access}
    %add3A_94 = arith.constant 32768 : i32
    %add3A_95 = arith.addi %mul3A_2, %add3A_94 : i32
    %dma_start3A_96 = tpu.memref_slice %arg4[%add3A_95] : memref<2097152xf32, #tpu.memory_space<hbm>> -> memref<32768xf32, #tpu.memory_space<hbm>>
    %dma_start3A_97 = tpu.memref_slice %arg4[%add3A_95] : memref<2097152xf32, #tpu.memory_space<hbm>> -> memref<32768xf32, #tpu.memory_space<hbm>>
    tpu.enqueue_dma source(%arg6 : memref<32768xf32, #tpu.memory_space<vmem>>) target(%dma_start3A_97 : memref<32768xf32, #tpu.memory_space<hbm>>) target_semaphore(%arg16 : memref<!tpu.dma_semaphore, #tpu.memory_space<semaphore_mem>>)
    %dma_wait3A_98 = tpu.memref_slice %arg4[%add3A_86] : memref<2097152xf32, #tpu.memory_space<hbm>> -> memref<32768xf32, #tpu.memory_space<hbm>>
    %dma_wait3A_99 = tpu.memref_slice %arg4[%add3A_86] : memref<2097152xf32, #tpu.memory_space<hbm>> -> memref<32768xf32, #tpu.memory_space<hbm>>
    tpu.wait_dma2 semaphore(%arg15 : memref<!tpu.dma_semaphore, #tpu.memory_space<semaphore_mem>>) src(%arg5 : memref<32768xf32, #tpu.memory_space<vmem>>) dst(%dma_wait3A_99 : memref<32768xf32, #tpu.memory_space<hbm>>)
    %dma_wait3A_100 = tpu.memref_slice %arg4[%add3A_95] : memref<2097152xf32, #tpu.memory_space<hbm>> -> memref<32768xf32, #tpu.memory_space<hbm>>
    %dma_wait3A_101 = tpu.memref_slice %arg4[%add3A_95] : memref<2097152xf32, #tpu.memory_space<hbm>> -> memref<32768xf32, #tpu.memory_space<hbm>>
    tpu.wait_dma2 semaphore(%arg16 : memref<!tpu.dma_semaphore, #tpu.memory_space<semaphore_mem>>) src(%arg6 : memref<32768xf32, #tpu.memory_space<vmem>>) dst(%dma_wait3A_101 : memref<32768xf32, #tpu.memory_space<hbm>>)
    return
  }
}

module attributes {stable_mosaic.version = 14 : i64} {
  func.func @_mm_body(%arg0: i32, %arg1: memref<8192x128xf32, #tpu.memory_space<vmem>>, %arg2: memref<128x128xf32, #tpu.memory_space<vmem>>, %arg3: memref<1x128xf32, #tpu.memory_space<vmem>>, %arg4: memref<8192x128xf32, #tpu.memory_space<vmem>>) attributes {dimension_semantics = [#tpu.dimension_semantics<arbitrary>], iteration_bounds = array<i64: 2>, scalar_prefetch = 0 : i64, scratch_operands = 0 : i64, tpu.core_type = #tpu.core_type<tc>, window_params = [{transform_indices = @transform_0, window_bounds = array<i64: 8192, 128>}, {pipeline_mode = #tpu.pipeline_mode<synchronous>, transform_indices = @transform_1, window_bounds = array<i64: 128, 128>}, {pipeline_mode = #tpu.pipeline_mode<synchronous>, transform_indices = @transform_2, window_bounds = array<i64: 1, 128>}, {transform_indices = @transform_3, window_bounds = array<i64: 8192, 128>}]} {
    %get3A = arith.constant 0 : index
    %get3A_0 = arith.constant 0 : index
    %get3A_1 = vector.load %arg1[%get3A, %get3A_0] : memref<8192x128xf32, #tpu.memory_space<vmem>>, vector<8192x128xf32>
    %get3A_2 = arith.constant 0 : index
    %get3A_3 = arith.constant 0 : index
    %get3A_4 = vector.load %arg2[%get3A_2, %get3A_3] : memref<128x128xf32, #tpu.memory_space<vmem>>, vector<128x128xf32>
    %dot_general3A = arith.constant dense<0.000000e+00> : vector<8192x128xf32>
    %dot_general3A_5 = tpu.matmul %get3A_1, %get3A_4, %dot_general3A {dimension_numbers = #tpu.dot_dimension_numbers<[1], [1], [0], [0], [0, 0, 1, 0], [], []>, transpose_lhs_hint = false} : vector<8192x128xf32>, vector<128x128xf32>, vector<8192x128xf32> -> vector<8192x128xf32>
    %get3A_6 = arith.constant 0 : index
    %get3A_7 = arith.constant 0 : index
    %get3A_8 = vector.load %arg3[%get3A_6, %get3A_7] : memref<1x128xf32, #tpu.memory_space<vmem>>, vector<1x128xf32>
    %add3A = vector.broadcast %get3A_8 : vector<1x128xf32> to vector<8192x128xf32>
    %add3A_9 = arith.addf %dot_general3A_5, %add3A : vector<8192x128xf32>
    %swap3A = arith.constant 0 : index
    %swap3A_10 = arith.constant 0 : index
    %swap3A_11 = vector.load %arg4[%swap3A, %swap3A_10] : memref<8192x128xf32, #tpu.memory_space<vmem>>, vector<8192x128xf32>
    tpu.vector_store %arg4[%swap3A, %swap3A_10], %add3A_9 {strides = array<i32>} : memref<8192x128xf32, #tpu.memory_space<vmem>>, vector<8192x128xf32>,
    return
  }
  func.func @transform_0(%arg0: i32) -> (i32, i32) {
    %c0_i32 = arith.constant 0 : i32
    %c0_i32_0 = arith.constant 0 : i32
    return %arg0, %c0_i32 : i32, i32
  }
  func.func @transform_1(%arg0: i32) -> (i32, i32) {
    %c0_i32 = arith.constant 0 : i32
    %c0_i32_0 = arith.constant 0 : i32
    %c0_i32_1 = arith.constant 0 : i32
    return %c0_i32, %c0_i32_0 : i32, i32
  }
  func.func @transform_2(%arg0: i32) -> (i32, i32) {
    %c0_i32 = arith.constant 0 : i32
    %c0_i32_0 = arith.constant 0 : i32
    %c0_i32_1 = arith.constant 0 : i32
    return %c0_i32, %c0_i32_0 : i32, i32
  }
  func.func @transform_3(%arg0: i32) -> (i32, i32) {
    %c0_i32 = arith.constant 0 : i32
    %c0_i32_0 = arith.constant 0 : i32
    return %arg0, %c0_i32 : i32, i32
  }
}

</mosaic_0001>

<sc_bundles>
// kernel: kernel.4.cloned.1.call-start
scs
__scs_entry_jumppad:
0x0: {  	(pc) =	sbr.rel $0x88, $3  }
0x1: {  	(tag) =	ssettag $0x0;
	lr =	simm.s32 $0x1  }
0x2: {  	[smem:$0x3F9D] =	sst lr;
	_ =	strace $0xD0000000  }
0x3: {  	_ = 	snop  }
0x4: {  	_ = 	snop  }
0x5: {  	_ = 	snop  }
0x6: {  	_ = 	snop  }
0x7: {  	_ = 	snop  }
__scs_overlays_trampoline_lowered:
0x8: {  	[smem:$0x3FAC] =	sst s0  }
0x9: {  	[smem:$0x3FAD] =	sst s1  }
0xa: {  	[smem:$0x3FAE] =	sst s2  }
0xb: {  	[smem:$0x3FAF] =	sst s3  }
0xc: {  	[smem:$0x3FB0] =	sst s4  }
0xd: {  	[smem:$0x3FB1] =	sst s5  }
0xe: {  	[smem:$0x3FB2] =	sst s6  }
0xf: {  	[smem:$0x3FB3] =	sst s7  }
0x10: {  	[smem:$0x3FB4] =	sst s8  }
0x11: {  	[smem:$0x3FB5] =	sst s9;
	s0 =	simm.s32 @!p0 $0x0  }
0x12: {  	s1 =	sld [smem:$0x3F9B];
	s0 =	simm.s32 @p0 $0x1  }
0x13: {  	[smem:$0x3FB6] =	sst s0;
	s0 =	simm.s32 @!p1 $0x0  }
0x14: {  	s2 =	sld [smem:$0x3F9A];
	s0 =	simm.s32 @p1 $0x1  }
0x15: {  	[smem:$0x3FB7] =	sst s0;
	s0 =	simm.s32 @!p2 $0x0  }
0x16: {  	s3 =	sld [smem:$0x3FDB];
	s0 =	simm.s32 @p2 $0x1  }
0x17: {  	s4 =	simm.s32 $0x1BF5;
	[smem:$0x3FB9] =	sst s0  }
0x18: {  	s0 =	sld [smem:$0x3F9C];
	_ =	swait.ge [sflag:s4], $0x0  }
0x19: {  	s7 =	sld [smem:$0x3F9D]  }
0x1a: {  	s8 =	sadd.s32 $0xFFFFE003, lr  }
0x1b: {  	s9 =	sadd.s32 $0xFFFFFEF7, lr;
	s5 =	simm.s32 $0xFFFFFFFF;
	p2 =	slt.u32 s8, $0xFFFFF086  }
0x1c: {  	p1 =	slt.u32 s9, $0xF7A;
	s5 =	simm.s32 @!p2 $0x0  }
0x1d: {  	s5 =	simm.s32 @p1 $0x1;
	p0 =	seq.s32 s7, s2  }
0x1e: {  	s7 =	smul.u32 @!p0 $0xF7A, s2;
	p2 =	seq.s32 @!p0 s5, $0x0  }
0x1f: {  	s9 =	smul.u32 $0xF7A, s1;
	s8 =	simm.s32 @!p0 $0x1BF5;
	p2 =	por !p2, p0  }
0x20: {  	[sflag:s8] =	ssyncset.s32 @!p0 $0xFFFFF086;
	s6 =	sadd.s32 @!p0 s3, s7;
	s7 =	simm.s32 @!p0 $0x108  }
0x21: {  	s3 =	sadd.s32 s3, s9;
	s6 =	sadd.s32 @!p0 $0x88, s6;
	s7 =	simm.s32 @p2 $0x1082  }
0x22: {  	[simem:s7], [sflag:s8] =	dma.local @!p0 [hbm:s6], $0xF7A  }
0x23: {  	s9 =	sor.u32 $0xD0000000, s2;
	s6 =	simm.s32 $0x108;
	_ =	swait.ge @!p0 [sflag:s8], $0x0  }
0x24: {  	s3 =	sadd.s32 $0x88, s3;
	s6 =	simm.s32 @!p1 $0x1082;
	[sflag:s4] =	ssyncset.s32 $0xFFFFF086  }
0x25: {  	[simem:s6], [sflag:s4] =	dma.local [hbm:s3], $0xF7A  }
0x26: {  	[smem:$0x3F9D] =	sst s1;
	(tag) =	ssettag s2;
	_ =	strace s9  }
0x27: {  	s1 =	sld [smem:$0x3FAD]  }
0x28: {  	s2 =	sld [smem:$0x3FAE]  }
0x29: {  	s4 =	sld [smem:$0x3FB0]  }
0x2a: {  	p0 =	seq.s32 s5, $0x0;
	s5 =	sld [smem:$0x3FB1]  }
0x2b: {  	s6 =	sld [smem:$0x3FB2]  }
0x2c: {  	s7 =	sld [smem:$0x3FB3]  }
0x2d: {  	s3 =	simm.s32 $0x108;
	s8 =	sld [smem:$0x3FB4]  }
0x2e: {  	s3 =	simm.s32 @!p0 $0x1082;
	s9 =	sld [smem:$0x3FB5]  }
0x2f: {  	lr =	sadd.s32 s0, s3;
	s0 =	sld [smem:$0x3FAC]  }
0x30: {  	s3 =	sld [smem:$0x3FAF]  }
0x31: {  	[smem:$0x3FB8] =	sst s10  }
0x32: {  	s10 =	sld [smem:$0x3FB6];
	_ =	sdelay $0x3  }
0x33: {  	p0 =	seq.s32 s10, $0x1;
	s10 =	sld [smem:$0x3FB8];
	_ =	sdelay $0x3  }
0x34: {  	[smem:$0x3FB8] =	sst s10  }
0x35: {  	s10 =	sld [smem:$0x3FB7];
	_ =	sdelay $0x3  }
0x36: {  	p1 =	seq.s32 s10, $0x1;
	s10 =	sld [smem:$0x3FB8];
	_ =	sdelay $0x3  }
0x37: {  	[smem:$0x3FB8] =	sst s10  }
0x38: {  	s10 =	sld [smem:$0x3FB9]  }
0x39: {  	_ = 	snop;
	(pc) =	sbr.ind lr, $3  }
0x3a: {  	_ = 	snop  }
0x3b: {  	_ = 	snop  }
0x3c: {  	p2 =	seq.s32 s10, $0x1;
	s10 =	sld [smem:$0x3FB8]  }
0x3d: {  	_ =	shalt  }
0x3e: {  	_ =	shalt  }
0x3f: {  	_ =	shalt  }
0x40: {  	_ =	shalt  }
0x41: {  	_ =	shalt  }
0x42: {  	_ =	shalt  }
0x43: {  	_ =	shalt  }
0x44: {  	_ =	shalt  }
0x45: {  	_ =	shalt  }
0x46: {  	_ =	shalt  }
0x47: {  	_ =	shalt  }
0x48: {  	_ =	shalt  }
0x49: {  	_ =	shalt  }
0x4a: {  	_ =	shalt  }
0x4b: {  	_ =	shalt  }
0x4c: {  	_ =	shalt  }
0x4d: {  	_ =	shalt  }
0x4e: {  	_ =	shalt  }
0x4f: {  	_ =	shalt  }
0x50: {  	_ =	shalt  }
0x51: {  	_ =	shalt  }
0x52: {  	_ =	shalt  }
0x53: {  	_ =	shalt  }
0x54: {  	_ =	shalt  }
0x55: {  	_ =	shalt  }
0x56: {  	_ =	shalt  }
0x57: {  	_ =	shalt  }
0x58: {  	_ =	shalt  }
0x59: {  	_ =	shalt  }
0x5a: {  	_ =	shalt  }
0x5b: {  	_ =	shalt  }
0x5c: {  	_ =	shalt  }
0x5d: {  	_ =	shalt  }
0x5e: {  	_ =	shalt  }
0x5f: {  	_ =	shalt  }
0x60: {  	_ =	shalt  }
0x61: {  	_ =	shalt  }
0x62: {  	_ =	shalt  }
0x63: {  	_ =	shalt  }
0x64: {  	_ =	shalt  }
0x65: {  	_ =	shalt  }
0x66: {  	_ =	shalt  }
0x67: {  	_ =	shalt  }
0x68: {  	_ =	shalt  }
0x69: {  	_ =	shalt  }
0x6a: {  	_ =	shalt  }
0x6b: {  	_ =	shalt  }
0x6c: {  	_ =	shalt  }
0x6d: {  	_ =	shalt  }
0x6e: {  	_ =	shalt  }
0x6f: {  	_ =	shalt  }
0x70: {  	_ =	shalt  }
0x71: {  	_ =	shalt  }
0x72: {  	_ =	shalt  }
0x73: {  	_ =	shalt  }
0x74: {  	_ =	shalt  }
0x75: {  	_ =	shalt  }
0x76: {  	_ =	shalt  }
0x77: {  	_ =	shalt  }
0x78: {  	_ =	shalt  }
0x79: {  	_ =	shalt  }
0x7a: {  	_ =	shalt  }
0x7b: {  	_ =	shalt  }
0x7c: {  	_ =	shalt  }
0x7d: {  	_ =	shalt  }
0x7e: {  	_ =	shalt  }
0x7f: {  	_ =	shalt  }
0x80: {  	_ =	shalt  }
0x81: {  	_ =	shalt  }
0x82: {  	_ =	shalt  }
0x83: {  	_ =	shalt  }
0x84: {  	_ =	shalt  }
0x85: {  	_ =	shalt  }
0x86: {  	_ =	shalt  }
0x87: {  	_ =	shalt  }
.Lfunc_end0:
.L_simem_size_0:
called_computation_lowered:
.L_overlay_start_0:
0x88: {  	s2 =	sld [smem:$0x3FD9]  }
0x89: {  	s3 =	sld [smem:$0x3FFE];
	_ =	sdelay $0x1  }
0x8a: {  	s1 =	srdreg.scid  }
0x8b: {  	s0 =	sand.u32 $0x1, s1  }
0x8c: {  	s17 =	sshll.u32 s0, $0xA;
	s2 =	sadd.s32 s3, s2  }
0x8d: {  	s2 =	sadd.s32 s2, s17  }
0x8e: {  	[smem:$0x3FC4] =	sst s2  }
0x8f: {  	_ = 	snop  }
0x90: {  	s2 =	sld [smem:$0x3FC9]  }
0x91: {  	s18 =	sld [smem:$0x3FD0];
	(tm) =	ssettm $0x1  }
0x92: {  	s4 =	sld [smem:$0x3FFB];
	_ =	sdelay $0x3  }
0x93: {  	_ =	strace s4  }
0x94: {  	s4 =	sld [smem:$0x3FFC];
	_ =	sdelay $0x3  }
0x95: {  	_ =	strace s4  }
0x96: {  	s4 =	sld [smem:$0x3FFD];
	_ =	sdelay $0x3  }
0x97: {  	_ =	strace s4  }
0x98: {  	_ =	strace $0x8FFFFFFF  }
0x99: {  	s19 =	sld [smem:$0x3FDB];
	_ =	sdelay $0x1  }
0x9a: {  	s5 =	simm.s32 $_scs_section_size  }
0x9b: {  	s6 =	simm.s32 $_size__tile_overlayer_lowered;
	s7 =	simm.s32 $_tile_overlayer_lowered  }
0x9c: {  	s22 =	simm.s32 $0x1BFF;
	s21 =	sshll.u32 s7, $0x1;
	s4 =	sadd.s32 s5, s19  }
0x9d: {  	s8 =	simm.s32 $0x0;
	s20 =	sshll.u32 s6, $0x1;
	s6 =	sadd.s32 s21, s4  }
0x9e: {  	[timem:s8], [sflag:s22] =	dma.local [hbm:s6], s20  }
0x9f: {  	_ =	swait.ge [sflag:s22], s20  }
0xa0: {  	s5 =	ssub.s32 $0x0, s20;
	[sflag:s22] =	ssyncset.done $0x0  }
0xa1: {  	[sflag:s22] =	ssyncadd.s32 s5;
	_ =	sdelay $0x1  }
0xa2: {  	s23 =	simm.s32 $0x1B8B  }
0xa3: {  	_ =	swait.ge [sflag:s23], $0x1  }
0xa4: {  	[sflag:s23] =	ssyncset.done $0x0  }
0xa5: {  	s25 =	simm.s32 $0x1B8E;
	s24 =	sld [smem:$0x3FFE];
	[sflag:s23] =	ssyncadd.s32 $0xFFFFFFFF  }
0xa6: {  	s26 =	simm.s32 $execute0_lowered;
	[smem:$0x3FD2] =	sst s25  }
0xa7: {  	s6 =	sshll.u32 s26, $0x1;
	_ =	strace $0x80000046;
	[dreg:$0x1] =	wrdreg $0xFFFFFFFF  }
0xa8: {  	s28 =	simm.s32 $_size_execute0_lowered;
	s4 =	sadd.s32 s4, s6;
	[dreg:$0x0] =	wrdreg $0x0  }
0xa9: {  	s6 =	sshll.u32 s28, $0x1;
	[dreg:$0x2] =	wrdreg s4  }
0xaa: {  	[dreg:$0x3] =	wrdreg s6  }
0xab: {  	[dreg:$0x4] =	wrdreg $0xC0  }
0xac: {  	_ =	task [dreg:s8], $0x5FFFF  }
0xad: {  	[dreg:$0x1] =	wrdreg $0xFFFFFFFF  }
0xae: {  	[dreg:$0x0] =	wrdreg $0x60  }
0xaf: {  	[dreg:$0x2] =	wrdreg s2  }
0xb0: {  	[dreg:$0x3] =	wrdreg s24  }
0xb1: {  	[dreg:$0x4] =	wrdreg s18  }
0xb2: {  	[dreg:$0x5] =	wrdreg $0x9  }
0xb3: {  	_ =	task.clear_ibuf [dreg:s8], $0x6FFFF;
	_ =	strace $0x90000046  }
0xb4: {  	s29 =	simm.s32 $0x9;
	_ =	strace $0x80000048  }
0xb5: {  	_ =	swait.ge [sflag:s29], $0x1  }
0xb6: {  	[sflag:s29] =	ssyncadd.s32 $0xFFFFFFFF  }
0xb7: {  	_ =	strace $0x90000048  }
0xb8: {  	_ =	sfence  }
0xb9: {  	s30 =	sld [smem:$0x0];
	_ =	sdelay $0x2  }
0xba: {  	s31 =	sshll.u32 s1, $0xD;
	s1 =	sshrl.u32 s1, $0x2  }
0xbb: {  	s3 =	sand.u32 $0x4000, s31;
	s1 =	sadd.s32 s1, s30  }
0xbc: {  	s0 =	sor.u32 s3, s0;
	s1 =	sshll.u32 s1, $0x11  }
0xbd: {  	s0 =	sor.u32 s1, s0  }
0xbe: {  	s0 =	sadd.s32 $0x8F2B, s0  }
0xbf: {  	[sflag:s0] =	ssyncadd.remote.s32 $0x1  }
0xc0: {  	_ =	sfence.sel $0xFFFF  }
0xc1: {  	[dreg:$0x0] =	wrdreg $0xFFFFFFFF;
	(pc) =	sbr.abs _section_cstart, $3  }
0xc2: {  	[dreg:$0x1] =	wrdreg $0xFFFFFFFF  }
0xc3: {  	_ =	task.clear_ibuf [dreg:s8], $0x2FFFF;
	_ =	strace $0x9FFFFFFF  }
0xc4: {  	(tm) =	ssettm $0x7FFFFFFF  }
0xc5: {  	_ =	shalt  }
tec
execute0_lowered:
.L_overlay_start_1:
0x0: {  	(tag) =	ssettag $0x1  }
0x1: {  	s0 =	rddreg [dreg:$0x0]  }
0x2: {  	s1 =	rddreg [dreg:$0x1]  }
0x3: {  	s2 =	rddreg [dreg:$0x2];
	s3 =	srdreg.scid;
	s6 =	simm.s32 $0x0  }
0x4: {  	s4 =	stileid.u32;
	s7 =	simm.s32 $0x10000;
	s3 =	sand.u32 $0x1, s3  }
0x5: {  	[smem:$0x7FF] =	sst s6;
	s4 =	sshll.u32 s4, $0xE;
	s5 =	sshll.u32 s3, $0xD  }
0x6: {  	s1 =	sadd.s32 $0xA00, s1;
	_ =	strace $0x80000047;
	s4 =	sor.u32 s5, s4  }
0x7: {  	v0 =	vlaneseq.u32;
	s3 =	ssub.s32 $0x2, s3;
	[dreg:$0x4] =	wrdreg s1;
	s28 =	sadd.s32 s0, s4  }
0x8: {  	v8 =	vmul.u32 $0x30, v0;
	s5 =	sor.u32 $0x1000, s4;
	s29 =	sadd.s32 s2, s4;
	[dreg:$0x5] =	wrdreg s28  }
0x9: {  	s26 =	sshrl.u32 s3, $0x1;
	s0 =	sadd.s32 s0, s5;
	[dreg:$0x7] =	wrdreg s29  }
0xa: {  	v1 =	vadd.s32 $0xFFFFFFFF, v8;
	v2 =	vadd.s32 $0x2FF, v8;
	s1 =	ssub.s32 s3, s26;
	s30 =	sadd.s32 s2, s5;
	[dreg:$0x6] =	wrdreg s0  }
0xb: {  	s16 =	simm.s32 $0x16100;
	v3 =	vadd.s32 $0x5FF, v8;
	v4 =	vadd.s32 $0x8FF, v8;
	v5 =	vadd.s32 $0xBFF, v8;
	s31 =	smax.u32 s1, $0x1;
	[dreg:$0x8] =	wrdreg s30  }
0xc: {  	s15 =	simm.s32 $0x10000;
	v6 =	vadd.s32 $0xEFF, v8;
	v7 =	vadd.s32 $0x11FF, v8;
	v8 =	vadd.s32 $0x14FF, v8;
	s2 =	simm.s32 $0x0;
	[dreg:$0x9] =	wrdreg s31  }
.LBB2_1:
0xd: {  	[dreg:$0xa] =	wrdreg s2;
	s0 =	simm.s32 $0x0  }
0xe: {  	s2 =	rddreg [dreg:$0x4];
	v9 =	vadd.s32 s0, v0  }
0xf: {  	[tilespmem:s7], [sflag:$0x1] =	stream.linear.gather [hbm4b:s2+s6], $0x1900, $0x38;
	vm0 =	vlt.s32 v9, $0x18FC;
	[tilespmem:$0x17900] =	vst v63  }
0x10: {  	s3 =	rddreg [dreg:$0x5];
	s4 =	simm.s32 $0x1;
	v9 =	vnsel vm0, $0x18FC, v9  }
0x11: {  	[tilespmem:s6], [sflag:$0x2] =	stream.linear.gather [hbm4b:s3+s6], $0x8000, $0x38;
	v10 =	vadd.s32 $0x3, v9;
	[tilespmem:$0x17900] =	vst v63  }
0x12: {  	_ =	swait.ge [sflag:s4], $0x1900;
	v11 =	vadd.s32 $0x2, v9  }
0x13: {  	v12 =	vadd.s32 $0x1, v9;
	[sflag:s4] =	ssyncset.done $0x0  }
0x14: {  	[sflag:s4] =	ssyncadd.s32 $0xFFFFE700  }
0x15: {  	v9 =	vld.idx.msk [tilespmem:v9+s7+$0x0], $0xffff  }
0x16: {  	v10 =	vld.idx.msk [tilespmem:v10+s7+$0x0], $0xffff  }
0x17: {  	s5 =	simm.s32 $0x32;
	s9 =	simm.s32 $0x42;
	v11 =	vld.idx.msk [tilespmem:v11+s7+$0x0], $0xffff  }
0x18: {  	s11 =	simm.s32 $0x20;
	s1 =	simm.s32 $0x96;
	v13 =	vadd.s32 s5, v0;
	v20 =	vadd.s32 s9, v0;
	v12 =	vld.idx.msk [tilespmem:v12+s7+$0x0], $0xffff  }
0x19: {  	s12 =	simm.s32 $0xA6;
	s14 =	simm.s32 $0xC8;
	v24 =	vadd.s32 s11, v0;
	v26 =	vadd.s32 s1, v0;
	vm14 =	vlt.s32 v13, $0x18FC  }
0x1a: {  	s17 =	simm.s32 $0xD8;
	s19 =	simm.s32 $0xFA;
	v28 =	vadd.s32 s12, v0;
	v35 =	vadd.s32 s14, v0;
	v13 =	vnsel vm14, $0x18FC, v13  }
0x1b: {  	v36 =	vadd.s32 s17, v0;
	v53 =	vadd.s32 s19, v0;
	s6 =	simm.s32 $0x10;
	v14 =	vadd.s32 $0x3, v13  }
0x1c: {  	v15 =	vadd.s32 s6, v0;
	v16 =	vadd.s32 $0x2, v13;
	v17 =	vsub.f32 v11, v9  }
0x1d: {  	v18 =	vadd.s32 $0x1, v13;
	v19 =	vsub.f32 v12, v11;
	v9 =	vsub.f32 v10, v9  }
0x1e: {  	s8 =	simm.s32 $0x64;
	vm15 =	vlt.s32 v15, $0x18FC;
	v10 =	vsub.f32 v11, v12;
	v11 =	vmul.f32 $5.000000000e-01, v17  }
0x1f: {  	s20 =	simm.s32 $0x10A;
	v9 =	vmul.f32 $5.000000000e-01, v9;
	v17 =	vmul.f32 $1.500000000e+00, v19;
	v19 =	vadd.s32 s8, v0  }
0x20: {  	v56 =	vadd.s32 s20, v0;
	v15 =	vnsel vm15, $0x18FC, v15;
	v13 =	vld.idx.msk [tilespmem:v13+s7+$0x0], $0xffff;
	vm4 =	vlt.s32 v19, $0x18FC  }
0x21: {  	v16 =	vld.idx.msk [tilespmem:v16+s7+$0x0], $0xffff;
	v10 =	vsub.f32 v10, v11;
	v9 =	vadd.f32 v9, v17;
	v17 =	vnsel vm4, $0x18FC, v19  }
0x22: {  	vm5 =	vlt.s32 v20, $0x18FC;
	vm7 =	vlt.s32 v26, $0x18FC;
	s6 =	simm.s32 $0x11920;
	v14 =	vld.idx.msk [tilespmem:v14+s7+$0x0], $0xffff;
	v19 =	vadd.s32 $0x2, v15  }
0x23: {  	s31 =	simm.s32 $0x13120;
	vm8 =	vlt.s32 v24, $0x18FC;
	v18 =	vld.idx.msk [tilespmem:v18+s7+$0x0], $0xffff;
	[tilespmem:s6+$0xFFFFFFE0] =	vst v12;
	v12 =	vadd.s32 $0x1, v15;
	v10 =	vsub.f32 v10, v9  }
0x24: {  	s24 =	simm.s32 $0x14920;
	vm9 =	vlt.s32 v28, $0x18FC;
	vm10 =	vlt.s32 v35, $0x18FC;
	[tilespmem:s31+$0xFFFFFFE0] =	vst v11;
	v11 =	vadd.s32 $0x3, v17  }
0x25: {  	s26 =	simm.s32 $0x16120;
	vm12 =	vlt.s32 v36, $0x18FC;
	vm13 =	vlt.s32 v53, $0x18FC;
	v21 =	vadd.s32 $0x1, v17;
	[tilespmem:s24+$0xFFFFFFE0] =	vst v10  }
0x26: {  	v20 =	vnsel vm5, $0x18FC, v20;
	v22 =	vsub.f32 v16, v13;
	v10 =	vadd.s32 $0x2, v17;
	[tilespmem:s26+$0xFFFFFFE0] =	vst v9;
	v9 =	vld.idx.msk [tilespmem:v17+s7+$0x0], $0xffff  }
0x27: {  	v26 =	vnsel vm7, $0x18FC, v26;
	v33 =	vnsel vm8, $0x18FC, v24;
	v13 =	vsub.f32 v14, v13;
	v14 =	vld.idx.msk [tilespmem:v19+s7+$0x0], $0xffff  }
0x28: {  	v23 =	vsub.f32 v18, v16;
	v17 =	vadd.s32 $0x3, v15;
	v19 =	vmul.f32 $5.000000000e-01, v22;
	v22 =	vld.idx.msk [tilespmem:v12+s7+$0x0], $0xffff  }
0x29: {  	v35 =	vnsel vm10, $0x18FC, v35;
	v27 =	vadd.s32 $0x2, v20;
	v29 =	vadd.s32 $0x1, v26;
	v11 =	vld.idx.msk [tilespmem:v11+s7+$0x0], $0xffff  }
0x2a: {  	v16 =	vsub.f32 v16, v18;
	v13 =	vmul.f32 $5.000000000e-01, v13;
	v23 =	vmul.f32 $1.500000000e+00, v23;
	v21 =	vld.idx.msk [tilespmem:v21+s7+$0x0], $0xffff  }
0x2b: {  	s10 =	simm.s32 $0x74;
	v30 =	vadd.s32 $0x2, v26;
	v38 =	vadd.s32 $0x1, v35;
	v40 =	vadd.s32 $0x3, v35;
	v10 =	vld.idx.msk [tilespmem:v10+s7+$0x0], $0xffff  }
0x2c: {  	s0 =	simm.s32 $0x11950;
	v13 =	vadd.f32 v13, v23;
	v12 =	vadd.s32 s10, v0;
	v15 =	vld.idx.msk [tilespmem:v15+s7+$0x0], $0xffff;
	v16 =	vsub.f32 v16, v19  }
0x2d: {  	vm15 =	vlt.s32 v56, $0x18FC;
	[tilespmem:s0+$0xFFFFFFE0] =	vst v18;
	v18 =	vadd.s32 $0x3, v26;
	vm6 =	vlt.s32 v12, $0x18FC;
	v17 =	vld.idx.msk [tilespmem:v17+s7+$0x0], $0xffff  }
0x2e: {  	s23 =	simm.s32 $0x13150;
	v23 =	vadd.s32 $0x1, v20;
	v25 =	vnsel vm6, $0x18FC, v12;
	v16 =	vsub.f32 v16, v13  }
0x2f: {  	s22 =	simm.s32 $0x14950;
	v12 =	vadd.s32 $0x3, v20;
	[tilespmem:s23+$0xFFFFFFE0] =	vst v19;
	v50 =	vadd.s32 $0x3, v25;
	v19 =	vsub.f32 v14, v22  }
0x30: {  	s21 =	simm.s32 $0x16150;
	v34 =	vadd.s32 $0x1, v25;
	[tilespmem:s22+$0xFFFFFFE0] =	vst v16;
	v31 =	vsub.f32 v10, v9;
	v32 =	vsub.f32 v21, v10  }
0x31: {  	s28 =	simm.s32 $0x11980;
	[tilespmem:s21+$0xFFFFFFE0] =	vst v13;
	v13 =	vld.idx.msk [tilespmem:v26+s7+$0x0], $0xffff;
	v26 =	vadd.s32 $0x2, v33;
	v10 =	vsub.f32 v10, v21;
	v9 =	vsub.f32 v11, v9  }
0x32: {  	v30 =	vld.idx.msk [tilespmem:v30+s7+$0x0], $0xffff;
	[tilespmem:s28+$0xFFFFFFE0] =	vst v21;
	v21 =	vadd.s32 $0x2, v35;
	v16 =	vsub.f32 v17, v15;
	v17 =	vsub.f32 v22, v14  }
0x33: {  	v18 =	vld.idx.msk [tilespmem:v18+s7+$0x0], $0xffff;
	v14 =	vsub.f32 v14, v15;
	v11 =	vmul.f32 $5.000000000e-01, v31;
	v24 =	vmul.f32 $5.000000000e-01, v9  }
0x34: {  	v15 =	vld.idx.msk [tilespmem:v27+s7+$0x0], $0xffff;
	v31 =	vadd.s32 $0x1, v33;
	v9 =	vnsel vm9, $0x18FC, v28;
	v27 =	vmul.f32 $1.500000000e+00, v32  }
0x35: {  	s8 =	simm.s32 $0xB6;
	v12 =	vld.idx.msk [tilespmem:v12+s7+$0x0], $0xffff;
	v28 =	vadd.s32 $0x3, v33;
	v17 =	vmul.f32 $1.500000000e+00, v17;
	v16 =	vmul.f32 $5.000000000e-01, v16  }
0x36: {  	v32 =	vadd.s32 s8, v0;
	v14 =	vmul.f32 $5.000000000e-01, v14;
	v24 =	vadd.f32 v24, v27;
	v27 =	vld.idx.msk [tilespmem:v29+s7+$0x0], $0xffff  }
0x37: {  	s13 =	simm.s32 $0x52;
	v54 =	vadd.s32 $0x2, v9;
	v10 =	vsub.f32 v10, v11;
	v16 =	vadd.f32 v16, v17;
	v17 =	vld.idx.msk [tilespmem:v20+s7+$0x0], $0xffff  }
0x38: {  	s18 =	simm.s32 $0x84;
	[tilespmem:s6+$0xFFFFFFF0] =	vst v22;
	v29 =	vadd.s32 s13, v0;
	v19 =	vsub.f32 v19, v14;
	v20 =	vld.idx.msk [tilespmem:v23+s7+$0x0], $0xffff;
	v23 =	vadd.s32 $0x2, v25  }
0x39: {  	s25 =	simm.s32 $0x13180;
	v52 =	vld.idx.msk [tilespmem:v40+s7+$0x0], $0xffff;
	vm11 =	vlt.s32 v29, $0x18FC;
	[tilespmem:s31+$0xFFFFFFF0] =	vst v14;
	v14 =	vadd.s32 s18, v0;
	v10 =	vsub.f32 v10, v24  }
0x3a: {  	s29 =	simm.s32 $0x14980;
	v38 =	vld.idx.msk [tilespmem:v38+s7+$0x0], $0xffff;
	[tilespmem:s25+$0xFFFFFFE0] =	vst v11;
	v11 =	vnsel vm11, $0x18FC, v29;
	vm14 =	vlt.s32 v14, $0x18FC;
	v37 =	vsub.f32 v19, v16  }
0x3b: {  	s30 =	simm.s32 $0x16180;
	v21 =	vld.idx.msk [tilespmem:v21+s7+$0x0], $0xffff;
	v19 =	vsub.f32 v30, v13;
	v13 =	vsub.f32 v18, v13;
	v18 =	vadd.s32 $0x3, v11;
	[tilespmem:s29+$0xFFFFFFE0] =	vst v10  }
0x3c: {  	v35 =	vld.idx.msk [tilespmem:v35+s7+$0x0], $0xffff;
	v14 =	vnsel vm14, $0x18FC, v14;
	v39 =	vsub.f32 v27, v30;
	v30 =	vsub.f32 v30, v27;
	[tilespmem:s30+$0xFFFFFFE0] =	vst v24  }
0x3d: {  	v41 =	vmul.f32 $5.000000000e-01, v19;
	v13 =	vmul.f32 $5.000000000e-01, v13;
	v29 =	vsub.f32 v12, v17;
	v23 =	vld.idx.msk [tilespmem:v23+s7+$0x0], $0xffff  }
0x3e: {  	v19 =	vadd.s32 $0x3, v9;
	[tilespmem:s24+$0xFFFFFFF0] =	vst v37;
	v10 =	vsub.f32 v20, v15;
	v24 =	vsub.f32 v15, v20;
	v34 =	vld.idx.msk [tilespmem:v34+s7+$0x0], $0xffff  }
0x3f: {  	v12 =	vadd.s32 $0x2, v11;
	v17 =	vsub.f32 v15, v17;
	v15 =	vadd.s32 $0x1, v11;
	v55 =	vld.idx.msk [tilespmem:v25+s7+$0x0], $0xffff;
	[tilespmem:s26+$0xFFFFFFF0] =	vst v16  }
0x40: {  	v25 =	vnsel vm13, $0x18FC, v53;
	v16 =	vsub.f32 v21, v38;
	v51 =	vmul.f32 $1.500000000e+00, v39;
	v44 =	vld.idx.msk [tilespmem:v31+s7+$0x0], $0xffff  }
0x41: {  	v30 =	vsub.f32 v30, v41;
	v57 =	vld.idx.msk [tilespmem:v33+s7+$0x0], $0xffff;
	v42 =	vmul.f32 $1.500000000e+00, v10;
	v17 =	vmul.f32 $5.000000000e-01, v17  }
0x42: {  	[tilespmem:s0+$0xFFFFFFF0] =	vst v20;
	v20 =	vld.idx.msk [tilespmem:v28+s7+$0x0], $0xffff;
	v10 =	vnsel vm12, $0x18FC, v36;
	v22 =	vmul.f32 $5.000000000e-01, v29;
	v36 =	vadd.f32 v13, v51  }
0x43: {  	v45 =	vadd.s32 $0x1, v25;
	v28 =	vsub.f32 v38, v21;
	v47 =	vld.idx.msk [tilespmem:v26+s7+$0x0], $0xffff;
	v13 =	vsub.f32 v24, v17  }
0x44: {  	v58 =	vadd.s32 $0x2, v25;
	v24 =	vadd.f32 v22, v42;
	v30 =	vsub.f32 v30, v36  }
0x45: {  	s5 =	simm.s32 $0x119E0;
	v46 =	vadd.s32 $0x3, v25;
	v22 =	vld.idx.msk [tilespmem:v50+s7+$0x0], $0xffff;
	[tilespmem:s23+$0xFFFFFFF0] =	vst v17;
	v17 =	vsub.f32 v34, v23;
	v59 =	vsub.f32 v23, v34  }
0x46: {  	s1 =	simm.s32 $0x119B0;
	[tilespmem:s5+$0xFFFFFFE0] =	vst v38;
	v29 =	vadd.s32 $0x1, v9;
	v23 =	vsub.f32 v23, v55;
	v43 =	vsub.f32 v13, v24  }
0x47: {  	s4 =	simm.s32 $0x131B0;
	[tilespmem:s1+$0xFFFFFFE0] =	vst v27;
	v63 =	vmul.f32 $1.500000000e+00, v28;
	v13 =	vsub.f32 v21, v35;
	v21 =	vsub.f32 v52, v35  }
0x48: {  	[tilespmem:s4+$0xFFFFFFE0] =	vst v41;
	v28 =	vadd.s32 $0x3, v10;
	v62 =	vsub.f32 v20, v57;
	v35 =	vsub.f32 v44, v47  }
0x49: {  	s11 =	simm.s32 $0x149B0;
	v25 =	vld.idx.msk [tilespmem:v25+s7+$0x0], $0xffff;
	[tilespmem:s28+$0xFFFFFFF0] =	vst v34;
	v38 =	vsub.f32 v47, v57;
	v39 =	vsub.f32 v47, v44;
	v61 =	vmul.f32 $1.500000000e+00, v17  }
0x4a: {  	s3 =	simm.s32 $0x161B0;
	v34 =	vld.idx.msk [tilespmem:v58+s15+$0x0], $0xffff;
	[tilespmem:s11+$0xFFFFFFE0] =	vst v30;
	v17 =	vadd.s32 $0x3, v14;
	v27 =	vmul.f32 $5.000000000e-01, v13;
	v26 =	vsub.f32 v22, v55  }
0x4b: {  	v30 =	vld.idx.msk [tilespmem:v46+s15+$0x0], $0xffff;
	v13 =	vadd.s32 $0x2, v14;
	v60 =	vmul.f32 $5.000000000e-01, v21;
	[tilespmem:s3+$0xFFFFFFE0] =	vst v36;
	v36 =	vmul.f32 $5.000000000e-01, v62  }
0x4c: {  	s2 =	simm.s32 $0x11A;
	s20 =	simm.s32 $0x14C;
	s17 =	simm.s32 $0x149E0;
	[tilespmem:s6+$0x0] =	vst v44;
	v22 =	vnsel vm15, $0x18FC, v56;
	v20 =	vld.idx.msk [tilespmem:v29+s7+$0x0], $0xffff;
	v29 =	vmul.f32 $5.000000000e-01, v23;
	v26 =	vmul.f32 $5.000000000e-01, v26  }
0x4d: {  	s12 =	simm.s32 $0x161E0;
	s10 =	simm.s32 $0x149E0;
	s8 =	simm.s32 $0x161E0;
	[tilespmem:s22+$0xFFFFFFF0] =	vst v43;
	v21 =	vld.idx.msk [tilespmem:v54+s7+$0x0], $0xffff;
	v23 =	vadd.s32 $0x1, v10;
	v31 =	vsub.f32 v16, v27;
	v33 =	vadd.f32 v60, v63  }
0x4e: {  	s18 =	simm.s32 $0xE8;
	s6 =	simm.s32 $0x131E0;
	s7 =	simm.s32 $0x11A10;
	v16 =	vadd.s32 $0x1, v14;
	v37 =	vsub.f32 v59, v29;
	[tilespmem:s25+$0xFFFFFFF0] =	vst v29;
	v29 =	vld.idx.msk [tilespmem:v45+s15+$0x0], $0xffff;
	v26 =	vadd.f32 v26, v61  }
.LBB2_2:
0x4f: {  	s13 =	sadd.s32 $0xFFFFFFE0, s20  }
0x50: {  	s14 =	sadd.s32 $0xFFFFFFF0, s20;
	v31 =	vsub.f32 v31, v33;
	[tilespmem:s6+$0xFFFFFFE0] =	vst v27;
	v40 =	vadd.s32 $0x2, v10;
	v41 =	vld.idx.msk [tilespmem:v19+s15+$0x0], $0xffff;
	v27 =	vmul.f32 $5.000000000e-01, v38;
	v19 =	vmovc v28;
	s19 =	smov.u32 s20;
	s9 =	sadd.s32 $0x32, s20  }
0x51: {  	p0 =	sne.s32 s20, $0x18EE;
	v28 =	vadd.s32 s13, v0;
	v38 =	vadd.s32 s14, v0;
	v42 =	vld.idx.msk [tilespmem:v9+s15+$0x0], $0xffff;
	[tilespmem:s21+$0xFFFFFFF0] =	vst v24;
	v24 =	vmul.f32 $1.500000000e+00, v35;
	v9 =	vmovc v10;
	v10 =	vmovc v22  }
0x52: {  	v43 =	vsub.f32 v37, v26;
	vm0 =	vlt.s32 v28, $0x18FC;
	v44 =	vld.idx.msk [tilespmem:v15+s15+$0x0], $0xffff;
	v22 =	vsub.f32 v39, v27;
	[tilespmem:s31+$0x0] =	vst v27;
	s31 =	smov.u32 s23;
	s23 =	smov.u32 s25;
	s25 =	smov.u32 s4  }
0x53: {  	s4 =	smov.u32 s6;
	v28 =	vnsel vm0, $0x18FC, v28;
	[tilespmem:s17+$0xFFFFFFE0] =	vst v31;
	vm0 =	vlt.s32 v32, $0x18FC;
	v37 =	vld.idx.msk [tilespmem:v11+s15+$0x0], $0xffff;
	v35 =	vadd.f32 v36, v24;
	v11 =	vmovc v14  }
0x54: {  	v15 =	vmovc v16;
	v31 =	vsub.f32 v34, v25;
	v39 =	vadd.s32 $0x1, v28;
	v36 =	vadd.s32 $0x2, v28;
	[tilespmem:s12+$0xFFFFFFE0] =	vst v33;
	v33 =	vld.idx.msk [tilespmem:v18+s15+$0x0], $0xffff  }
0x55: {  	v45 =	vadd.s32 $0x3, v28;
	v46 =	vsub.f32 v29, v34;
	v16 =	vsub.f32 v34, v29;
	[tilespmem:s1+$0xFFFFFFF0] =	vst v20;
	v47 =	vld.idx.msk [tilespmem:v12+s15+$0x0], $0xffff  }
0x56: {  	v30 =	vsub.f32 v30, v25;
	s6 =	sadd.s32 $0x30, s6;
	v14 =	vnsel vm0, $0x18FC, v32;
	v22 =	vsub.f32 v22, v35;
	v12 =	vmovc v13;
	[tilespmem:s7+$0xFFFFFFE0] =	vst v29  }
0x57: {  	vm0 =	vlt.s32 v38, $0x18FC;
	v18 =	vmovc v17;
	v27 =	vmul.f32 $5.000000000e-01, v31;
	v24 =	vmovc v26;
	v29 =	vsub.f32 v41, v42  }
0x58: {  	s17 =	sadd.s32 $0x30, s17;
	v17 =	vsub.f32 v20, v21;
	v26 =	vsub.f32 v21, v20;
	v13 =	vadd.s32 $0x2, v14;
	v25 =	vld.idx.msk [tilespmem:v28+s15+$0x0], $0xffff;
	[tilespmem:s24+$0x0] =	vst v22;
	s24 =	smov.u32 s22;
	s22 =	smov.u32 s29  }
0x59: {  	v32 =	vmul.f32 $5.000000000e-01, v30;
	s12 =	sadd.s32 $0x30, s12;
	v31 =	vsub.f32 v16, v27;
	v16 =	vadd.s32 $0x1, v14;
	s29 =	smov.u32 s11;
	s11 =	smov.u32 s10;
	[tilespmem:s26+$0x0] =	vst v35  }
0x5a: {  	v30 =	vsub.f32 v21, v42;
	v41 =	vmul.f32 $1.500000000e+00, v17;
	v22 =	vnsel vm0, $0x18FC, v38;
	s10 =	smov.u32 s17;
	s26 =	smov.u32 s21;
	s21 =	smov.u32 s30;
	[tilespmem:s0+$0x0] =	vst v44  }
.Ltmp0:
0x5b: {  	v17 =	vadd.s32 $0x3, v14;
	s30 =	smov.u32 s3;
	s3 =	smov.u32 s8;
	v35 =	vsub.f32 v44, v47;
	v21 =	vld.idx.msk [tilespmem:v40+s15+$0x0], $0xffff;
	v40 =	vsub.f32 v33, v37;
	(pc) =	sbr.rel @p0 .LBB2_2-.Ltmp0, $4  }
0x5c: {  	v28 =	vadd.s32 $0x3, v10;
	v42 =	vmul.f32 $5.000000000e-01, v30;
	s8 =	smov.u32 s12;
	s0 =	smov.u32 s28;
	s28 =	smov.u32 s1;
	v33 =	vmul.f32 $1.500000000e+00, v46;
	v20 =	vld.idx.msk [tilespmem:v23+s15+$0x0], $0xffff  }
0x5d: {  	v38 =	vsub.f32 v47, v37;
	s1 =	smov.u32 s5;
	s5 =	smov.u32 s7;
	v23 =	vadd.s32 $0x1, v10;
	v30 =	vld.idx.msk [tilespmem:v45+s15+$0x0], $0xffff;
	v45 =	vmul.f32 $5.000000000e-01, v29  }
0x5e: {  	s20 =	smov.u32 s9;
	v37 =	vsub.f32 v26, v42;
	v33 =	vadd.f32 v32, v33;
	v34 =	vld.idx.msk [tilespmem:v36+s15+$0x0], $0xffff;
	[tilespmem:s25+$0xFFFFFFF0] =	vst v42;
	v36 =	vmul.f32 $5.000000000e-01, v40  }
0x5f: {  	s7 =	sadd.s32 $0x30, s7;
	v32 =	vadd.s32 s18, v0;
	s18 =	smov.u32 s2;
	s2 =	smov.u32 s19;
	v29 =	vld.idx.msk [tilespmem:v39+s15+$0x0], $0xffff;
	v26 =	vadd.f32 v45, v41;
	[tilespmem:s22+$0xFFFFFFF0] =	vst v43;
	v39 =	vsub.f32 v47, v44  }
0x60: {  	_ =	sdelay $0x2  }
0x61: {  	v35 =	vmul.f32 $1.500000000e+00, v35;
	v40 =	vadd.s32 s18, v0;
	v31 =	vsub.f32 v31, v33  }
0x62: {  	v19 =	vld.idx.msk [tilespmem:v19+s15+$0x0], $0xffff;
	v38 =	vmul.f32 $5.000000000e-01, v38;
	[tilespmem:s21+$0xFFFFFFF0] =	vst v24;
	v24 =	vadd.s32 $0x2, v10;
	v59 =	vsub.f32 v34, v25  }
0x63: {  	v9 =	vld.idx.msk [tilespmem:v9+s15+$0x0], $0xffff;
	vm0 =	vlt.s32 v32, $0x18FC;
	v25 =	vsub.f32 v30, v25;
	v30 =	vsub.f32 v29, v34  }
0x64: {  	v60 =	vadd.s32 $0x2, v22;
	v11 =	vld.idx.msk [tilespmem:v11+s15+$0x0], $0xffff;
	v35 =	vadd.f32 v36, v35;
	v36 =	vmul.f32 $5.000000000e-01, v59  }
0x65: {  	[tilespmem:s6+$0xFFFFFFE0] =	vst v27;
	v18 =	vld.idx.msk [tilespmem:v18+s15+$0x0], $0xffff;
	v27 =	vsub.f32 v34, v29;
	v25 =	vmul.f32 $5.000000000e-01, v25;
	v30 =	vmul.f32 $1.500000000e+00, v30  }
0x66: {  	v61 =	vadd.s32 s2, v0;
	v62 =	vadd.s32 $0x1, v22;
	v37 =	vsub.f32 v37, v26;
	v12 =	vld.idx.msk [tilespmem:v12+s15+$0x0], $0xffff;
	[tilespmem:s17+$0xFFFFFFE0] =	vst v31  }
0x67: {  	v63 =	vadd.s32 $0x3, v22;
	v15 =	vld.idx.msk [tilespmem:v15+s15+$0x0], $0xffff;
	[tilespmem:s12+$0xFFFFFFE0] =	vst v33;
	v27 =	vsub.f32 v27, v36;
	v25 =	vadd.f32 v25, v30  }
0x68: {  	v32 =	vnsel vm0, $0x18FC, v32;
	v39 =	vsub.f32 v39, v38;
	[tilespmem:s31+$0x0] =	vst v38;
	v23 =	vld.idx.msk [tilespmem:v23+s15+$0x0], $0xffff;
	v19 =	vsub.f32 v19, v9  }
0x69: {  	s18 =	sadd.s32 $0x30, s6;
	vm14 =	vlt.s32 v40, $0x18FC;
	[tilespmem:s7+$0xFFFFFFE0] =	vst v29;
	v10 =	vld.idx.msk [tilespmem:v10+s15+$0x0], $0xffff;
	v9 =	vsub.f32 v21, v9;
	v27 =	vsub.f32 v27, v25  }
0x6a: {  	s19 =	sadd.s32 $0x30, s17;
	vm15 =	vlt.s32 v61, $0x18FC;
	v31 =	vsub.f32 v39, v35;
	v24 =	vld.idx.msk [tilespmem:v24+s15+$0x0], $0xffff;
	[tilespmem:s18+$0xFFFFFFE0] =	vst v36;
	v30 =	vsub.f32 v20, v21  }
0x6b: {  	s20 =	sadd.s32 $0x30, s12;
	v28 =	vld.idx.msk [tilespmem:v28+s15+$0x0], $0xffff;
	v18 =	vsub.f32 v18, v11;
	v11 =	vsub.f32 v12, v11;
	v9 =	vmul.f32 $5.000000000e-01, v9;
	[tilespmem:s19+$0xFFFFFFE0] =	vst v27  }
0x6c: {  	v29 =	vsub.f32 v21, v20;
	v19 =	vmul.f32 $5.000000000e-01, v19;
	v30 =	vmul.f32 $1.500000000e+00, v30;
	[tilespmem:s20+$0xFFFFFFE0] =	vst v25  }
0x6d: {  	[tilespmem:s24+$0x0] =	vst v31;
	v21 =	vadd.s32 $0x2, v32;
	v11 =	vmul.f32 $5.000000000e-01, v11;
	v25 =	vsub.f32 v15, v12;
	v31 =	vld.idx.msk [tilespmem:v60+s15+$0x0], $0xffff  }
0x6e: {  	[tilespmem:s1+$0xFFFFFFF0] =	vst v20;
	v18 =	vmul.f32 $5.000000000e-01, v18;
	v29 =	vsub.f32 v29, v9;
	v19 =	vadd.f32 v19, v30;
	v30 =	vld.idx.msk [tilespmem:v62+s15+$0x0], $0xffff  }
0x6f: {  	[tilespmem:s0+$0x0] =	vst v15;
	v12 =	vsub.f32 v12, v15;
	v41 =	vld.idx.msk [tilespmem:v63+s15+$0x0], $0xffff;
	v15 =	vmul.f32 $1.500000000e+00, v25;
	v25 =	vsub.f32 v24, v10  }
0x70: {  	[tilespmem:s29+$0xFFFFFFF0] =	vst v37;
	v27 =	vadd.s32 $0x1, v32;
	v22 =	vld.idx.msk [tilespmem:v22+s15+$0x0], $0xffff;
	v10 =	vsub.f32 v28, v10;
	v28 =	vsub.f32 v23, v24  }
0x71: {  	[tilespmem:s30+$0xFFFFFFF0] =	vst v26;
	v15 =	vadd.f32 v18, v15;
	v18 =	vsub.f32 v24, v23;
	v24 =	vmul.f32 $5.000000000e-01, v25  }
0x72: {  	v16 =	vld.idx.msk [tilespmem:v16+s15+$0x0], $0xffff;
	[tilespmem:s4+$0xFFFFFFF0] =	vst v9;
	v20 =	vsub.f32 v29, v19;
	v25 =	vmul.f32 $1.500000000e+00, v28;
	v10 =	vmul.f32 $5.000000000e-01, v10  }
0x73: {  	v42 =	vadd.s32 $0x3, v32;
	v9 =	vld.idx.msk [tilespmem:v13+s15+$0x0], $0xffff;
	[tilespmem:s5+$0xFFFFFFF0] =	vst v23;
	v12 =	vsub.f32 v12, v11;
	v13 =	vsub.f32 v18, v24  }
0x74: {  	v14 =	vld.idx.msk [tilespmem:v14+s15+$0x0], $0xffff;
	[tilespmem:s11+$0xFFFFFFF0] =	vst v20;
	v18 =	vnsel vm14, $0x18FC, v40;
	v10 =	vadd.f32 v10, v25;
	v20 =	vsub.f32 v30, v31  }
0x75: {  	v17 =	vld.idx.msk [tilespmem:v17+s15+$0x0], $0xffff;
	[tilespmem:s3+$0xFFFFFFF0] =	vst v19;
	v19 =	vsub.f32 v41, v22;
	v22 =	vsub.f32 v31, v22;
	v25 =	vadd.s32 $0x1, v18  }
0x76: {  	[tilespmem:s23+$0x0] =	vst v11;
	v26 =	vld.idx.msk [tilespmem:v27+s15+$0x0], $0xffff;
	v27 =	vsub.f32 v31, v30;
	v13 =	vsub.f32 v13, v10;
	v20 =	vmul.f32 $1.500000000e+00, v20  }
0x77: {  	v21 =	vld.idx.msk [tilespmem:v21+s15+$0x0], $0xffff;
	[tilespmem:s6+$0xFFFFFFF0] =	vst v24;
	v23 =	vadd.s32 $0x2, v18;
	v22 =	vmul.f32 $5.000000000e-01, v22;
	v19 =	vmul.f32 $5.000000000e-01, v19  }
0x78: {  	v11 =	vsub.f32 v16, v9;
	v12 =	vsub.f32 v12, v15;
	v24 =	vld.idx.msk [tilespmem:v32+s15+$0x0], $0xffff;
	v28 =	vadd.s32 $0x3, v18;
	[tilespmem:s10+$0xFFFFFFF0] =	vst v13  }
0x79: {  	v31 =	vnsel vm15, $0x18FC, v61;
	v13 =	vld.idx.msk [tilespmem:v42+s15+$0x0], $0xffff;
	v27 =	vsub.f32 v27, v22;
	v19 =	vadd.f32 v19, v20;
	[tilespmem:s8+$0xFFFFFFF0] =	vst v10  }
0x7a: {  	v29 =	vsub.f32 v9, v14;
	[tilespmem:s7+$0xFFFFFFF0] =	vst v30;
	v10 =	vsub.f32 v17, v14;
	v14 =	vadd.s32 $0x1, v31;
	v17 =	vld.idx.msk [tilespmem:v25+s15+$0x0], $0xffff  }
0x7b: {  	v9 =	vsub.f32 v9, v16;
	v11 =	vmul.f32 $1.500000000e+00, v11;
	[tilespmem:s22+$0x0] =	vst v12;
	v25 =	vsub.f32 v27, v19;
	v18 =	vld.idx.msk [tilespmem:v18+s15+$0x0], $0xffff  }
0x7c: {  	v20 =	vmul.f32 $5.000000000e-01, v29;
	[tilespmem:s18+$0xFFFFFFF0] =	vst v22;
	v27 =	vadd.s32 $0x3, v31;
	v22 =	vld.idx.msk [tilespmem:v23+s15+$0x0], $0xffff;
	v10 =	vmul.f32 $5.000000000e-01, v10  }
0x7d: {  	v12 =	vsub.f32 v26, v21;
	v29 =	vsub.f32 v21, v24;
	v23 =	vadd.s32 $0x2, v31;
	v28 =	vld.idx.msk [tilespmem:v28+s15+$0x0], $0xffff;
	[tilespmem:s19+$0xFFFFFFF0] =	vst v25  }
0x7e: {  	v9 =	vsub.f32 v9, v20;
	v10 =	vadd.f32 v10, v11;
	[tilespmem:s20+$0xFFFFFFF0] =	vst v19  }
0x7f: {  	[tilespmem:s26+$0x0] =	vst v35;
	v11 =	vsub.f32 v13, v24;
	v13 =	vsub.f32 v21, v26;
	v19 =	vmul.f32 $5.000000000e-01, v29;
	v14 =	vld.idx.msk [tilespmem:v14+s15+$0x0], $0xffff  }
0x80: {  	[tilespmem:s21+$0x0] =	vst v15;
	v12 =	vmul.f32 $1.500000000e+00, v12;
	v15 =	vld.idx.msk [tilespmem:v31+s15+$0x0], $0xffff;
	v9 =	vsub.f32 v9, v10  }
0x81: {  	[tilespmem:s28+$0x0] =	vst v16;
	v11 =	vmul.f32 $5.000000000e-01, v11;
	v13 =	vsub.f32 v13, v19;
	v16 =	vsub.f32 v22, v18;
	v21 =	vld.idx.msk [tilespmem:v27+s15+$0x0], $0xffff  }
0x82: {  	[tilespmem:s25+$0x0] =	vst v20;
	v18 =	vsub.f32 v28, v18;
	v20 =	vsub.f32 v17, v22;
	v23 =	vld.idx.msk [tilespmem:v23+s15+$0x0], $0xffff  }
0x83: {  	[tilespmem:s29+$0x0] =	vst v9;
	v9 =	vadd.f32 v11, v12;
	v11 =	vsub.f32 v22, v17;
	v12 =	vmul.f32 $5.000000000e-01, v16  }
0x84: {  	v16 =	vmul.f32 $1.500000000e+00, v20;
	[tilespmem:s30+$0x0] =	vst v10;
	v10 =	vmul.f32 $5.000000000e-01, v18  }
0x85: {  	[tilespmem:s1+$0x0] =	vst v26;
	v13 =	vsub.f32 v13, v9;
	v11 =	vsub.f32 v11, v12  }
0x86: {  	[tilespmem:s4+$0x0] =	vst v19;
	v10 =	vadd.f32 v10, v16;
	v16 =	vsub.f32 v21, v15  }
0x87: {  	v15 =	vsub.f32 v23, v15;
	[tilespmem:s11+$0x0] =	vst v13;
	v13 =	vsub.f32 v14, v23  }
0x88: {  	[tilespmem:s3+$0x0] =	vst v9;
	v9 =	vsub.f32 v11, v10;
	v11 =	vmul.f32 $5.000000000e-01, v16  }
0x89: {  	[tilespmem:s5+$0x0] =	vst v17;
	v16 =	vsub.f32 v23, v14;
	v15 =	vmul.f32 $5.000000000e-01, v15;
	v13 =	vmul.f32 $1.500000000e+00, v13  }
0x8a: {  	[tilespmem:s6+$0x0] =	vst v12  }
0x8b: {  	[tilespmem:s10+$0x0] =	vst v9;
	v9 =	vsub.f32 v16, v15;
	v11 =	vadd.f32 v11, v13  }
0x8c: {  	[tilespmem:s7+$0x0] =	vst v14  }
0x8d: {  	[tilespmem:s18+$0x0] =	vst v15;
	v9 =	vsub.f32 v9, v11  }
0x8e: {  	[tilespmem:s8+$0x0] =	vst v10  }
0x8f: {  	[tilespmem:s19+$0x0] =	vst v9  }
0x90: {  	s2 =	simm.s32 $0x8000;
	[tilespmem:s20+$0x0] =	vst v11  }
0x91: {  	s31 =	simm.s32 $0x2;
	s30 =	simm.s32 $0x0;
	s1 =	rddreg [dreg:$0x6]  }
0x92: {  	[tilespmem:s2], [sflag:$0x3] =	stream.linear.gather [hbm4b:s1+s30], $0x8000, $0x38;
	[tilespmem:$0x17900] =	vst v63  }
0x93: {  	_ =	swait.ge [sflag:s31], $0x8000  }
0x94: {  	[sflag:s31] =	ssyncset.done $0x0  }
0x95: {  	s21 =	simm.s32 $0x0;
	[sflag:s31] =	ssyncadd.s32 $0xFFFF8000  }
0x96: {  	v9 =	vld [tilespmem:s21+$0x0];
	_ =	sdelay $0x4  }
0x97: {  	v9 =	vmul.f32 $2.450000050e+00, v9;
	_ =	sdelay $0x1  }
0x98: {  	v9 =	vadd.f32 $2.450000000e+01, v9;
	_ =	sdelay $0x1  }
0x99: {  	v10 =	vmax.f32 v9, $1.000000000e+00  }
0x9a: {  	v10 =	vmin.f32 v10, $4.700000000e+01  }
0x9b: {  	v10 =	vtrunc.f32 v10  }
0x9c: {  	v10 =	vcvt.f32.s32 v10;
	_ =	sdelay $0x1  }
0x9d: {  	v11 =	vadd.s32 v1, v10;
	_ =	sdelay $0x3  }
0x9e: {  	v12 =	vld [tilespmem:s21+$0x10]  }
0x9f: {  	v13 =	vld.idx.msk [tilespmem:v11+s16+$0x0], $0xffff  }
0xa0: {  	s5 =	simm.s32 $0x14900;
	v10 =	vcvt.s32.f32 v10  }
0xa1: {  	v14 =	vld.idx.msk [tilespmem:v11+s5+$0x0], $0xffff  }
0xa2: {  	v9 =	vsub.f32 v9, v10  }
0xa3: {  	v10 =	vmul.f32 $2.450000050e+00, v12  }
0xa4: {  	s4 =	simm.s32 $0x13100;
	v12 =	vmul.f32 v9, v13  }
0xa5: {  	v10 =	vadd.f32 $2.450000000e+01, v10;
	v13 =	vld.idx.msk [tilespmem:v11+s4+$0x0], $0xffff  }
0xa6: {  	v12 =	vadd.f32 v12, v14  }
0xa7: {  	v14 =	vmax.f32 v10, $1.000000000e+00  }
0xa8: {  	s3 =	simm.s32 $0x11900;
	v14 =	vmin.f32 v14, $4.700000000e+01;
	v12 =	vmul.f32 v12, v9  }
0xa9: {  	v11 =	vld.idx.msk [tilespmem:v11+s3+$0x0], $0xffff;
	v14 =	vtrunc.f32 v14  }
0xaa: {  	v12 =	vadd.f32 v12, v13;
	v13 =	vcvt.f32.s32 v14;
	_ =	sdelay $0x1  }
0xab: {  	v9 =	vmul.f32 v12, v9;
	v12 =	vadd.s32 v2, v13;
	_ =	sdelay $0x1  }
0xac: {  	s22 =	simm.s32 $0x80;
	v9 =	vadd.f32 v9, v11  }
0xad: {  	v15 =	vld [tilespmem:s22+$0x0]  }
0xae: {  	v14 =	vld [tilespmem:s21+$0x20];
	[tilespmem:s21+$0x0] =	vst v9  }
0xaf: {  	v9 =	vld.idx.msk [tilespmem:v12+s16+$0x0], $0xffff  }
0xb0: {  	v13 =	vcvt.s32.f32 v13  }
0xb1: {  	v16 =	vld.idx.msk [tilespmem:v12+s5+$0x0], $0xffff  }
0xb2: {  	v10 =	vsub.f32 v10, v13  }
0xb3: {  	v13 =	vmul.f32 $2.450000050e+00, v14  }
0xb4: {  	v14 =	vmul.f32 $2.450000050e+00, v15;
	v9 =	vmul.f32 v10, v9  }
0xb5: {  	v13 =	vadd.f32 $2.450000000e+01, v13;
	v15 =	vld.idx.msk [tilespmem:v12+s4+$0x0], $0xffff  }
0xb6: {  	v14 =	vadd.f32 $2.450000000e+01, v14;
	v9 =	vadd.f32 v9, v16  }
0xb7: {  	v16 =	vmax.f32 v13, $1.000000000e+00  }
0xb8: {  	v17 =	vmax.f32 v14, $1.000000000e+00;
	v16 =	vmin.f32 v16, $4.700000000e+01;
	v9 =	vmul.f32 v9, v10  }
0xb9: {  	v12 =	vld.idx.msk [tilespmem:v12+s3+$0x0], $0xffff;
	v17 =	vmin.f32 v17, $4.700000000e+01;
	v16 =	vtrunc.f32 v16  }
0xba: {  	v17 =	vtrunc.f32 v17;
	v16 =	vcvt.f32.s32 v16;
	v9 =	vadd.f32 v9, v15  }
0xbb: {  	v15 =	vcvt.f32.s32 v17  }
0xbc: {  	v9 =	vmul.f32 v9, v10;
	v10 =	vadd.s32 v3, v16  }
0xbd: {  	v17 =	vadd.s32 v1, v15  }
0xbe: {  	v9 =	vadd.f32 v9, v12  }
0xbf: {  	v18 =	vld [tilespmem:s22+$0x10]  }
0xc0: {  	v11 =	vld [tilespmem:s21+$0x30];
	[tilespmem:s21+$0x10] =	vst v9  }
0xc1: {  	v9 =	vld.idx.msk [tilespmem:v10+s16+$0x0], $0xffff  }
0xc2: {  	v16 =	vcvt.s32.f32 v16;
	v19 =	vld.idx.msk [tilespmem:v17+s16+$0x0], $0xffff  }
0xc3: {  	v15 =	vcvt.s32.f32 v15;
	v20 =	vld.idx.msk [tilespmem:v10+s5+$0x0], $0xffff  }
0xc4: {  	v13 =	vsub.f32 v13, v16;
	v21 =	vld.idx.msk [tilespmem:v17+s5+$0x0], $0xffff  }
0xc5: {  	v11 =	vmul.f32 $2.450000050e+00, v11;
	v14 =	vsub.f32 v14, v15  }
0xc6: {  	v15 =	vmul.f32 $2.450000050e+00, v18;
	v9 =	vmul.f32 v13, v9  }
0xc7: {  	v11 =	vadd.f32 $2.450000000e+01, v11;
	v18 =	vld.idx.msk [tilespmem:v10+s4+$0x0], $0xffff;
	v16 =	vmul.f32 v14, v19  }
0xc8: {  	v15 =	vadd.f32 $2.450000000e+01, v15;
	v19 =	vld.idx.msk [tilespmem:v17+s4+$0x0], $0xffff;
	v9 =	vadd.f32 v9, v20  }
0xc9: {  	v20 =	vmax.f32 v11, $1.000000000e+00;
	v16 =	vadd.f32 v16, v21  }
0xca: {  	v21 =	vmax.f32 v15, $1.000000000e+00;
	v20 =	vmin.f32 v20, $4.700000000e+01;
	v9 =	vmul.f32 v9, v13  }
0xcb: {  	v10 =	vld.idx.msk [tilespmem:v10+s3+$0x0], $0xffff;
	v21 =	vmin.f32 v21, $4.700000000e+01;
	v20 =	vtrunc.f32 v20;
	v16 =	vmul.f32 v16, v14  }
0xcc: {  	v17 =	vld.idx.msk [tilespmem:v17+s3+$0x0], $0xffff;
	v21 =	vtrunc.f32 v21;
	v20 =	vcvt.f32.s32 v20;
	v9 =	vadd.f32 v9, v18  }
0xcd: {  	v16 =	vadd.f32 v16, v19;
	v18 =	vcvt.f32.s32 v21  }
0xce: {  	v12 =	vld [tilespmem:s21+$0x40];
	v9 =	vmul.f32 v9, v13;
	v13 =	vadd.s32 v4, v20  }
0xcf: {  	s23 =	simm.s32 $0x100;
	v19 =	vld [tilespmem:s22+$0x20];
	v14 =	vmul.f32 v16, v14;
	v16 =	vadd.s32 v2, v18  }
0xd0: {  	v21 =	vld [tilespmem:s23+$0x0];
	v9 =	vadd.f32 v9, v10  }
0xd1: {  	v10 =	vadd.f32 v14, v17  }
0xd2: {  	[tilespmem:s21+$0x20] =	vst v9  }
0xd3: {  	v12 =	vmul.f32 $2.450000050e+00, v12;
	[tilespmem:s22+$0x0] =	vst v10;
	v10 =	vld.idx.msk [tilespmem:v13+s16+$0x0], $0xffff  }
0xd4: {  	v20 =	vcvt.s32.f32 v20;
	v9 =	vmul.f32 $2.450000050e+00, v19;
	v19 =	vld.idx.msk [tilespmem:v16+s16+$0x0], $0xffff  }
0xd5: {  	v18 =	vcvt.s32.f32 v18;
	v21 =	vmul.f32 $2.450000050e+00, v21;
	v22 =	vld.idx.msk [tilespmem:v13+s5+$0x0], $0xffff  }
0xd6: {  	v12 =	vadd.f32 $2.450000000e+01, v12;
	v11 =	vsub.f32 v11, v20;
	v23 =	vld.idx.msk [tilespmem:v16+s5+$0x0], $0xffff  }
0xd7: {  	v15 =	vsub.f32 v15, v18;
	v20 =	vadd.f32 $2.450000000e+01, v21  }
0xd8: {  	v18 =	vmax.f32 v12, $1.000000000e+00  }
0xd9: {  	v25 =	vld.idx.msk [tilespmem:v13+s4+$0x0], $0xffff;
	v21 =	vmax.f32 v20, $1.000000000e+00;
	v10 =	vmul.f32 v11, v10;
	v19 =	vmul.f32 v15, v19  }
0xda: {  	v18 =	vmin.f32 v18, $4.700000000e+01;
	v26 =	vld.idx.msk [tilespmem:v16+s4+$0x0], $0xffff;
	v9 =	vadd.f32 $2.450000000e+01, v9;
	v21 =	vmin.f32 v21, $4.700000000e+01  }
0xdb: {  	v21 =	vtrunc.f32 v21;
	v10 =	vadd.f32 v10, v22;
	v19 =	vadd.f32 v19, v23  }
0xdc: {  	v14 =	vld [tilespmem:s21+$0x50];
	v18 =	vtrunc.f32 v18;
	v21 =	vcvt.f32.s32 v21  }
0xdd: {  	v13 =	vld.idx.msk [tilespmem:v13+s3+$0x0], $0xffff;
	v24 =	vmax.f32 v9, $1.000000000e+00;
	v10 =	vmul.f32 v10, v11;
	v19 =	vmul.f32 v19, v15  }
0xde: {  	s25 =	simm.s32 $0x200;
	v16 =	vld.idx.msk [tilespmem:v16+s3+$0x0], $0xffff;
	v18 =	vcvt.f32.s32 v18;
	v22 =	vmin.f32 v24, $4.700000000e+01;
	v23 =	vadd.s32 v1, v21  }
0xdf: {  	v49 =	vld [tilespmem:s25+$0x0];
	v22 =	vtrunc.f32 v22;
	v10 =	vadd.f32 v10, v25;
	v19 =	vadd.f32 v19, v26  }
0xe0: {  	v24 =	vld [tilespmem:s23+$0x10];
	v22 =	vcvt.f32.s32 v22  }
0xe1: {  	v17 =	vld [tilespmem:s22+$0x30];
	v10 =	vmul.f32 v10, v11;
	v11 =	vadd.s32 v5, v18;
	v15 =	vmul.f32 v19, v15  }
0xe2: {  	v25 =	vld [tilespmem:s21+$0x60];
	v19 =	vadd.s32 v3, v22;
	v22 =	vcvt.s32.f32 v22  }
0xe3: {  	v10 =	vadd.f32 v10, v13;
	v13 =	vmul.f32 $2.450000050e+00, v14;
	v14 =	vadd.f32 v15, v16;
	v15 =	vld.idx.msk [tilespmem:v23+s16+$0x0], $0xffff  }
0xe4: {  	v21 =	vcvt.s32.f32 v21;
	v16 =	vld.idx.msk [tilespmem:v23+s5+$0x0], $0xffff  }
0xe5: {  	v24 =	vmul.f32 $2.450000050e+00, v24;
	v9 =	vsub.f32 v9, v22;
	v22 =	vld [tilespmem:s23+$0x20];
	[tilespmem:s21+$0x30] =	vst v10  }
0xe6: {  	v20 =	vsub.f32 v20, v21;
	[tilespmem:s22+$0x10] =	vst v14;
	v14 =	vld.idx.msk [tilespmem:v11+s16+$0x0], $0xffff  }
0xe7: {  	v18 =	vcvt.s32.f32 v18;
	v10 =	vmul.f32 $2.450000050e+00, v17;
	v17 =	vadd.f32 $2.450000000e+01, v24;
	v24 =	vld.idx.msk [tilespmem:v19+s16+$0x0], $0xffff  }
0xe8: {  	v21 =	vmul.f32 $2.450000050e+00, v25;
	v13 =	vadd.f32 $2.450000000e+01, v13;
	v25 =	vld.idx.msk [tilespmem:v11+s5+$0x0], $0xffff  }
0xe9: {  	v34 =	vmul.f32 $2.450000050e+00, v49;
	v12 =	vsub.f32 v12, v18;
	v28 =	vld.idx.msk [tilespmem:v19+s5+$0x0], $0xffff;
	v15 =	vmul.f32 v20, v15  }
0xea: {  	v30 =	vld.idx.msk [tilespmem:v23+s4+$0x0], $0xffff;
	v10 =	vadd.f32 $2.450000000e+01, v10;
	v27 =	vmax.f32 v17, $1.000000000e+00;
	v29 =	vmax.f32 v13, $1.000000000e+00  }
0xeb: {  	v26 =	vld [tilespmem:s22+$0x40];
	v27 =	vmin.f32 v27, $4.700000000e+01;
	v15 =	vadd.f32 v15, v16;
	v14 =	vmul.f32 v12, v14  }
0xec: {  	v22 =	vmul.f32 $2.450000050e+00, v22;
	v16 =	vmin.f32 v29, $4.700000000e+01;
	v29 =	vld.idx.msk [tilespmem:v11+s4+$0x0], $0xffff;
	v24 =	vmul.f32 v9, v24  }
0xed: {  	v31 =	vld.idx.msk [tilespmem:v19+s4+$0x0], $0xffff;
	v18 =	vmax.f32 v10, $1.000000000e+00;
	v15 =	vmul.f32 v15, v20;
	v14 =	vadd.f32 v14, v25  }
0xee: {  	v23 =	vld.idx.msk [tilespmem:v23+s3+$0x0], $0xffff;
	v18 =	vmin.f32 v18, $4.700000000e+01;
	v25 =	vtrunc.f32 v27;
	v24 =	vadd.f32 v24, v28  }
0xef: {  	v19 =	vld.idx.msk [tilespmem:v19+s3+$0x0], $0xffff;
	v15 =	vadd.f32 v15, v30;
	v25 =	vcvt.f32.s32 v25;
	v14 =	vmul.f32 v14, v12  }
0xf0: {  	s24 =	simm.s32 $0x180;
	v11 =	vld.idx.msk [tilespmem:v11+s3+$0x0], $0xffff;
	v22 =	vadd.f32 $2.450000000e+01, v22;
	v16 =	vtrunc.f32 v16;
	v24 =	vmul.f32 v24, v9  }
0xf1: {  	v27 =	vld [tilespmem:s24+$0x0];
	v15 =	vmul.f32 v15, v20;
	v20 =	vadd.s32 v2, v25;
	v14 =	vadd.f32 v14, v29  }
0xf2: {  	v18 =	vtrunc.f32 v18;
	v16 =	vcvt.f32.s32 v16;
	v28 =	vld [tilespmem:s21+$0x70];
	v24 =	vadd.f32 v24, v31  }
0xf3: {  	v18 =	vcvt.f32.s32 v18;
	v29 =	vld [tilespmem:s23+$0x30];
	v15 =	vadd.f32 v15, v23;
	v12 =	vmul.f32 v14, v12  }
0xf4: {  	v26 =	vmul.f32 $2.450000050e+00, v26;
	v23 =	vld [tilespmem:s22+$0x50];
	v14 =	vadd.s32 v6, v16;
	v9 =	vmul.f32 v24, v9  }
0xf5: {  	v43 =	vmax.f32 v22, $1.000000000e+00;
	v24 =	vadd.s32 v4, v18;
	[tilespmem:s23+$0x0] =	vst v15;
	v11 =	vadd.f32 v12, v11  }
0xf6: {  	v32 =	vmin.f32 v43, $4.700000000e+01;
	v16 =	vcvt.s32.f32 v16;
	v12 =	vld.idx.msk [tilespmem:v20+s5+$0x0], $0xffff;
	v9 =	vadd.f32 v9, v19  }
0xf7: {  	v27 =	vmul.f32 $2.450000050e+00, v27;
	v15 =	vadd.f32 $2.450000000e+01, v21;
	v21 =	vadd.f32 $2.450000000e+01, v26;
	v19 =	vld.idx.msk [tilespmem:v20+s16+$0x0], $0xffff;
	[tilespmem:s21+$0x40] =	vst v11  }
0xf8: {  	v26 =	vmul.f32 $2.450000050e+00, v28;
	v13 =	vsub.f32 v13, v16;
	v16 =	vld [tilespmem:s24+$0x10];
	[tilespmem:s22+$0x20] =	vst v9;
	v9 =	vcvt.s32.f32 v25  }
0xf9: {  	v27 =	vadd.f32 $2.450000000e+01, v27;
	v29 =	vmul.f32 $2.450000050e+00, v29;
	v11 =	vmul.f32 $2.450000050e+00, v23;
	v28 =	vld.idx.msk [tilespmem:v14+s16+$0x0], $0xffff  }
0xfa: {  	v23 =	vmax.f32 v21, $1.000000000e+00;
	v25 =	vmax.f32 v15, $1.000000000e+00;
	v31 =	vld.idx.msk [tilespmem:v24+s16+$0x0], $0xffff;
	v9 =	vsub.f32 v17, v9  }
0xfb: {  	v44 =	vld.idx.msk [tilespmem:v14+s5+$0x0], $0xffff;
	v17 =	vcvt.s32.f32 v18;
	v18 =	vmin.f32 v23, $4.700000000e+01;
	v23 =	vmin.f32 v25, $4.700000000e+01  }
0xfc: {  	v30 =	vmax.f32 v27, $1.000000000e+00;
	v29 =	vadd.f32 $2.450000000e+01, v29;
	v25 =	vld.idx.msk [tilespmem:v24+s5+$0x0], $0xffff;
	v23 =	vtrunc.f32 v23  }
0xfd: {  	v18 =	vtrunc.f32 v18;
	v19 =	vmul.f32 v9, v19;
	v10 =	vsub.f32 v10, v17  }
0xfe: {  	v16 =	vmul.f32 $2.450000050e+00, v16;
	v17 =	vmin.f32 v30, $4.700000000e+01;
	v30 =	vld.idx.msk [tilespmem:v20+s4+$0x0], $0xffff;
	v28 =	vmul.f32 v13, v28  }
0xff: {  	v45 =	vld.idx.msk [tilespmem:v14+s4+$0x0], $0xffff;
	v17 =	vtrunc.f32 v17;
	v12 =	vadd.f32 v19, v12;
	v19 =	vmul.f32 v10, v31  }
0x100: {  	v46 =	vld.idx.msk [tilespmem:v24+s4+$0x0], $0xffff;
	v52 =	vmax.f32 v29, $1.000000000e+00;
	v17 =	vcvt.f32.s32 v17;
	v28 =	vadd.f32 v28, v44  }
0x101: {  	v47 =	vld [tilespmem:s23+$0x40];
	v31 =	vtrunc.f32 v32;
	v12 =	vmul.f32 v12, v9;
	v19 =	vadd.f32 v19, v25  }
0x102: {  	v20 =	vld.idx.msk [tilespmem:v20+s3+$0x0], $0xffff;
	v25 =	vcvt.f32.s32 v31;
	v31 =	vadd.s32 v1, v17;
	v28 =	vmul.f32 v28, v13  }
0x103: {  	v14 =	vld.idx.msk [tilespmem:v14+s3+$0x0], $0xffff;
	v23 =	vcvt.f32.s32 v23;
	v12 =	vadd.f32 v12, v30;
	v19 =	vmul.f32 v19, v10  }
0x104: {  	v24 =	vld.idx.msk [tilespmem:v24+s3+$0x0], $0xffff;
	v18 =	vcvt.f32.s32 v18;
	v33 =	vmin.f32 v52, $4.700000000e+01;
	v28 =	vadd.f32 v28, v45  }
0x105: {  	v48 =	vld [tilespmem:s24+$0x20];
	v9 =	vmul.f32 v12, v9;
	v12 =	vadd.s32 v3, v25;
	v19 =	vadd.f32 v19, v46  }
0x106: {  	v50 =	vadd.f32 $2.450000000e+01, v16;
	v30 =	vld [tilespmem:s22+$0x60];
	v13 =	vmul.f32 v28, v13;
	v28 =	vadd.s32 v7, v23  }
0x107: {  	v56 =	vld.idx.msk [tilespmem:v31+s4+$0x0], $0xffff;
	v9 =	vadd.f32 v9, v20;
	v10 =	vmul.f32 v19, v10;
	v19 =	vadd.s32 v5, v18  }
0x108: {  	v16 =	vmul.f32 $2.450000050e+00, v47;
	v33 =	vtrunc.f32 v33;
	v20 =	vld.idx.msk [tilespmem:v31+s5+$0x0], $0xffff;
	v13 =	vadd.f32 v13, v14  }
0x109: {  	v51 =	vmax.f32 v50, $1.000000000e+00;
	v14 =	vadd.f32 $2.450000000e+01, v26;
	v26 =	vld.idx.msk [tilespmem:v31+s16+$0x0], $0xffff;
	[tilespmem:s23+$0x10] =	vst v9;
	v9 =	vadd.f32 v10, v24  }
0x10a: {  	v32 =	vmin.f32 v51, $4.700000000e+01;
	v24 =	vadd.f32 $2.450000000e+01, v11;
	v11 =	vld.idx.msk [tilespmem:v12+s16+$0x0], $0xffff;
	[tilespmem:s21+$0x50] =	vst v13;
	v13 =	vcvt.s32.f32 v17  }
0x10b: {  	v32 =	vtrunc.f32 v32;
	v23 =	vcvt.s32.f32 v23;
	[tilespmem:s22+$0x30] =	vst v9;
	v9 =	vld.idx.msk [tilespmem:v28+s16+$0x0], $0xffff  }
0x10c: {  	v33 =	vcvt.f32.s32 v33;
	v59 =	vcvt.f32.s32 v32;
	v53 =	vld.idx.msk [tilespmem:v19+s16+$0x0], $0xffff;
	v13 =	vsub.f32 v27, v13  }
0x10d: {  	v18 =	vcvt.s32.f32 v18;
	v10 =	vmul.f32 $2.450000050e+00, v30;
	v15 =	vsub.f32 v15, v23;
	v55 =	vld.idx.msk [tilespmem:v19+s5+$0x0], $0xffff  }
0x10e: {  	v23 =	vcvt.s32.f32 v25;
	v30 =	vmax.f32 v14, $1.000000000e+00;
	v27 =	vld.idx.msk [tilespmem:v28+s5+$0x0], $0xffff;
	v26 =	vmul.f32 v13, v26  }
0x10f: {  	v63 =	vcvt.s32.f32 v59;
	v18 =	vsub.f32 v21, v18;
	v25 =	vld.idx.msk [tilespmem:v12+s5+$0x0], $0xffff;
	v30 =	vmin.f32 v30, $4.700000000e+01  }
0x110: {  	v31 =	vld.idx.msk [tilespmem:v31+s3+$0x0], $0xffff;
	v22 =	vsub.f32 v22, v23;
	v21 =	vtrunc.f32 v30;
	v20 =	vadd.f32 v26, v20  }
0x111: {  	v57 =	vld.idx.msk [tilespmem:v19+s4+$0x0], $0xffff;
	v9 =	vmul.f32 v15, v9;
	v23 =	vmul.f32 v18, v53  }
0x112: {  	v16 =	vadd.f32 $2.450000000e+01, v16;
	v30 =	vld.idx.msk [tilespmem:v28+s4+$0x0], $0xffff;
	v11 =	vmul.f32 v22, v11;
	v20 =	vmul.f32 v20, v13  }
0x113: {  	v54 =	vmax.f32 v24, $1.000000000e+00;
	v9 =	vadd.f32 v9, v27;
	v27 =	vld.idx.msk [tilespmem:v12+s4+$0x0], $0xffff;
	v23 =	vadd.f32 v23, v55  }
0x114: {  	v19 =	vld.idx.msk [tilespmem:v19+s3+$0x0], $0xffff;
	v58 =	vcvt.f32.s32 v21;
	v11 =	vadd.f32 v11, v25;
	v20 =	vadd.f32 v20, v56  }
0x115: {  	v37 =	vmin.f32 v54, $4.700000000e+01;
	v21 =	vld.idx.msk [tilespmem:v28+s3+$0x0], $0xffff;
	v9 =	vmul.f32 v9, v15;
	v25 =	vmul.f32 v23, v18  }
0x116: {  	v28 =	vld [tilespmem:s25+$0x10];
	v11 =	vmul.f32 v11, v22;
	v23 =	vadd.s32 v2, v59;
	v13 =	vmul.f32 v20, v13  }
0x117: {  	v26 =	vtrunc.f32 v37;
	v12 =	vld.idx.msk [tilespmem:v12+s3+$0x0], $0xffff;
	v9 =	vadd.f32 v9, v30;
	v25 =	vadd.f32 v25, v57  }
0x118: {  	v26 =	vcvt.f32.s32 v26;
	v20 =	vld [tilespmem:s22+$0x70];
	v27 =	vadd.f32 v11, v27;
	v13 =	vadd.f32 v13, v31  }
0x119: {  	v30 =	vld [tilespmem:s23+$0x50];
	v15 =	vmul.f32 v9, v15;
	v9 =	vadd.s32 v8, v58;
	v25 =	vmul.f32 v25, v18  }
0x11a: {  	v17 =	vmul.f32 $2.450000050e+00, v48;
	v11 =	vadd.f32 $2.450000000e+01, v10;
	v31 =	vld [tilespmem:s24+$0x30];
	v18 =	vadd.s32 v6, v26;
	[tilespmem:s24+$0x0] =	vst v13  }
0x11b: {  	v10 =	vadd.f32 v15, v21;
	v13 =	vmul.f32 v27, v22;
	v22 =	vadd.f32 v25, v19;
	v32 =	vld.idx.msk [tilespmem:v23+s5+$0x0], $0xffff  }
0x11c: {  	v21 =	vadd.s32 v4, v33;
	v19 =	vadd.f32 $2.450000000e+01, v17;
	v27 =	vadd.f32 $2.450000000e+01, v34;
	v60 =	vld.idx.msk [tilespmem:v23+s16+$0x0], $0xffff  }
0x11d: {  	v34 =	vsub.f32 v50, v63;
	v35 =	vld.idx.msk [tilespmem:v23+s4+$0x0], $0xffff;
	[tilespmem:s21+$0x60] =	vst v10;
	v10 =	vadd.f32 v13, v12  }
0x11e: {  	v15 =	vmul.f32 $2.450000050e+00, v20;
	v17 =	vmul.f32 $2.450000050e+00, v30;
	v20 =	vmax.f32 v11, $1.000000000e+00;
	[tilespmem:s22+$0x40] =	vst v22;
	v61 =	vld.idx.msk [tilespmem:v9+s16+$0x0], $0xffff  }
0x11f: {  	v13 =	vmax.f32 v16, $1.000000000e+00;
	v62 =	vmax.f32 v19, $1.000000000e+00;
	v25 =	vld.idx.msk [tilespmem:v18+s16+$0x0], $0xffff;
	[tilespmem:s23+$0x20] =	vst v10;
	v10 =	vcvt.s32.f32 v58  }
0x120: {  	v22 =	vmul.f32 $2.450000050e+00, v31;
	v31 =	vmax.f32 v27, $1.000000000e+00;
	v12 =	vld.idx.msk [tilespmem:v9+s5+$0x0], $0xffff;
	v41 =	vmin.f32 v13, $4.700000000e+01  }
0x121: {  	v13 =	vmin.f32 v20, $4.700000000e+01;
	v20 =	vcvt.s32.f32 v26;
	v30 =	vld.idx.msk [tilespmem:v21+s16+$0x0], $0xffff;
	v10 =	vsub.f32 v14, v10  }
0x122: {  	v36 =	vmin.f32 v62, $4.700000000e+01;
	v26 =	vld.idx.msk [tilespmem:v18+s5+$0x0], $0xffff;
	v38 =	vmin.f32 v31, $4.700000000e+01;
	v31 =	vcvt.s32.f32 v33  }
0x123: {  	v33 =	vld.idx.msk [tilespmem:v21+s5+$0x0], $0xffff;
	v20 =	vsub.f32 v24, v20;
	v24 =	vtrunc.f32 v13;
	v14 =	vmul.f32 v10, v61  }
0x124: {  	s0 =	simm.s32 $0xA00;
	s7 =	simm.s32 $0x10000;
	v13 =	vld.idx.msk [tilespmem:v9+s4+$0x0], $0xffff;
	v37 =	vmul.f32 v34, v60;
	v29 =	vsub.f32 v29, v31;
	v31 =	vtrunc.f32 v41  }
.LBB2_4:
0x125: {  	p0 =	sne.s32 s0, $0x1FE00;
	v36 =	vtrunc.f32 v36;
	v39 =	vld.idx.msk [tilespmem:v18+s4+$0x0], $0xffff;
	v25 =	vmul.f32 v20, v25;
	v12 =	vadd.f32 v14, v12  }
0x126: {  	v14 =	vtrunc.f32 v38;
	v32 =	vadd.f32 v37, v32;
	v37 =	vld.idx.msk [tilespmem:v21+s4+$0x0], $0xffff;
	v30 =	vmul.f32 v29, v30  }
0x127: {  	v24 =	vcvt.f32.s32 v24;
	v25 =	vadd.f32 v25, v26;
	v9 =	vld.idx.msk [tilespmem:v9+s3+$0x0], $0xffff;
	v12 =	vmul.f32 v12, v10  }
0x128: {  	v26 =	vcvt.f32.s32 v14;
	v14 =	vld.idx.msk [tilespmem:v23+s3+$0x0], $0xffff;
	v23 =	vmul.f32 v32, v34;
	v30 =	vadd.f32 v30, v33  }
0x129: {  	v32 =	vcvt.f32.s32 v36;
	v18 =	vld.idx.msk [tilespmem:v18+s3+$0x0], $0xffff;
	v25 =	vmul.f32 v25, v20;
	v12 =	vadd.f32 v12, v13  }
0x12a: {  	v33 =	vadd.s32 v1, v26;
	v13 =	vadd.f32 v23, v35;
	v21 =	vld.idx.msk [tilespmem:v21+s3+$0x0], $0xffff;
	v23 =	vmul.f32 v30, v29  }
0x12b: {  	v30 =	vcvt.f32.s32 v31;
	v31 =	vld [tilespmem:s23+$0x60];
	v25 =	vadd.f32 v25, v39;
	v10 =	vmul.f32 v12, v10  }
0x12c: {  	v12 =	vmul.f32 v13, v34;
	v34 =	vadd.s32 v3, v32;
	v35 =	vld [tilespmem:s24+$0x40];
	v13 =	vadd.f32 v23, v37  }
0x12d: {  	s1 =	sshra.s32 s0, $0x2;
	v23 =	vld [tilespmem:s25+$0x20];
	v20 =	vmul.f32 v25, v20;
	v25 =	vadd.s32 v7, v24;
	v9 =	vadd.f32 v10, v9  }
0x12e: {  	v37 =	vadd.s32 v5, v30;
	v36 =	vld [tilespmem:s1+$0x0];
	v12 =	vadd.f32 v12, v14;
	v13 =	vmul.f32 v13, v29  }
0x12f: {  	v10 =	vadd.f32 $2.450000000e+01, v15;
	v14 =	vmul.f32 $2.450000050e+00, v28;
	v38 =	vld.idx.msk [tilespmem:v33+s5+$0x0], $0xffff;
	v18 =	vadd.f32 v20, v18;
	[tilespmem:s21+$0x70] =	vst v9;
	s21 =	smov.u32 s22;
	s22 =	smov.u32 s23;
	s23 =	smov.u32 s24  }
0x130: {  	s24 =	smov.u32 s25;
	s25 =	smov.u32 s1;
	v9 =	vld.idx.msk [tilespmem:v33+s16+$0x0], $0xffff;
	[tilespmem:s23+$0x10] =	vst v12;
	v12 =	vadd.f32 v13, v21;
	v13 =	vadd.f32 $2.450000000e+01, v17;
	v15 =	vmul.f32 $2.450000050e+00, v31  }
0x131: {  	v29 =	vadd.f32 $2.450000000e+01, v22;
	v14 =	vadd.f32 $2.450000000e+01, v14;
	v17 =	vld.idx.msk [tilespmem:v34+s16+$0x0], $0xffff;
	v20 =	vmul.f32 $2.450000050e+00, v35;
	[tilespmem:s21+$0x50] =	vst v18  }
0x132: {  	v21 =	vmax.f32 v10, $1.000000000e+00;
	v18 =	vcvt.s32.f32 v26;
	v22 =	vmul.f32 $2.450000050e+00, v23;
	[tilespmem:s22+$0x30] =	vst v12;
	v12 =	vld.idx.msk [tilespmem:v25+s16+$0x0], $0xffff  }
0x133: {  	v26 =	vmax.f32 v29, $1.000000000e+00;
	v23 =	vmax.f32 v14, $1.000000000e+00;
	v31 =	vmax.f32 v13, $1.000000000e+00;
	v28 =	vld.idx.msk [tilespmem:v37+s16+$0x0], $0xffff  }
0x134: {  	v24 =	vcvt.s32.f32 v24;
	v21 =	vmin.f32 v21, $4.700000000e+01;
	v18 =	vsub.f32 v27, v18;
	v27 =	vld.idx.msk [tilespmem:v25+s5+$0x0], $0xffff  }
0x135: {  	v30 =	vcvt.s32.f32 v30;
	v26 =	vmin.f32 v26, $4.700000000e+01;
	v31 =	vmin.f32 v31, $4.700000000e+01;
	v35 =	vld.idx.msk [tilespmem:v37+s5+$0x0], $0xffff  }
0x136: {  	v11 =	vsub.f32 v11, v24;
	v23 =	vmin.f32 v23, $4.700000000e+01;
	v9 =	vmul.f32 v18, v9;
	v39 =	vld.idx.msk [tilespmem:v33+s4+$0x0], $0xffff  }
0x137: {  	v16 =	vsub.f32 v16, v30;
	v24 =	vcvt.s32.f32 v32;
	v21 =	vtrunc.f32 v21;
	v32 =	vld.idx.msk [tilespmem:v34+s5+$0x0], $0xffff  }
0x138: {  	v30 =	vtrunc.f32 v31;
	v9 =	vadd.f32 v9, v38;
	v12 =	vmul.f32 v11, v12;
	v31 =	vld.idx.msk [tilespmem:v25+s4+$0x0], $0xffff  }
0x139: {  	v19 =	vsub.f32 v19, v24;
	v24 =	vtrunc.f32 v26;
	v28 =	vmul.f32 v16, v28;
	v26 =	vld.idx.msk [tilespmem:v37+s4+$0x0], $0xffff  }
0x13a: {  	v23 =	vtrunc.f32 v23;
	v9 =	vmul.f32 v9, v18;
	v12 =	vadd.f32 v12, v27;
	v33 =	vld.idx.msk [tilespmem:v33+s3+$0x0], $0xffff  }
0x13b: {  	v17 =	vmul.f32 v19, v17;
	v28 =	vadd.f32 v28, v35;
	v35 =	vcvt.f32.s32 v21;
	v27 =	vld.idx.msk [tilespmem:v34+s4+$0x0], $0xffff  }
0x13c: {  	v38 =	vcvt.f32.s32 v23;
	v9 =	vadd.f32 v9, v39;
	v12 =	vmul.f32 v12, v11;
	v21 =	vld.idx.msk [tilespmem:v25+s3+$0x0], $0xffff  }
0x13d: {  	v17 =	vadd.f32 v17, v32;
	v28 =	vmul.f32 v28, v16;
	v25 =	vld.idx.msk [tilespmem:v37+s3+$0x0], $0xffff;
	v37 =	vcvt.f32.s32 v30  }
0x13e: {  	v23 =	vadd.s32 v2, v38;
	v9 =	vmul.f32 v9, v18;
	v12 =	vadd.f32 v12, v31;
	v30 =	vld [tilespmem:s22+$0x70]  }
0x13f: {  	v24 =	vcvt.f32.s32 v24;
	v17 =	vmul.f32 v17, v19;
	v18 =	vadd.f32 v28, v26;
	v31 =	vld.idx.msk [tilespmem:v34+s3+$0x0], $0xffff  }
0x140: {  	v26 =	vadd.f32 v9, v33;
	v12 =	vmul.f32 v12, v11;
	v9 =	vadd.s32 v8, v35;
	v33 =	vld [tilespmem:s23+$0x50]  }
0x141: {  	v17 =	vadd.f32 v17, v27;
	v16 =	vmul.f32 v18, v16;
	v18 =	vadd.s32 v6, v37;
	v34 =	vld [tilespmem:s24+$0x30]  }
0x142: {  	v11 =	vadd.f32 $2.450000000e+01, v15;
	v27 =	vmul.f32 $2.450000050e+00, v36;
	v12 =	vadd.f32 v12, v21;
	v28 =	vld [tilespmem:s25+$0x10];
	[tilespmem:s24+$0x0] =	vst v26  }
0x143: {  	v21 =	vadd.s32 v4, v24;
	v17 =	vmul.f32 v17, v19;
	v25 =	vadd.f32 v16, v25;
	v32 =	vld.idx.msk [tilespmem:v23+s5+$0x0], $0xffff  }
0x144: {  	v19 =	vadd.f32 $2.450000000e+01, v22;
	v16 =	vadd.f32 $2.450000000e+01, v20;
	v15 =	vmul.f32 $2.450000050e+00, v30;
	v39 =	vld.idx.msk [tilespmem:v23+s16+$0x0], $0xffff;
	[tilespmem:s21+$0x60] =	vst v12  }
0x145: {  	v27 =	vadd.f32 $2.450000000e+01, v27;
	v12 =	vadd.f32 v17, v31;
	v17 =	vmul.f32 $2.450000050e+00, v33;
	[tilespmem:s22+$0x40] =	vst v25;
	v31 =	vld.idx.msk [tilespmem:v9+s16+$0x0], $0xffff  }
0x146: {  	v26 =	vmax.f32 v11, $1.000000000e+00;
	v20 =	vmax.f32 v16, $1.000000000e+00;
	v22 =	vmul.f32 $2.450000050e+00, v34;
	v25 =	vld.idx.msk [tilespmem:v18+s16+$0x0], $0xffff  }
0x147: {  	v35 =	vcvt.s32.f32 v35;
	v33 =	vmax.f32 v27, $1.000000000e+00;
	v34 =	vmax.f32 v19, $1.000000000e+00;
	[tilespmem:s23+$0x20] =	vst v12;
	v12 =	vld.idx.msk [tilespmem:v9+s5+$0x0], $0xffff  }
.Ltmp1:
0x148: {  	v40 =	vcvt.s32.f32 v38;
	v42 =	vmin.f32 v26, $4.700000000e+01;
	v41 =	vmin.f32 v20, $4.700000000e+01;
	v30 =	vld.idx.msk [tilespmem:v21+s16+$0x0], $0xffff;
	(pc) =	sbr.rel @p0 .LBB2_4-.Ltmp1, $4  }
0x149: {  	v10 =	vsub.f32 v10, v35;
	v20 =	vcvt.s32.f32 v37;
	v36 =	vmin.f32 v34, $4.700000000e+01;
	v26 =	vld.idx.msk [tilespmem:v18+s5+$0x0], $0xffff  }
0x14a: {  	v38 =	vmin.f32 v33, $4.700000000e+01;
	v34 =	vsub.f32 v14, v40;
	v40 =	vcvt.s32.f32 v24;
	v33 =	vld.idx.msk [tilespmem:v21+s5+$0x0], $0xffff  }
0x14b: {  	v20 =	vsub.f32 v13, v20;
	v24 =	vtrunc.f32 v42;
	v14 =	vmul.f32 v10, v31;
	v13 =	vld.idx.msk [tilespmem:v9+s4+$0x0], $0xffff  }
0x14c: {  	s0 =	sadd.s32 $0x200, s0;
	v37 =	vmul.f32 v34, v39;
	v29 =	vsub.f32 v29, v40;
	v31 =	vtrunc.f32 v41;
	v35 =	vld.idx.msk [tilespmem:v23+s4+$0x0], $0xffff  }
0x14d: {  	v38 =	vtrunc.f32 v38  }
0x14e: {  	v38 =	vcvt.f32.s32 v38;
	_ =	sdelay $0x1  }
0x14f: {  	v39 =	vadd.s32 v1, v38;
	_ =	sdelay $0x4  }
0x150: {  	v40 =	vld.idx.msk [tilespmem:v39+s16+$0x0], $0xffff  }
0x151: {  	v38 =	vcvt.s32.f32 v38  }
0x152: {  	v41 =	vld.idx.msk [tilespmem:v39+s5+$0x0], $0xffff  }
0x153: {  	v27 =	vsub.f32 v27, v38  }
0x154: {  	v28 =	vmul.f32 $2.450000050e+00, v28  }
0x155: {  	v38 =	vmul.f32 v27, v40  }
0x156: {  	v28 =	vadd.f32 $2.450000000e+01, v28;
	v49 =	vld.idx.msk [tilespmem:v39+s4+$0x0], $0xffff  }
0x157: {  	v38 =	vadd.f32 v38, v41  }
0x158: {  	v50 =	vmax.f32 v28, $1.000000000e+00  }
0x159: {  	v41 =	vmin.f32 v50, $4.700000000e+01;
	v38 =	vmul.f32 v38, v27  }
0x15a: {  	v39 =	vld.idx.msk [tilespmem:v39+s3+$0x0], $0xffff;
	v41 =	vtrunc.f32 v41  }
0x15b: {  	v51 =	vcvt.f32.s32 v41;
	v38 =	vadd.f32 v38, v49;
	_ =	sdelay $0x1  }
0x15c: {  	v52 =	vadd.s32 v2, v51;
	v27 =	vmul.f32 v38, v27;
	_ =	sdelay $0x1  }
0x15d: {  	v27 =	vadd.f32 v27, v39;
	_ =	sdelay $0x1  }
0x15e: {  	v53 =	vld [tilespmem:s25+$0x20];
	[tilespmem:s25+$0x0] =	vst v27  }
0x15f: {  	v27 =	vld.idx.msk [tilespmem:v52+s16+$0x0], $0xffff  }
0x160: {  	v40 =	vcvt.s32.f32 v51  }
0x161: {  	v42 =	vld.idx.msk [tilespmem:v52+s5+$0x0], $0xffff  }
0x162: {  	v28 =	vsub.f32 v28, v40  }
0x163: {  	v55 =	vmul.f32 $2.450000050e+00, v53  }
0x164: {  	v27 =	vmul.f32 v28, v27  }
0x165: {  	v32 =	vadd.f32 v37, v32;
	v56 =	vadd.f32 $2.450000000e+01, v55;
	v57 =	vld.idx.msk [tilespmem:v52+s4+$0x0], $0xffff  }
0x166: {  	v27 =	vadd.f32 v27, v42  }
0x167: {  	v32 =	vmul.f32 v32, v34;
	v58 =	vmax.f32 v56, $1.000000000e+00  }
0x168: {  	v36 =	vtrunc.f32 v36;
	v23 =	vld.idx.msk [tilespmem:v23+s3+$0x0], $0xffff;
	v41 =	vmin.f32 v58, $4.700000000e+01;
	v27 =	vmul.f32 v27, v28  }
0x169: {  	v36 =	vcvt.f32.s32 v36;
	v32 =	vadd.f32 v32, v35;
	v59 =	vtrunc.f32 v41;
	v38 =	vld.idx.msk [tilespmem:v52+s3+$0x0], $0xffff  }
0x16a: {  	v35 =	vcvt.f32.s32 v59;
	v27 =	vadd.f32 v27, v57  }
0x16b: {  	v60 =	vadd.s32 v3, v36;
	v32 =	vmul.f32 v32, v34  }
0x16c: {  	v27 =	vmul.f32 v27, v28;
	v28 =	vadd.s32 v3, v35  }
0x16d: {  	v23 =	vadd.f32 v32, v23  }
0x16e: {  	v27 =	vadd.f32 v27, v38  }
0x16f: {  	v54 =	vld [tilespmem:s25+$0x30];
	[tilespmem:s24+$0x10] =	vst v23  }
0x170: {  	v62 =	vld.idx.msk [tilespmem:v60+s16+$0x0], $0xffff;
	[tilespmem:s25+$0x10] =	vst v27  }
0x171: {  	v27 =	vcvt.s32.f32 v36;
	v63 =	vld.idx.msk [tilespmem:v28+s16+$0x0], $0xffff  }
0x172: {  	v44 =	vld.idx.msk [tilespmem:v60+s5+$0x0], $0xffff;
	v35 =	vcvt.s32.f32 v35  }
0x173: {  	v19 =	vsub.f32 v19, v27;
	v27 =	vld.idx.msk [tilespmem:v28+s5+$0x0], $0xffff  }
0x174: {  	v35 =	vsub.f32 v56, v35  }
0x175: {  	v46 =	vmul.f32 $2.450000050e+00, v54;
	v45 =	vmul.f32 v19, v62  }
0x176: {  	v22 =	vadd.f32 $2.450000000e+01, v22;
	v47 =	vld.idx.msk [tilespmem:v60+s4+$0x0], $0xffff;
	v36 =	vmul.f32 v35, v63  }
0x177: {  	v38 =	vadd.f32 $2.450000000e+01, v46;
	v48 =	vld.idx.msk [tilespmem:v28+s4+$0x0], $0xffff;
	v37 =	vadd.f32 v45, v44  }
0x178: {  	v49 =	vmax.f32 v22, $1.000000000e+00;
	v27 =	vadd.f32 v36, v27  }
0x179: {  	v50 =	vmin.f32 v49, $4.700000000e+01;
	v51 =	vmax.f32 v38, $1.000000000e+00;
	v37 =	vmul.f32 v37, v19  }
0x17a: {  	v34 =	vld.idx.msk [tilespmem:v60+s3+$0x0], $0xffff;
	v41 =	vmin.f32 v51, $4.700000000e+01;
	v36 =	vtrunc.f32 v50;
	v27 =	vmul.f32 v27, v35  }
0x17b: {  	v52 =	vtrunc.f32 v41;
	v28 =	vld.idx.msk [tilespmem:v28+s3+$0x0], $0xffff;
	v36 =	vcvt.f32.s32 v36;
	v37 =	vadd.f32 v37, v47  }
0x17c: {  	v39 =	vcvt.f32.s32 v52;
	v27 =	vadd.f32 v27, v48  }
0x17d: {  	v30 =	vmul.f32 v29, v30;
	v53 =	vadd.s32 v4, v36;
	v19 =	vmul.f32 v37, v19  }
0x17e: {  	v54 =	vld.idx.msk [tilespmem:v21+s4+$0x0], $0xffff;
	v55 =	vadd.s32 v4, v39;
	v27 =	vmul.f32 v27, v35  }
0x17f: {  	v61 =	vld [tilespmem:s24+$0x40];
	v30 =	vadd.f32 v30, v33;
	v19 =	vadd.f32 v19, v34  }
0x180: {  	v21 =	vld.idx.msk [tilespmem:v21+s3+$0x0], $0xffff;
	v27 =	vadd.f32 v27, v28  }
0x181: {  	v23 =	vld [tilespmem:s25+$0x40];
	v28 =	vmul.f32 v30, v29;
	[tilespmem:s24+$0x20] =	vst v19  }
0x182: {  	v30 =	vld.idx.msk [tilespmem:v53+s16+$0x0], $0xffff;
	[tilespmem:s25+$0x20] =	vst v27  }
0x183: {  	v27 =	vcvt.f32.s32 v31;
	v28 =	vadd.f32 v28, v54;
	v31 =	vcvt.s32.f32 v36;
	v57 =	vld.idx.msk [tilespmem:v55+s16+$0x0], $0xffff  }
0x184: {  	v25 =	vmul.f32 v20, v25;
	v39 =	vcvt.s32.f32 v39;
	v58 =	vld.idx.msk [tilespmem:v53+s5+$0x0], $0xffff  }
0x185: {  	v28 =	vmul.f32 v28, v29;
	v29 =	vadd.s32 v5, v27;
	v22 =	vsub.f32 v22, v31;
	v31 =	vld.idx.msk [tilespmem:v55+s5+$0x0], $0xffff  }
0x186: {  	v25 =	vadd.f32 v25, v26;
	v32 =	vmul.f32 $2.450000050e+00, v61;
	v38 =	vsub.f32 v38, v39  }
0x187: {  	v26 =	vld.idx.msk [tilespmem:v18+s4+$0x0], $0xffff;
	v23 =	vmul.f32 $2.450000050e+00, v23;
	v21 =	vadd.f32 v28, v21;
	v28 =	vmul.f32 v22, v30  }
0x188: {  	v60 =	vld.idx.msk [tilespmem:v53+s4+$0x0], $0xffff;
	v27 =	vcvt.s32.f32 v27;
	v30 =	vadd.f32 $2.450000000e+01, v32;
	v34 =	vmul.f32 v38, v57  }
0x189: {  	v23 =	vadd.f32 $2.450000000e+01, v23;
	[tilespmem:s23+$0x30] =	vst v21;
	v21 =	vadd.f32 v28, v58;
	v28 =	vld.idx.msk [tilespmem:v55+s4+$0x0], $0xffff  }
0x18a: {  	v16 =	vsub.f32 v16, v27;
	v27 =	vmax.f32 v30, $1.000000000e+00;
	v61 =	vld.idx.msk [tilespmem:v29+s16+$0x0], $0xffff;
	v31 =	vadd.f32 v34, v31  }
0x18b: {  	v63 =	vmax.f32 v23, $1.000000000e+00;
	v37 =	vld.idx.msk [tilespmem:v53+s3+$0x0], $0xffff;
	v27 =	vmin.f32 v27, $4.700000000e+01;
	v21 =	vmul.f32 v21, v22  }
0x18c: {  	v40 =	vmin.f32 v63, $4.700000000e+01;
	v62 =	vld.idx.msk [tilespmem:v29+s5+$0x0], $0xffff;
	v27 =	vtrunc.f32 v27;
	v31 =	vmul.f32 v31, v38  }
0x18d: {  	v40 =	vtrunc.f32 v40;
	v35 =	vld.idx.msk [tilespmem:v55+s3+$0x0], $0xffff;
	v27 =	vcvt.f32.s32 v27;
	v21 =	vadd.f32 v21, v60  }
0x18e: {  	v17 =	vadd.f32 $2.450000000e+01, v17;
	v32 =	vcvt.f32.s32 v40;
	v28 =	vadd.f32 v31, v28  }
0x18f: {  	v18 =	vld.idx.msk [tilespmem:v18+s3+$0x0], $0xffff;
	v31 =	vmul.f32 v16, v61;
	v21 =	vmul.f32 v21, v22;
	v22 =	vadd.s32 v5, v27  }
0x190: {  	v25 =	vmul.f32 v25, v20;
	v42 =	vadd.s32 v5, v32;
	v41 =	vld.idx.msk [tilespmem:v29+s4+$0x0], $0xffff;
	v28 =	vmul.f32 v28, v38  }
0x191: {  	v56 =	vld [tilespmem:s24+$0x50];
	v31 =	vadd.f32 v31, v62;
	v21 =	vadd.f32 v21, v37  }
0x192: {  	v25 =	vadd.f32 v25, v26;
	v19 =	vld [tilespmem:s25+$0x50];
	v28 =	vadd.f32 v28, v35  }
0x193: {  	v29 =	vld.idx.msk [tilespmem:v29+s3+$0x0], $0xffff;
	v31 =	vmul.f32 v31, v16;
	[tilespmem:s24+$0x30] =	vst v21  }
0x194: {  	v24 =	vcvt.f32.s32 v24;
	v20 =	vmul.f32 v25, v20;
	v44 =	vmax.f32 v17, $1.000000000e+00;
	v45 =	vld.idx.msk [tilespmem:v22+s16+$0x0], $0xffff;
	[tilespmem:s25+$0x30] =	vst v28  }
0x195: {  	v26 =	vmin.f32 v44, $4.700000000e+01;
	v27 =	vcvt.s32.f32 v27;
	v28 =	vadd.f32 v31, v41;
	v31 =	vld.idx.msk [tilespmem:v42+s16+$0x0], $0xffff  }
0x196: {  	v26 =	vtrunc.f32 v26;
	v32 =	vcvt.s32.f32 v32;
	v46 =	vld.idx.msk [tilespmem:v22+s5+$0x0], $0xffff  }
0x197: {  	v18 =	vadd.f32 v20, v18;
	v26 =	vcvt.f32.s32 v26;
	v25 =	vsub.f32 v30, v27;
	v27 =	vld.idx.msk [tilespmem:v42+s5+$0x0], $0xffff  }
0x198: {  	v23 =	vsub.f32 v23, v32;
	v30 =	vmul.f32 $2.450000050e+00, v56;
	v16 =	vmul.f32 v28, v16  }
0x199: {  	v59 =	vld [tilespmem:s23+$0x60];
	v19 =	vmul.f32 $2.450000050e+00, v19;
	v28 =	vadd.s32 v6, v26;
	v48 =	vmul.f32 v25, v45  }
0x19a: {  	v16 =	vadd.f32 v16, v29;
	v29 =	vadd.f32 $2.450000000e+01, v30;
	v30 =	vld.idx.msk [tilespmem:v22+s4+$0x0], $0xffff;
	v31 =	vmul.f32 v23, v31  }
0x19b: {  	v19 =	vadd.f32 $2.450000000e+01, v19;
	v50 =	vld.idx.msk [tilespmem:v42+s4+$0x0], $0xffff;
	v33 =	vadd.f32 v48, v46  }
0x19c: {  	v49 =	vadd.s32 v7, v24;
	v21 =	vld [tilespmem:s25+$0x60];
	[tilespmem:s23+$0x40] =	vst v16;
	v16 =	vmax.f32 v29, $1.000000000e+00;
	v20 =	vadd.f32 v31, v27  }
0x19d: {  	v51 =	vmax.f32 v19, $1.000000000e+00;
	v22 =	vld.idx.msk [tilespmem:v22+s3+$0x0], $0xffff;
	v16 =	vmin.f32 v16, $4.700000000e+01;
	v31 =	vmul.f32 v33, v25  }
0x19e: {  	v27 =	vld.idx.msk [tilespmem:v28+s16+$0x0], $0xffff;
	v16 =	vtrunc.f32 v16;
	v33 =	vmin.f32 v51, $4.700000000e+01;
	v20 =	vmul.f32 v20, v23  }
0x19f: {  	[tilespmem:s22+$0x50] =	vst v18;
	v16 =	vcvt.f32.s32 v16;
	v18 =	vadd.f32 v31, v30;
	v30 =	vtrunc.f32 v33;
	v31 =	vld.idx.msk [tilespmem:v42+s3+$0x0], $0xffff  }
0x1a0: {  	v26 =	vcvt.s32.f32 v26;
	v30 =	vcvt.f32.s32 v30;
	v20 =	vadd.f32 v20, v50  }
0x1a1: {  	v15 =	vadd.f32 $2.450000000e+01, v15;
	v54 =	vld.idx.msk [tilespmem:v28+s5+$0x0], $0xffff;
	v18 =	vmul.f32 v18, v25;
	v25 =	vadd.s32 v6, v16  }
0x1a2: {  	v43 =	vld [tilespmem:s24+$0x60];
	v17 =	vsub.f32 v17, v26;
	v20 =	vmul.f32 v20, v23;
	v23 =	vadd.s32 v6, v30  }
0x1a3: {  	v24 =	vcvt.s32.f32 v24;
	v52 =	vld.idx.msk [tilespmem:v49+s16+$0x0], $0xffff;
	v21 =	vmul.f32 $2.450000050e+00, v21;
	v18 =	vadd.f32 v18, v22  }
0x1a4: {  	v53 =	vmul.f32 $2.450000050e+00, v59;
	v26 =	vld.idx.msk [tilespmem:v28+s4+$0x0], $0xffff;
	v22 =	vmul.f32 v17, v27;
	v20 =	vadd.f32 v20, v31  }
0x1a5: {  	v11 =	vsub.f32 v11, v24;
	v21 =	vadd.f32 $2.450000000e+01, v21;
	v28 =	vld.idx.msk [tilespmem:v28+s3+$0x0], $0xffff;
	[tilespmem:s24+$0x40] =	vst v18  }
0x1a6: {  	v36 =	vadd.f32 $2.450000000e+01, v53;
	v22 =	vadd.f32 v22, v54;
	v55 =	vld.idx.msk [tilespmem:v25+s16+$0x0], $0xffff;
	[tilespmem:s25+$0x40] =	vst v20  }
0x1a7: {  	v60 =	vmax.f32 v21, $1.000000000e+00;
	v16 =	vcvt.s32.f32 v16;
	v30 =	vcvt.s32.f32 v30;
	v24 =	vld.idx.msk [tilespmem:v23+s16+$0x0], $0xffff  }
0x1a8: {  	v33 =	vmul.f32 v11, v52;
	v31 =	vmax.f32 v36, $1.000000000e+00;
	v56 =	vld.idx.msk [tilespmem:v25+s5+$0x0], $0xffff;
	v22 =	vmul.f32 v22, v17  }
0x1a9: {  	v16 =	vsub.f32 v29, v16;
	v19 =	vsub.f32 v19, v30;
	v31 =	vmin.f32 v31, $4.700000000e+01;
	v29 =	vld.idx.msk [tilespmem:v23+s5+$0x0], $0xffff  }
0x1aa: {  	v27 =	vld [tilespmem:s24+$0x70];
	v20 =	vtrunc.f32 v31;
	v22 =	vadd.f32 v22, v26;
	v26 =	vmul.f32 $2.450000050e+00, v43  }
0x1ab: {  	v39 =	vmin.f32 v60, $4.700000000e+01;
	v30 =	vld.idx.msk [tilespmem:v49+s5+$0x0], $0xffff;
	v20 =	vcvt.f32.s32 v20;
	v57 =	vmul.f32 v16, v55  }
0x1ac: {  	v17 =	vmul.f32 v22, v17;
	v22 =	vadd.f32 $2.450000000e+01, v26;
	v26 =	vld.idx.msk [tilespmem:v25+s4+$0x0], $0xffff;
	v24 =	vmul.f32 v19, v24  }
0x1ad: {  	v31 =	vmax.f32 v15, $1.000000000e+00;
	v59 =	vld.idx.msk [tilespmem:v23+s4+$0x0], $0xffff;
	v58 =	vadd.s32 v7, v20;
	v34 =	vadd.f32 v57, v56  }
0x1ae: {  	v47 =	vld [tilespmem:s23+$0x70];
	v17 =	vadd.f32 v17, v28;
	v28 =	vmax.f32 v22, $1.000000000e+00;
	v24 =	vadd.f32 v24, v29  }
0x1af: {  	v23 =	vld.idx.msk [tilespmem:v23+s3+$0x0], $0xffff;
	v27 =	vmul.f32 $2.450000050e+00, v27;
	v28 =	vmin.f32 v28, $4.700000000e+01;
	v34 =	vmul.f32 v34, v16  }
0x1b0: {  	v31 =	vmin.f32 v31, $4.700000000e+01;
	v25 =	vld.idx.msk [tilespmem:v25+s3+$0x0], $0xffff;
	v28 =	vtrunc.f32 v28;
	v24 =	vmul.f32 v24, v19  }
0x1b1: {  	v29 =	vld.idx.msk [tilespmem:v49+s4+$0x0], $0xffff;
	[tilespmem:s23+$0x50] =	vst v17;
	v17 =	vcvt.f32.s32 v28;
	v28 =	vtrunc.f32 v39;
	v26 =	vadd.f32 v34, v26  }
0x1b2: {  	v30 =	vadd.f32 v33, v30;
	v61 =	vld.idx.msk [tilespmem:v58+s16+$0x0], $0xffff;
	v28 =	vcvt.f32.s32 v28;
	v24 =	vadd.f32 v24, v59  }
0x1b3: {  	v18 =	vld [tilespmem:s25+$0x70];
	v20 =	vcvt.s32.f32 v20;
	v16 =	vmul.f32 v26, v16;
	v26 =	vadd.s32 v7, v17  }
0x1b4: {  	v30 =	vmul.f32 v30, v11;
	v62 =	vld.idx.msk [tilespmem:v58+s5+$0x0], $0xffff;
	v19 =	vmul.f32 v24, v19;
	v24 =	vadd.s32 v7, v28  }
0x1b5: {  	v31 =	vtrunc.f32 v31;
	v20 =	vsub.f32 v36, v20;
	v16 =	vadd.f32 v16, v25  }
0x1b6: {  	v25 =	vadd.f32 v30, v29;
	v29 =	vmul.f32 $2.450000050e+00, v47;
	v19 =	vadd.f32 v19, v23  }
0x1b7: {  	v30 =	vld.idx.msk [tilespmem:v58+s4+$0x0], $0xffff;
	v23 =	vcvt.f32.s32 v31;
	v31 =	vmul.f32 v20, v61;
	[tilespmem:s24+$0x50] =	vst v16  }
0x1b8: {  	v18 =	vmul.f32 $2.450000050e+00, v18;
	v11 =	vmul.f32 v25, v11;
	v25 =	vld.idx.msk [tilespmem:v26+s16+$0x0], $0xffff;
	[tilespmem:s25+$0x50] =	vst v19  }
0x1b9: {  	v17 =	vcvt.s32.f32 v17;
	v16 =	vadd.f32 $2.450000000e+01, v29;
	v29 =	vadd.f32 v31, v62;
	v31 =	vld.idx.msk [tilespmem:v24+s16+$0x0], $0xffff  }
0x1ba: {  	v27 =	vadd.f32 $2.450000000e+01, v27;
	v18 =	vadd.f32 $2.450000000e+01, v18;
	v28 =	vcvt.s32.f32 v28;
	v36 =	vld.idx.msk [tilespmem:v26+s5+$0x0], $0xffff  }
0x1bb: {  	v17 =	vsub.f32 v22, v17;
	v22 =	vld.idx.msk [tilespmem:v24+s5+$0x0], $0xffff;
	v29 =	vmul.f32 v29, v20  }
0x1bc: {  	v35 =	vld.idx.msk [tilespmem:v49+s3+$0x0], $0xffff;
	v40 =	vmax.f32 v27, $1.000000000e+00;
	v41 =	vmax.f32 v18, $1.000000000e+00;
	v21 =	vsub.f32 v21, v28  }
0x1bd: {  	v63 =	vmax.f32 v16, $1.000000000e+00;
	v28 =	vadd.f32 v29, v30;
	v25 =	vmul.f32 v17, v25  }
0x1be: {  	v34 =	vmin.f32 v41, $4.700000000e+01;
	v32 =	vmin.f32 v63, $4.700000000e+01;
	v30 =	vld.idx.msk [tilespmem:v26+s4+$0x0], $0xffff;
	v31 =	vmul.f32 v21, v31  }
0x1bf: {  	v32 =	vtrunc.f32 v32;
	v20 =	vmul.f32 v28, v20;
	v25 =	vadd.f32 v25, v36;
	v28 =	vld.idx.msk [tilespmem:v24+s4+$0x0], $0xffff  }
0x1c0: {  	v38 =	vld.idx.msk [tilespmem:v58+s3+$0x0], $0xffff;
	v19 =	vadd.s32 v8, v23;
	v29 =	vcvt.f32.s32 v32;
	v22 =	vadd.f32 v31, v22  }
0x1c1: {  	v11 =	vadd.f32 v11, v35;
	v31 =	vmin.f32 v40, $4.700000000e+01;
	v25 =	vmul.f32 v25, v17  }
0x1c2: {  	v26 =	vld.idx.msk [tilespmem:v26+s3+$0x0], $0xffff;
	v39 =	vadd.s32 v8, v29;
	v31 =	vtrunc.f32 v31;
	v22 =	vmul.f32 v22, v21  }
0x1c3: {  	v24 =	vld.idx.msk [tilespmem:v24+s3+$0x0], $0xffff;
	v31 =	vcvt.f32.s32 v31;
	v25 =	vadd.f32 v25, v30;
	v30 =	vtrunc.f32 v34  }
0x1c4: {  	v9 =	vld.idx.msk [tilespmem:v9+s3+$0x0], $0xffff;
	v30 =	vcvt.f32.s32 v30;
	v22 =	vadd.f32 v22, v28  }
0x1c5: {  	[tilespmem:s22+$0x60] =	vst v11;
	v11 =	vadd.f32 v20, v38;
	v17 =	vmul.f32 v25, v17;
	v20 =	vadd.s32 v8, v31  }
0x1c6: {  	v25 =	vld.idx.msk [tilespmem:v19+s16+$0x0], $0xffff;
	v21 =	vmul.f32 v22, v21;
	v22 =	vadd.s32 v8, v30  }
0x1c7: {  	[tilespmem:s23+$0x60] =	vst v11;
	v28 =	vld.idx.msk [tilespmem:v19+s5+$0x0], $0xffff;
	v11 =	vadd.f32 v17, v26  }
0x1c8: {  	v17 =	vld.idx.msk [tilespmem:v39+s16+$0x0], $0xffff;
	v21 =	vadd.f32 v21, v24  }
0x1c9: {  	v23 =	vcvt.s32.f32 v23;
	v24 =	vld.idx.msk [tilespmem:v39+s5+$0x0], $0xffff;
	[tilespmem:s24+$0x60] =	vst v11  }
0x1ca: {  	v11 =	vcvt.s32.f32 v29;
	v26 =	vld.idx.msk [tilespmem:v20+s16+$0x0], $0xffff;
	[tilespmem:s25+$0x60] =	vst v21  }
0x1cb: {  	v15 =	vsub.f32 v15, v23;
	v21 =	vcvt.s32.f32 v31;
	v23 =	vld.idx.msk [tilespmem:v22+s16+$0x0], $0xffff  }
0x1cc: {  	v29 =	vcvt.s32.f32 v30;
	v11 =	vsub.f32 v16, v11;
	v16 =	vld.idx.msk [tilespmem:v20+s5+$0x0], $0xffff  }
0x1cd: {  	v25 =	vmul.f32 v15, v25;
	v21 =	vsub.f32 v27, v21;
	v27 =	vld.idx.msk [tilespmem:v22+s5+$0x0], $0xffff  }
0x1ce: {  	v12 =	vadd.f32 v14, v12;
	v14 =	vld.idx.msk [tilespmem:v19+s4+$0x0], $0xffff;
	v18 =	vsub.f32 v18, v29;
	v17 =	vmul.f32 v11, v17  }
0x1cf: {  	v25 =	vadd.f32 v25, v28;
	v28 =	vld.idx.msk [tilespmem:v39+s4+$0x0], $0xffff;
	v26 =	vmul.f32 v21, v26  }
0x1d0: {  	v12 =	vmul.f32 v12, v10;
	v17 =	vadd.f32 v17, v24;
	v24 =	vld.idx.msk [tilespmem:v20+s4+$0x0], $0xffff;
	v23 =	vmul.f32 v18, v23  }
0x1d1: {  	v25 =	vmul.f32 v25, v15;
	v16 =	vadd.f32 v26, v16;
	v26 =	vld.idx.msk [tilespmem:v22+s4+$0x0], $0xffff  }
0x1d2: {  	v12 =	vadd.f32 v12, v13;
	v13 =	vld.idx.msk [tilespmem:v19+s3+$0x0], $0xffff;
	v17 =	vmul.f32 v17, v11;
	v19 =	vadd.f32 v23, v27  }
0x1d3: {  	v14 =	vadd.f32 v25, v14;
	v23 =	vld.idx.msk [tilespmem:v39+s3+$0x0], $0xffff;
	v16 =	vmul.f32 v16, v21  }
0x1d4: {  	v10 =	vmul.f32 v12, v10;
	v12 =	vadd.f32 v17, v28;
	v17 =	vld.idx.msk [tilespmem:v20+s3+$0x0], $0xffff;
	v19 =	vmul.f32 v19, v18  }
0x1d5: {  	v14 =	vmul.f32 v14, v15;
	v15 =	vadd.f32 v16, v24;
	v16 =	vld.idx.msk [tilespmem:v22+s3+$0x0], $0xffff  }
0x1d6: {  	v9 =	vadd.f32 v10, v9;
	v10 =	vmul.f32 v12, v11;
	v11 =	vadd.f32 v19, v26  }
0x1d7: {  	v12 =	vadd.f32 v14, v13;
	v13 =	vmul.f32 v15, v21  }
0x1d8: {  	[tilespmem:s21+$0x70] =	vst v9;
	v9 =	vadd.f32 v10, v23;
	v10 =	vmul.f32 v11, v18  }
0x1d9: {  	[tilespmem:s22+$0x70] =	vst v12;
	v11 =	vadd.f32 v13, v17  }
0x1da: {  	[tilespmem:s23+$0x70] =	vst v9;
	v9 =	vadd.f32 v10, v16  }
0x1db: {  	[tilespmem:s24+$0x70] =	vst v11  }
0x1dc: {  	[tilespmem:s25+$0x70] =	vst v9  }
0x1dd: {  	s0 =	simm.s32 $0x0;
	s31 =	simm.s32 $0x3;
	s1 =	rddreg [dreg:$0x7]  }
0x1de: {  	[hbm4b:s1+s0] =	stream.linear.scatter [tilespmem:s0], [sflag:$0x4], $0x8000, $0x38;
	[tilespmem:$0x17900] =	vst v63  }
0x1df: {  	_ =	swait.ge [sflag:s31], $0x8000  }
0x1e0: {  	[sflag:s31] =	ssyncset.done $0x0  }
0x1e1: {  	s21 =	simm.s32 $0x0;
	[sflag:s31] =	ssyncadd.s32 $0xFFFF8000  }
0x1e2: {  	v9 =	vld [tilespmem:s21+$0x8000];
	_ =	sdelay $0x4  }
0x1e3: {  	v9 =	vmul.f32 $2.450000050e+00, v9;
	_ =	sdelay $0x1  }
0x1e4: {  	v9 =	vadd.f32 $2.450000000e+01, v9;
	_ =	sdelay $0x1  }
0x1e5: {  	v10 =	vmax.f32 v9, $1.000000000e+00  }
0x1e6: {  	v10 =	vmin.f32 v10, $4.700000000e+01  }
0x1e7: {  	v10 =	vtrunc.f32 v10  }
0x1e8: {  	v10 =	vcvt.f32.s32 v10;
	_ =	sdelay $0x1  }
0x1e9: {  	v11 =	vadd.s32 v1, v10;
	_ =	sdelay $0x3  }
0x1ea: {  	v12 =	vld [tilespmem:s21+$0x8010]  }
0x1eb: {  	v13 =	vld.idx.msk [tilespmem:v11+s16+$0x0], $0xffff  }
0x1ec: {  	v10 =	vcvt.s32.f32 v10  }
0x1ed: {  	v14 =	vld.idx.msk [tilespmem:v11+s5+$0x0], $0xffff  }
0x1ee: {  	v9 =	vsub.f32 v9, v10  }
0x1ef: {  	v10 =	vmul.f32 $2.450000050e+00, v12  }
0x1f0: {  	v12 =	vmul.f32 v9, v13  }
0x1f1: {  	v10 =	vadd.f32 $2.450000000e+01, v10;
	v13 =	vld.idx.msk [tilespmem:v11+s4+$0x0], $0xffff  }
0x1f2: {  	v12 =	vadd.f32 v12, v14  }
0x1f3: {  	v14 =	vmax.f32 v10, $1.000000000e+00  }
0x1f4: {  	v14 =	vmin.f32 v14, $4.700000000e+01;
	v12 =	vmul.f32 v12, v9  }
0x1f5: {  	v11 =	vld.idx.msk [tilespmem:v11+s3+$0x0], $0xffff;
	v14 =	vtrunc.f32 v14  }
0x1f6: {  	v12 =	vadd.f32 v12, v13;
	v13 =	vcvt.f32.s32 v14;
	_ =	sdelay $0x1  }
0x1f7: {  	v9 =	vmul.f32 v12, v9;
	v12 =	vadd.s32 v2, v13;
	_ =	sdelay $0x1  }
0x1f8: {  	s22 =	simm.s32 $0x80;
	v9 =	vadd.f32 v9, v11  }
0x1f9: {  	v15 =	vld [tilespmem:s22+$0x8000]  }
0x1fa: {  	v14 =	vld [tilespmem:s21+$0x8020];
	[tilespmem:s21+$0x8000] =	vst v9  }
0x1fb: {  	v9 =	vld.idx.msk [tilespmem:v12+s16+$0x0], $0xffff  }
0x1fc: {  	v13 =	vcvt.s32.f32 v13  }
0x1fd: {  	v16 =	vld.idx.msk [tilespmem:v12+s5+$0x0], $0xffff  }
0x1fe: {  	v10 =	vsub.f32 v10, v13  }
0x1ff: {  	v13 =	vmul.f32 $2.450000050e+00, v14  }
0x200: {  	v14 =	vmul.f32 $2.450000050e+00, v15;
	v9 =	vmul.f32 v10, v9  }
0x201: {  	v13 =	vadd.f32 $2.450000000e+01, v13;
	v15 =	vld.idx.msk [tilespmem:v12+s4+$0x0], $0xffff  }
0x202: {  	v14 =	vadd.f32 $2.450000000e+01, v14;
	v9 =	vadd.f32 v9, v16  }
0x203: {  	v16 =	vmax.f32 v13, $1.000000000e+00  }
0x204: {  	v17 =	vmax.f32 v14, $1.000000000e+00;
	v16 =	vmin.f32 v16, $4.700000000e+01;
	v9 =	vmul.f32 v9, v10  }
0x205: {  	v12 =	vld.idx.msk [tilespmem:v12+s3+$0x0], $0xffff;
	v17 =	vmin.f32 v17, $4.700000000e+01;
	v16 =	vtrunc.f32 v16  }
0x206: {  	v17 =	vtrunc.f32 v17;
	v16 =	vcvt.f32.s32 v16;
	v9 =	vadd.f32 v9, v15  }
0x207: {  	v15 =	vcvt.f32.s32 v17  }
0x208: {  	v9 =	vmul.f32 v9, v10;
	v10 =	vadd.s32 v3, v16  }
0x209: {  	v17 =	vadd.s32 v1, v15  }
0x20a: {  	v9 =	vadd.f32 v9, v12  }
0x20b: {  	v18 =	vld [tilespmem:s22+$0x8010]  }
0x20c: {  	v11 =	vld [tilespmem:s21+$0x8030];
	[tilespmem:s21+$0x8010] =	vst v9  }
0x20d: {  	v9 =	vld.idx.msk [tilespmem:v10+s16+$0x0], $0xffff  }
0x20e: {  	v16 =	vcvt.s32.f32 v16;
	v19 =	vld.idx.msk [tilespmem:v17+s16+$0x0], $0xffff  }
0x20f: {  	v15 =	vcvt.s32.f32 v15;
	v20 =	vld.idx.msk [tilespmem:v10+s5+$0x0], $0xffff  }
0x210: {  	v13 =	vsub.f32 v13, v16;
	v21 =	vld.idx.msk [tilespmem:v17+s5+$0x0], $0xffff  }
0x211: {  	v11 =	vmul.f32 $2.450000050e+00, v11;
	v14 =	vsub.f32 v14, v15  }
0x212: {  	v15 =	vmul.f32 $2.450000050e+00, v18;
	v9 =	vmul.f32 v13, v9  }
0x213: {  	v11 =	vadd.f32 $2.450000000e+01, v11;
	v18 =	vld.idx.msk [tilespmem:v10+s4+$0x0], $0xffff;
	v16 =	vmul.f32 v14, v19  }
0x214: {  	v15 =	vadd.f32 $2.450000000e+01, v15;
	v19 =	vld.idx.msk [tilespmem:v17+s4+$0x0], $0xffff;
	v9 =	vadd.f32 v9, v20  }
0x215: {  	v20 =	vmax.f32 v11, $1.000000000e+00;
	v16 =	vadd.f32 v16, v21  }
0x216: {  	v21 =	vmax.f32 v15, $1.000000000e+00;
	v20 =	vmin.f32 v20, $4.700000000e+01;
	v9 =	vmul.f32 v9, v13  }
0x217: {  	v10 =	vld.idx.msk [tilespmem:v10+s3+$0x0], $0xffff;
	v21 =	vmin.f32 v21, $4.700000000e+01;
	v20 =	vtrunc.f32 v20;
	v16 =	vmul.f32 v16, v14  }
0x218: {  	v17 =	vld.idx.msk [tilespmem:v17+s3+$0x0], $0xffff;
	v21 =	vtrunc.f32 v21;
	v20 =	vcvt.f32.s32 v20;
	v9 =	vadd.f32 v9, v18  }
0x219: {  	v16 =	vadd.f32 v16, v19;
	v18 =	vcvt.f32.s32 v21  }
0x21a: {  	v12 =	vld [tilespmem:s21+$0x8040];
	v9 =	vmul.f32 v9, v13;
	v13 =	vadd.s32 v4, v20  }
0x21b: {  	s23 =	simm.s32 $0x100;
	v19 =	vld [tilespmem:s22+$0x8020];
	v14 =	vmul.f32 v16, v14;
	v16 =	vadd.s32 v2, v18  }
0x21c: {  	v21 =	vld [tilespmem:s23+$0x8000];
	v9 =	vadd.f32 v9, v10  }
0x21d: {  	v10 =	vadd.f32 v14, v17  }
0x21e: {  	[tilespmem:s21+$0x8020] =	vst v9  }
0x21f: {  	v12 =	vmul.f32 $2.450000050e+00, v12;
	[tilespmem:s22+$0x8000] =	vst v10;
	v10 =	vld.idx.msk [tilespmem:v13+s16+$0x0], $0xffff  }
0x220: {  	v20 =	vcvt.s32.f32 v20;
	v9 =	vmul.f32 $2.450000050e+00, v19;
	v19 =	vld.idx.msk [tilespmem:v16+s16+$0x0], $0xffff  }
0x221: {  	v18 =	vcvt.s32.f32 v18;
	v21 =	vmul.f32 $2.450000050e+00, v21;
	v22 =	vld.idx.msk [tilespmem:v13+s5+$0x0], $0xffff  }
0x222: {  	v12 =	vadd.f32 $2.450000000e+01, v12;
	v11 =	vsub.f32 v11, v20;
	v23 =	vld.idx.msk [tilespmem:v16+s5+$0x0], $0xffff  }
0x223: {  	v15 =	vsub.f32 v15, v18;
	v20 =	vadd.f32 $2.450000000e+01, v21  }
0x224: {  	v18 =	vmax.f32 v12, $1.000000000e+00  }
0x225: {  	v25 =	vld.idx.msk [tilespmem:v13+s4+$0x0], $0xffff;
	v21 =	vmax.f32 v20, $1.000000000e+00;
	v10 =	vmul.f32 v11, v10;
	v19 =	vmul.f32 v15, v19  }
0x226: {  	v18 =	vmin.f32 v18, $4.700000000e+01;
	v26 =	vld.idx.msk [tilespmem:v16+s4+$0x0], $0xffff;
	v9 =	vadd.f32 $2.450000000e+01, v9;
	v21 =	vmin.f32 v21, $4.700000000e+01  }
0x227: {  	v21 =	vtrunc.f32 v21;
	v10 =	vadd.f32 v10, v22;
	v19 =	vadd.f32 v19, v23  }
0x228: {  	v14 =	vld [tilespmem:s21+$0x8050];
	v18 =	vtrunc.f32 v18;
	v21 =	vcvt.f32.s32 v21  }
0x229: {  	v13 =	vld.idx.msk [tilespmem:v13+s3+$0x0], $0xffff;
	v24 =	vmax.f32 v9, $1.000000000e+00;
	v10 =	vmul.f32 v10, v11;
	v19 =	vmul.f32 v19, v15  }
0x22a: {  	s25 =	simm.s32 $0x200;
	v16 =	vld.idx.msk [tilespmem:v16+s3+$0x0], $0xffff;
	v18 =	vcvt.f32.s32 v18;
	v22 =	vmin.f32 v24, $4.700000000e+01;
	v23 =	vadd.s32 v1, v21  }
0x22b: {  	v48 =	vld [tilespmem:s25+$0x8000];
	v22 =	vtrunc.f32 v22;
	v10 =	vadd.f32 v10, v25;
	v19 =	vadd.f32 v19, v26  }
0x22c: {  	v24 =	vld [tilespmem:s23+$0x8010];
	v22 =	vcvt.f32.s32 v22  }
0x22d: {  	v17 =	vld [tilespmem:s22+$0x8030];
	v10 =	vmul.f32 v10, v11;
	v11 =	vadd.s32 v5, v18;
	v15 =	vmul.f32 v19, v15  }
0x22e: {  	v25 =	vld [tilespmem:s21+$0x8060];
	v19 =	vadd.s32 v3, v22;
	v22 =	vcvt.s32.f32 v22  }
0x22f: {  	v10 =	vadd.f32 v10, v13;
	v13 =	vmul.f32 $2.450000050e+00, v14;
	v14 =	vadd.f32 v15, v16;
	v15 =	vld.idx.msk [tilespmem:v23+s16+$0x0], $0xffff  }
0x230: {  	v21 =	vcvt.s32.f32 v21;
	v16 =	vld.idx.msk [tilespmem:v23+s5+$0x0], $0xffff  }
0x231: {  	v24 =	vmul.f32 $2.450000050e+00, v24;
	v9 =	vsub.f32 v9, v22;
	v22 =	vld [tilespmem:s23+$0x8020];
	[tilespmem:s21+$0x8030] =	vst v10  }
0x232: {  	v20 =	vsub.f32 v20, v21;
	[tilespmem:s22+$0x8010] =	vst v14;
	v14 =	vld.idx.msk [tilespmem:v11+s16+$0x0], $0xffff  }
0x233: {  	v18 =	vcvt.s32.f32 v18;
	v10 =	vmul.f32 $2.450000050e+00, v17;
	v17 =	vadd.f32 $2.450000000e+01, v24;
	v24 =	vld.idx.msk [tilespmem:v19+s16+$0x0], $0xffff  }
0x234: {  	v21 =	vmul.f32 $2.450000050e+00, v25;
	v13 =	vadd.f32 $2.450000000e+01, v13;
	v25 =	vld.idx.msk [tilespmem:v11+s5+$0x0], $0xffff  }
0x235: {  	v34 =	vmul.f32 $2.450000050e+00, v48;
	v12 =	vsub.f32 v12, v18;
	v28 =	vld.idx.msk [tilespmem:v19+s5+$0x0], $0xffff;
	v15 =	vmul.f32 v20, v15  }
0x236: {  	v30 =	vld.idx.msk [tilespmem:v23+s4+$0x0], $0xffff;
	v10 =	vadd.f32 $2.450000000e+01, v10;
	v27 =	vmax.f32 v17, $1.000000000e+00;
	v29 =	vmax.f32 v13, $1.000000000e+00  }
0x237: {  	v26 =	vld [tilespmem:s22+$0x8040];
	v27 =	vmin.f32 v27, $4.700000000e+01;
	v15 =	vadd.f32 v15, v16;
	v14 =	vmul.f32 v12, v14  }
0x238: {  	v22 =	vmul.f32 $2.450000050e+00, v22;
	v16 =	vmin.f32 v29, $4.700000000e+01;
	v29 =	vld.idx.msk [tilespmem:v11+s4+$0x0], $0xffff;
	v24 =	vmul.f32 v9, v24  }
0x239: {  	v31 =	vld.idx.msk [tilespmem:v19+s4+$0x0], $0xffff;
	v18 =	vmax.f32 v10, $1.000000000e+00;
	v15 =	vmul.f32 v15, v20;
	v14 =	vadd.f32 v14, v25  }
0x23a: {  	v23 =	vld.idx.msk [tilespmem:v23+s3+$0x0], $0xffff;
	v18 =	vmin.f32 v18, $4.700000000e+01;
	v25 =	vtrunc.f32 v27;
	v24 =	vadd.f32 v24, v28  }
0x23b: {  	v19 =	vld.idx.msk [tilespmem:v19+s3+$0x0], $0xffff;
	v15 =	vadd.f32 v15, v30;
	v25 =	vcvt.f32.s32 v25;
	v14 =	vmul.f32 v14, v12  }
0x23c: {  	s24 =	simm.s32 $0x180;
	v11 =	vld.idx.msk [tilespmem:v11+s3+$0x0], $0xffff;
	v22 =	vadd.f32 $2.450000000e+01, v22;
	v16 =	vtrunc.f32 v16;
	v24 =	vmul.f32 v24, v9  }
0x23d: {  	v27 =	vld [tilespmem:s24+$0x8000];
	v15 =	vmul.f32 v15, v20;
	v20 =	vadd.s32 v2, v25;
	v14 =	vadd.f32 v14, v29  }
0x23e: {  	v18 =	vtrunc.f32 v18;
	v16 =	vcvt.f32.s32 v16;
	v28 =	vld [tilespmem:s21+$0x8070];
	v24 =	vadd.f32 v24, v31  }
0x23f: {  	v18 =	vcvt.f32.s32 v18;
	v29 =	vld [tilespmem:s23+$0x8030];
	v15 =	vadd.f32 v15, v23;
	v12 =	vmul.f32 v14, v12  }
0x240: {  	v26 =	vmul.f32 $2.450000050e+00, v26;
	v23 =	vld [tilespmem:s22+$0x8050];
	v14 =	vadd.s32 v6, v16;
	v9 =	vmul.f32 v24, v9  }
0x241: {  	v42 =	vmax.f32 v22, $1.000000000e+00;
	v24 =	vadd.s32 v4, v18;
	[tilespmem:s23+$0x8000] =	vst v15;
	v11 =	vadd.f32 v12, v11  }
0x242: {  	v32 =	vmin.f32 v42, $4.700000000e+01;
	v16 =	vcvt.s32.f32 v16;
	v12 =	vld.idx.msk [tilespmem:v20+s5+$0x0], $0xffff;
	v9 =	vadd.f32 v9, v19  }
0x243: {  	v27 =	vmul.f32 $2.450000050e+00, v27;
	v15 =	vadd.f32 $2.450000000e+01, v21;
	v21 =	vadd.f32 $2.450000000e+01, v26;
	v19 =	vld.idx.msk [tilespmem:v20+s16+$0x0], $0xffff;
	[tilespmem:s21+$0x8040] =	vst v11  }
0x244: {  	v26 =	vmul.f32 $2.450000050e+00, v28;
	v13 =	vsub.f32 v13, v16;
	v16 =	vld [tilespmem:s24+$0x8010];
	[tilespmem:s22+$0x8020] =	vst v9;
	v9 =	vcvt.s32.f32 v25  }
0x245: {  	v27 =	vadd.f32 $2.450000000e+01, v27;
	v29 =	vmul.f32 $2.450000050e+00, v29;
	v11 =	vmul.f32 $2.450000050e+00, v23;
	v28 =	vld.idx.msk [tilespmem:v14+s16+$0x0], $0xffff  }
0x246: {  	v23 =	vmax.f32 v21, $1.000000000e+00;
	v25 =	vmax.f32 v15, $1.000000000e+00;
	v31 =	vld.idx.msk [tilespmem:v24+s16+$0x0], $0xffff;
	v9 =	vsub.f32 v17, v9  }
0x247: {  	v43 =	vld.idx.msk [tilespmem:v14+s5+$0x0], $0xffff;
	v17 =	vcvt.s32.f32 v18;
	v18 =	vmin.f32 v23, $4.700000000e+01;
	v23 =	vmin.f32 v25, $4.700000000e+01  }
0x248: {  	v30 =	vmax.f32 v27, $1.000000000e+00;
	v29 =	vadd.f32 $2.450000000e+01, v29;
	v25 =	vld.idx.msk [tilespmem:v24+s5+$0x0], $0xffff;
	v23 =	vtrunc.f32 v23  }
0x249: {  	v18 =	vtrunc.f32 v18;
	v19 =	vmul.f32 v9, v19;
	v10 =	vsub.f32 v10, v17  }
0x24a: {  	v16 =	vmul.f32 $2.450000050e+00, v16;
	v17 =	vmin.f32 v30, $4.700000000e+01;
	v30 =	vld.idx.msk [tilespmem:v20+s4+$0x0], $0xffff;
	v28 =	vmul.f32 v13, v28  }
0x24b: {  	v44 =	vld.idx.msk [tilespmem:v14+s4+$0x0], $0xffff;
	v17 =	vtrunc.f32 v17;
	v12 =	vadd.f32 v19, v12;
	v19 =	vmul.f32 v10, v31  }
0x24c: {  	v45 =	vld.idx.msk [tilespmem:v24+s4+$0x0], $0xffff;
	v51 =	vmax.f32 v29, $1.000000000e+00;
	v17 =	vcvt.f32.s32 v17;
	v28 =	vadd.f32 v28, v43  }
0x24d: {  	v46 =	vld [tilespmem:s23+$0x8040];
	v31 =	vtrunc.f32 v32;
	v12 =	vmul.f32 v12, v9;
	v19 =	vadd.f32 v19, v25  }
0x24e: {  	v20 =	vld.idx.msk [tilespmem:v20+s3+$0x0], $0xffff;
	v25 =	vcvt.f32.s32 v31;
	v31 =	vadd.s32 v1, v17;
	v28 =	vmul.f32 v28, v13  }
0x24f: {  	v14 =	vld.idx.msk [tilespmem:v14+s3+$0x0], $0xffff;
	v23 =	vcvt.f32.s32 v23;
	v12 =	vadd.f32 v12, v30;
	v19 =	vmul.f32 v19, v10  }
0x250: {  	v24 =	vld.idx.msk [tilespmem:v24+s3+$0x0], $0xffff;
	v18 =	vcvt.f32.s32 v18;
	v33 =	vmin.f32 v51, $4.700000000e+01;
	v28 =	vadd.f32 v28, v44  }
0x251: {  	v47 =	vld [tilespmem:s24+$0x8020];
	v9 =	vmul.f32 v12, v9;
	v12 =	vadd.s32 v3, v25;
	v19 =	vadd.f32 v19, v45  }
0x252: {  	v49 =	vadd.f32 $2.450000000e+01, v16;
	v30 =	vld [tilespmem:s22+$0x8060];
	v13 =	vmul.f32 v28, v13;
	v28 =	vadd.s32 v7, v23  }
0x253: {  	v55 =	vld.idx.msk [tilespmem:v31+s4+$0x0], $0xffff;
	v9 =	vadd.f32 v9, v20;
	v10 =	vmul.f32 v19, v10;
	v19 =	vadd.s32 v5, v18  }
0x254: {  	v16 =	vmul.f32 $2.450000050e+00, v46;
	v33 =	vtrunc.f32 v33;
	v20 =	vld.idx.msk [tilespmem:v31+s5+$0x0], $0xffff;
	v13 =	vadd.f32 v13, v14  }
0x255: {  	v50 =	vmax.f32 v49, $1.000000000e+00;
	v14 =	vadd.f32 $2.450000000e+01, v26;
	v26 =	vld.idx.msk [tilespmem:v31+s16+$0x0], $0xffff;
	[tilespmem:s23+$0x8010] =	vst v9;
	v9 =	vadd.f32 v10, v24  }
0x256: {  	v32 =	vmin.f32 v50, $4.700000000e+01;
	v24 =	vadd.f32 $2.450000000e+01, v11;
	v11 =	vld.idx.msk [tilespmem:v12+s16+$0x0], $0xffff;
	[tilespmem:s21+$0x8050] =	vst v13;
	v13 =	vcvt.s32.f32 v17  }
0x257: {  	v32 =	vtrunc.f32 v32;
	v23 =	vcvt.s32.f32 v23;
	[tilespmem:s22+$0x8030] =	vst v9;
	v9 =	vld.idx.msk [tilespmem:v28+s16+$0x0], $0xffff  }
0x258: {  	v33 =	vcvt.f32.s32 v33;
	v58 =	vcvt.f32.s32 v32;
	v52 =	vld.idx.msk [tilespmem:v19+s16+$0x0], $0xffff;
	v13 =	vsub.f32 v27, v13  }
0x259: {  	v18 =	vcvt.s32.f32 v18;
	v10 =	vmul.f32 $2.450000050e+00, v30;
	v15 =	vsub.f32 v15, v23;
	v54 =	vld.idx.msk [tilespmem:v19+s5+$0x0], $0xffff  }
0x25a: {  	v23 =	vcvt.s32.f32 v25;
	v30 =	vmax.f32 v14, $1.000000000e+00;
	v27 =	vld.idx.msk [tilespmem:v28+s5+$0x0], $0xffff;
	v26 =	vmul.f32 v13, v26  }
0x25b: {  	v62 =	vcvt.s32.f32 v58;
	v18 =	vsub.f32 v21, v18;
	v25 =	vld.idx.msk [tilespmem:v12+s5+$0x0], $0xffff;
	v30 =	vmin.f32 v30, $4.700000000e+01  }
0x25c: {  	v31 =	vld.idx.msk [tilespmem:v31+s3+$0x0], $0xffff;
	v22 =	vsub.f32 v22, v23;
	v21 =	vtrunc.f32 v30;
	v20 =	vadd.f32 v26, v20  }
0x25d: {  	v56 =	vld.idx.msk [tilespmem:v19+s4+$0x0], $0xffff;
	v9 =	vmul.f32 v15, v9;
	v23 =	vmul.f32 v18, v52  }
0x25e: {  	v16 =	vadd.f32 $2.450000000e+01, v16;
	v30 =	vld.idx.msk [tilespmem:v28+s4+$0x0], $0xffff;
	v11 =	vmul.f32 v22, v11;
	v20 =	vmul.f32 v20, v13  }
0x25f: {  	v53 =	vmax.f32 v24, $1.000000000e+00;
	v9 =	vadd.f32 v9, v27;
	v27 =	vld.idx.msk [tilespmem:v12+s4+$0x0], $0xffff;
	v23 =	vadd.f32 v23, v54  }
0x260: {  	v19 =	vld.idx.msk [tilespmem:v19+s3+$0x0], $0xffff;
	v57 =	vcvt.f32.s32 v21;
	v11 =	vadd.f32 v11, v25;
	v20 =	vadd.f32 v20, v55  }
0x261: {  	v37 =	vmin.f32 v53, $4.700000000e+01;
	v21 =	vld.idx.msk [tilespmem:v28+s3+$0x0], $0xffff;
	v9 =	vmul.f32 v9, v15;
	v25 =	vmul.f32 v23, v18  }
0x262: {  	v28 =	vld [tilespmem:s25+$0x8010];
	v11 =	vmul.f32 v11, v22;
	v23 =	vadd.s32 v2, v58;
	v13 =	vmul.f32 v20, v13  }
0x263: {  	v26 =	vtrunc.f32 v37;
	v12 =	vld.idx.msk [tilespmem:v12+s3+$0x0], $0xffff;
	v9 =	vadd.f32 v9, v30;
	v25 =	vadd.f32 v25, v56  }
0x264: {  	v26 =	vcvt.f32.s32 v26;
	v20 =	vld [tilespmem:s22+$0x8070];
	v27 =	vadd.f32 v11, v27;
	v13 =	vadd.f32 v13, v31  }
0x265: {  	v30 =	vld [tilespmem:s23+$0x8050];
	v15 =	vmul.f32 v9, v15;
	v9 =	vadd.s32 v8, v57;
	v25 =	vmul.f32 v25, v18  }
0x266: {  	v17 =	vmul.f32 $2.450000050e+00, v47;
	v11 =	vadd.f32 $2.450000000e+01, v10;
	v31 =	vld [tilespmem:s24+$0x8030];
	v18 =	vadd.s32 v6, v26;
	[tilespmem:s24+$0x8000] =	vst v13  }
0x267: {  	v10 =	vadd.f32 v15, v21;
	v13 =	vmul.f32 v27, v22;
	v22 =	vadd.f32 v25, v19;
	v32 =	vld.idx.msk [tilespmem:v23+s5+$0x0], $0xffff  }
0x268: {  	v21 =	vadd.s32 v4, v33;
	v19 =	vadd.f32 $2.450000000e+01, v17;
	v27 =	vadd.f32 $2.450000000e+01, v34;
	v59 =	vld.idx.msk [tilespmem:v23+s16+$0x0], $0xffff  }
0x269: {  	v34 =	vsub.f32 v49, v62;
	v35 =	vld.idx.msk [tilespmem:v23+s4+$0x0], $0xffff;
	[tilespmem:s21+$0x8060] =	vst v10;
	v10 =	vadd.f32 v13, v12  }
0x26a: {  	v15 =	vmul.f32 $2.450000050e+00, v20;
	v17 =	vmul.f32 $2.450000050e+00, v30;
	v20 =	vmax.f32 v11, $1.000000000e+00;
	[tilespmem:s22+$0x8040] =	vst v22;
	v60 =	vld.idx.msk [tilespmem:v9+s16+$0x0], $0xffff  }
0x26b: {  	v13 =	vmax.f32 v16, $1.000000000e+00;
	v61 =	vmax.f32 v19, $1.000000000e+00;
	v25 =	vld.idx.msk [tilespmem:v18+s16+$0x0], $0xffff;
	[tilespmem:s23+$0x8020] =	vst v10;
	v10 =	vcvt.s32.f32 v57  }
0x26c: {  	v22 =	vmul.f32 $2.450000050e+00, v31;
	v31 =	vmax.f32 v27, $1.000000000e+00;
	v12 =	vld.idx.msk [tilespmem:v9+s5+$0x0], $0xffff;
	v63 =	vmin.f32 v13, $4.700000000e+01  }
0x26d: {  	v13 =	vmin.f32 v20, $4.700000000e+01;
	v20 =	vcvt.s32.f32 v26;
	v30 =	vld.idx.msk [tilespmem:v21+s16+$0x0], $0xffff;
	v10 =	vsub.f32 v14, v10  }
0x26e: {  	v36 =	vmin.f32 v61, $4.700000000e+01;
	v26 =	vld.idx.msk [tilespmem:v18+s5+$0x0], $0xffff;
	v38 =	vmin.f32 v31, $4.700000000e+01;
	v31 =	vcvt.s32.f32 v33  }
0x26f: {  	v33 =	vld.idx.msk [tilespmem:v21+s5+$0x0], $0xffff;
	v20 =	vsub.f32 v24, v20;
	v24 =	vtrunc.f32 v13;
	v14 =	vmul.f32 v10, v60  }
0x270: {  	s6 =	simm.s32 $0x0;
	s0 =	simm.s32 $0xA00;
	v13 =	vld.idx.msk [tilespmem:v9+s4+$0x0], $0xffff;
	v37 =	vmul.f32 v34, v59;
	v29 =	vsub.f32 v29, v31;
	v31 =	vtrunc.f32 v63  }
.LBB2_6:
0x271: {  	p0 =	sne.s32 s0, $0x1FE00;
	v36 =	vtrunc.f32 v36;
	v39 =	vld.idx.msk [tilespmem:v18+s4+$0x0], $0xffff;
	v25 =	vmul.f32 v20, v25;
	v12 =	vadd.f32 v14, v12  }
0x272: {  	v14 =	vtrunc.f32 v38;
	v32 =	vadd.f32 v37, v32;
	v37 =	vld.idx.msk [tilespmem:v21+s4+$0x0], $0xffff;
	v30 =	vmul.f32 v29, v30  }
0x273: {  	v24 =	vcvt.f32.s32 v24;
	v25 =	vadd.f32 v25, v26;
	v9 =	vld.idx.msk [tilespmem:v9+s3+$0x0], $0xffff;
	v12 =	vmul.f32 v12, v10  }
0x274: {  	v26 =	vcvt.f32.s32 v14;
	v14 =	vld.idx.msk [tilespmem:v23+s3+$0x0], $0xffff;
	v23 =	vmul.f32 v32, v34;
	v30 =	vadd.f32 v30, v33  }
0x275: {  	v32 =	vcvt.f32.s32 v36;
	v18 =	vld.idx.msk [tilespmem:v18+s3+$0x0], $0xffff;
	v25 =	vmul.f32 v25, v20;
	v12 =	vadd.f32 v12, v13  }
0x276: {  	v33 =	vadd.s32 v1, v26;
	v13 =	vadd.f32 v23, v35;
	v21 =	vld.idx.msk [tilespmem:v21+s3+$0x0], $0xffff;
	v23 =	vmul.f32 v30, v29  }
0x277: {  	v30 =	vcvt.f32.s32 v31;
	v31 =	vld [tilespmem:s23+$0x8060];
	v25 =	vadd.f32 v25, v39;
	v10 =	vmul.f32 v12, v10  }
0x278: {  	v12 =	vmul.f32 v13, v34;
	v34 =	vadd.s32 v3, v32;
	v35 =	vld [tilespmem:s24+$0x8040];
	v13 =	vadd.f32 v23, v37  }
0x279: {  	s1 =	sshra.s32 s0, $0x2;
	v23 =	vld [tilespmem:s25+$0x8020];
	v20 =	vmul.f32 v25, v20;
	v25 =	vadd.s32 v7, v24;
	v9 =	vadd.f32 v10, v9  }
0x27a: {  	v37 =	vadd.s32 v5, v30;
	v36 =	vld [tilespmem:s1+$0x8000];
	v12 =	vadd.f32 v12, v14;
	v13 =	vmul.f32 v13, v29  }
0x27b: {  	v10 =	vadd.f32 $2.450000000e+01, v15;
	v14 =	vmul.f32 $2.450000050e+00, v28;
	v38 =	vld.idx.msk [tilespmem:v33+s5+$0x0], $0xffff;
	v18 =	vadd.f32 v20, v18;
	[tilespmem:s21+$0x8070] =	vst v9;
	s21 =	smov.u32 s22;
	s22 =	smov.u32 s23;
	s23 =	smov.u32 s24  }
0x27c: {  	s24 =	smov.u32 s25;
	s25 =	smov.u32 s1;
	v9 =	vld.idx.msk [tilespmem:v33+s16+$0x0], $0xffff;
	[tilespmem:s23+$0x8010] =	vst v12;
	v12 =	vadd.f32 v13, v21;
	v13 =	vadd.f32 $2.450000000e+01, v17;
	v15 =	vmul.f32 $2.450000050e+00, v31  }
0x27d: {  	v29 =	vadd.f32 $2.450000000e+01, v22;
	v14 =	vadd.f32 $2.450000000e+01, v14;
	v17 =	vld.idx.msk [tilespmem:v34+s16+$0x0], $0xffff;
	v20 =	vmul.f32 $2.450000050e+00, v35;
	[tilespmem:s21+$0x8050] =	vst v18  }
0x27e: {  	v21 =	vmax.f32 v10, $1.000000000e+00;
	v18 =	vcvt.s32.f32 v26;
	v22 =	vmul.f32 $2.450000050e+00, v23;
	[tilespmem:s22+$0x8030] =	vst v12;
	v12 =	vld.idx.msk [tilespmem:v25+s16+$0x0], $0xffff  }
0x27f: {  	v26 =	vmax.f32 v29, $1.000000000e+00;
	v23 =	vmax.f32 v14, $1.000000000e+00;
	v31 =	vmax.f32 v13, $1.000000000e+00;
	v28 =	vld.idx.msk [tilespmem:v37+s16+$0x0], $0xffff  }
0x280: {  	v24 =	vcvt.s32.f32 v24;
	v21 =	vmin.f32 v21, $4.700000000e+01;
	v18 =	vsub.f32 v27, v18;
	v27 =	vld.idx.msk [tilespmem:v25+s5+$0x0], $0xffff  }
0x281: {  	v30 =	vcvt.s32.f32 v30;
	v26 =	vmin.f32 v26, $4.700000000e+01;
	v31 =	vmin.f32 v31, $4.700000000e+01;
	v35 =	vld.idx.msk [tilespmem:v37+s5+$0x0], $0xffff  }
0x282: {  	v11 =	vsub.f32 v11, v24;
	v23 =	vmin.f32 v23, $4.700000000e+01;
	v9 =	vmul.f32 v18, v9;
	v39 =	vld.idx.msk [tilespmem:v33+s4+$0x0], $0xffff  }
0x283: {  	v16 =	vsub.f32 v16, v30;
	v24 =	vcvt.s32.f32 v32;
	v21 =	vtrunc.f32 v21;
	v32 =	vld.idx.msk [tilespmem:v34+s5+$0x0], $0xffff  }
0x284: {  	v30 =	vtrunc.f32 v31;
	v9 =	vadd.f32 v9, v38;
	v12 =	vmul.f32 v11, v12;
	v31 =	vld.idx.msk [tilespmem:v25+s4+$0x0], $0xffff  }
0x285: {  	v19 =	vsub.f32 v19, v24;
	v24 =	vtrunc.f32 v26;
	v28 =	vmul.f32 v16, v28;
	v26 =	vld.idx.msk [tilespmem:v37+s4+$0x0], $0xffff  }
0x286: {  	v23 =	vtrunc.f32 v23;
	v9 =	vmul.f32 v9, v18;
	v12 =	vadd.f32 v12, v27;
	v33 =	vld.idx.msk [tilespmem:v33+s3+$0x0], $0xffff  }
0x287: {  	v17 =	vmul.f32 v19, v17;
	v28 =	vadd.f32 v28, v35;
	v35 =	vcvt.f32.s32 v21;
	v27 =	vld.idx.msk [tilespmem:v34+s4+$0x0], $0xffff  }
0x288: {  	v38 =	vcvt.f32.s32 v23;
	v9 =	vadd.f32 v9, v39;
	v12 =	vmul.f32 v12, v11;
	v21 =	vld.idx.msk [tilespmem:v25+s3+$0x0], $0xffff  }
0x289: {  	v17 =	vadd.f32 v17, v32;
	v28 =	vmul.f32 v28, v16;
	v25 =	vld.idx.msk [tilespmem:v37+s3+$0x0], $0xffff;
	v37 =	vcvt.f32.s32 v30  }
0x28a: {  	v23 =	vadd.s32 v2, v38;
	v9 =	vmul.f32 v9, v18;
	v12 =	vadd.f32 v12, v31;
	v30 =	vld [tilespmem:s22+$0x8070]  }
0x28b: {  	v24 =	vcvt.f32.s32 v24;
	v17 =	vmul.f32 v17, v19;
	v18 =	vadd.f32 v28, v26;
	v31 =	vld.idx.msk [tilespmem:v34+s3+$0x0], $0xffff  }
0x28c: {  	v26 =	vadd.f32 v9, v33;
	v12 =	vmul.f32 v12, v11;
	v9 =	vadd.s32 v8, v35;
	v33 =	vld [tilespmem:s23+$0x8050]  }
0x28d: {  	v17 =	vadd.f32 v17, v27;
	v16 =	vmul.f32 v18, v16;
	v18 =	vadd.s32 v6, v37;
	v34 =	vld [tilespmem:s24+$0x8030]  }
0x28e: {  	v11 =	vadd.f32 $2.450000000e+01, v15;
	v27 =	vmul.f32 $2.450000050e+00, v36;
	v12 =	vadd.f32 v12, v21;
	v28 =	vld [tilespmem:s25+$0x8010];
	[tilespmem:s24+$0x8000] =	vst v26  }
0x28f: {  	v21 =	vadd.s32 v4, v24;
	v17 =	vmul.f32 v17, v19;
	v25 =	vadd.f32 v16, v25;
	v32 =	vld.idx.msk [tilespmem:v23+s5+$0x0], $0xffff  }
0x290: {  	v19 =	vadd.f32 $2.450000000e+01, v22;
	v16 =	vadd.f32 $2.450000000e+01, v20;
	v15 =	vmul.f32 $2.450000050e+00, v30;
	v39 =	vld.idx.msk [tilespmem:v23+s16+$0x0], $0xffff;
	[tilespmem:s21+$0x8060] =	vst v12  }
0x291: {  	v27 =	vadd.f32 $2.450000000e+01, v27;
	v12 =	vadd.f32 v17, v31;
	v17 =	vmul.f32 $2.450000050e+00, v33;
	[tilespmem:s22+$0x8040] =	vst v25;
	v31 =	vld.idx.msk [tilespmem:v9+s16+$0x0], $0xffff  }
0x292: {  	v26 =	vmax.f32 v11, $1.000000000e+00;
	v20 =	vmax.f32 v16, $1.000000000e+00;
	v22 =	vmul.f32 $2.450000050e+00, v34;
	v25 =	vld.idx.msk [tilespmem:v18+s16+$0x0], $0xffff  }
0x293: {  	v35 =	vcvt.s32.f32 v35;
	v33 =	vmax.f32 v27, $1.000000000e+00;
	v34 =	vmax.f32 v19, $1.000000000e+00;
	[tilespmem:s23+$0x8020] =	vst v12;
	v12 =	vld.idx.msk [tilespmem:v9+s5+$0x0], $0xffff  }
.Ltmp2:
0x294: {  	v40 =	vcvt.s32.f32 v38;
	v42 =	vmin.f32 v26, $4.700000000e+01;
	v41 =	vmin.f32 v20, $4.700000000e+01;
	v30 =	vld.idx.msk [tilespmem:v21+s16+$0x0], $0xffff;
	(pc) =	sbr.rel @p0 .LBB2_6-.Ltmp2, $4  }
0x295: {  	v10 =	vsub.f32 v10, v35;
	v20 =	vcvt.s32.f32 v37;
	v36 =	vmin.f32 v34, $4.700000000e+01;
	v26 =	vld.idx.msk [tilespmem:v18+s5+$0x0], $0xffff  }
0x296: {  	v38 =	vmin.f32 v33, $4.700000000e+01;
	v34 =	vsub.f32 v14, v40;
	v40 =	vcvt.s32.f32 v24;
	v33 =	vld.idx.msk [tilespmem:v21+s5+$0x0], $0xffff  }
0x297: {  	v20 =	vsub.f32 v13, v20;
	v24 =	vtrunc.f32 v42;
	v14 =	vmul.f32 v10, v31;
	v13 =	vld.idx.msk [tilespmem:v9+s4+$0x0], $0xffff  }
0x298: {  	s0 =	sadd.s32 $0x200, s0;
	v37 =	vmul.f32 v34, v39;
	v29 =	vsub.f32 v29, v40;
	v31 =	vtrunc.f32 v41;
	v35 =	vld.idx.msk [tilespmem:v23+s4+$0x0], $0xffff  }
0x299: {  	v38 =	vtrunc.f32 v38  }
0x29a: {  	v38 =	vcvt.f32.s32 v38;
	_ =	sdelay $0x1  }
0x29b: {  	v39 =	vadd.s32 v1, v38;
	_ =	sdelay $0x4  }
0x29c: {  	v40 =	vld.idx.msk [tilespmem:v39+s16+$0x0], $0xffff  }
0x29d: {  	v38 =	vcvt.s32.f32 v38  }
0x29e: {  	v41 =	vld.idx.msk [tilespmem:v39+s5+$0x0], $0xffff  }
0x29f: {  	v27 =	vsub.f32 v27, v38  }
0x2a0: {  	v28 =	vmul.f32 $2.450000050e+00, v28  }
0x2a1: {  	v38 =	vmul.f32 v27, v40  }
0x2a2: {  	v28 =	vadd.f32 $2.450000000e+01, v28;
	v54 =	vld.idx.msk [tilespmem:v39+s4+$0x0], $0xffff  }
0x2a3: {  	v38 =	vadd.f32 v38, v41  }
0x2a4: {  	v55 =	vmax.f32 v28, $1.000000000e+00  }
0x2a5: {  	v41 =	vmin.f32 v55, $4.700000000e+01;
	v38 =	vmul.f32 v38, v27  }
0x2a6: {  	v39 =	vld.idx.msk [tilespmem:v39+s3+$0x0], $0xffff;
	v41 =	vtrunc.f32 v41  }
0x2a7: {  	v56 =	vcvt.f32.s32 v41;
	v38 =	vadd.f32 v38, v54;
	_ =	sdelay $0x1  }
0x2a8: {  	v57 =	vadd.s32 v2, v56;
	v27 =	vmul.f32 v38, v27;
	_ =	sdelay $0x1  }
0x2a9: {  	v27 =	vadd.f32 v27, v39;
	_ =	sdelay $0x1  }
0x2aa: {  	v58 =	vld [tilespmem:s25+$0x8020];
	[tilespmem:s25+$0x8000] =	vst v27  }
0x2ab: {  	v27 =	vld.idx.msk [tilespmem:v57+s16+$0x0], $0xffff  }
0x2ac: {  	v40 =	vcvt.s32.f32 v56  }
0x2ad: {  	v42 =	vld.idx.msk [tilespmem:v57+s5+$0x0], $0xffff  }
0x2ae: {  	v28 =	vsub.f32 v28, v40  }
0x2af: {  	v60 =	vmul.f32 $2.450000050e+00, v58  }
0x2b0: {  	v27 =	vmul.f32 v28, v27  }
0x2b1: {  	v32 =	vadd.f32 v37, v32;
	v61 =	vadd.f32 $2.450000000e+01, v60;
	v62 =	vld.idx.msk [tilespmem:v57+s4+$0x0], $0xffff  }
0x2b2: {  	v27 =	vadd.f32 v27, v42  }
0x2b3: {  	v32 =	vmul.f32 v32, v34;
	v63 =	vmax.f32 v61, $1.000000000e+00  }
0x2b4: {  	v36 =	vtrunc.f32 v36;
	v23 =	vld.idx.msk [tilespmem:v23+s3+$0x0], $0xffff;
	v41 =	vmin.f32 v63, $4.700000000e+01;
	v27 =	vmul.f32 v27, v28  }
0x2b5: {  	v36 =	vcvt.f32.s32 v36;
	v32 =	vadd.f32 v32, v35;
	v44 =	vtrunc.f32 v41;
	v38 =	vld.idx.msk [tilespmem:v57+s3+$0x0], $0xffff  }
0x2b6: {  	v35 =	vcvt.f32.s32 v44;
	v27 =	vadd.f32 v27, v62  }
0x2b7: {  	v45 =	vadd.s32 v3, v36;
	v32 =	vmul.f32 v32, v34  }
0x2b8: {  	v46 =	vadd.s32 v3, v35;
	v27 =	vmul.f32 v27, v28  }
0x2b9: {  	v23 =	vadd.f32 v32, v23  }
0x2ba: {  	v27 =	vadd.f32 v27, v38  }
0x2bb: {  	v59 =	vld [tilespmem:s25+$0x8030];
	[tilespmem:s24+$0x8010] =	vst v23  }
0x2bc: {  	v47 =	vld.idx.msk [tilespmem:v45+s16+$0x0], $0xffff;
	[tilespmem:s25+$0x8010] =	vst v27  }
0x2bd: {  	v48 =	vcvt.s32.f32 v36;
	v49 =	vld.idx.msk [tilespmem:v46+s16+$0x0], $0xffff  }
0x2be: {  	v50 =	vld.idx.msk [tilespmem:v45+s5+$0x0], $0xffff;
	v35 =	vcvt.s32.f32 v35  }
0x2bf: {  	v19 =	vsub.f32 v19, v48;
	v51 =	vld.idx.msk [tilespmem:v46+s5+$0x0], $0xffff  }
0x2c0: {  	v35 =	vsub.f32 v61, v35  }
0x2c1: {  	v53 =	vmul.f32 $2.450000050e+00, v59;
	v52 =	vmul.f32 v19, v47  }
0x2c2: {  	v22 =	vadd.f32 $2.450000000e+01, v22;
	v54 =	vld.idx.msk [tilespmem:v45+s4+$0x0], $0xffff;
	v36 =	vmul.f32 v35, v49  }
0x2c3: {  	v37 =	vadd.f32 v52, v50;
	v38 =	vadd.f32 $2.450000000e+01, v53;
	v55 =	vld.idx.msk [tilespmem:v46+s4+$0x0], $0xffff  }
0x2c4: {  	v56 =	vmax.f32 v22, $1.000000000e+00;
	v27 =	vadd.f32 v36, v51  }
0x2c5: {  	v37 =	vmul.f32 v37, v19;
	v57 =	vmin.f32 v56, $4.700000000e+01;
	v58 =	vmax.f32 v38, $1.000000000e+00  }
0x2c6: {  	v34 =	vld.idx.msk [tilespmem:v45+s3+$0x0], $0xffff;
	v41 =	vmin.f32 v58, $4.700000000e+01;
	v36 =	vtrunc.f32 v57;
	v27 =	vmul.f32 v27, v35  }
0x2c7: {  	v37 =	vadd.f32 v37, v54;
	v28 =	vld.idx.msk [tilespmem:v46+s3+$0x0], $0xffff;
	v59 =	vtrunc.f32 v41;
	v36 =	vcvt.f32.s32 v36  }
0x2c8: {  	v39 =	vcvt.f32.s32 v59;
	v27 =	vadd.f32 v27, v55  }
0x2c9: {  	v19 =	vmul.f32 v37, v19;
	v60 =	vadd.s32 v4, v36  }
0x2ca: {  	v32 =	vld [tilespmem:s24+$0x8040];
	v62 =	vadd.s32 v4, v39;
	v27 =	vmul.f32 v27, v35  }
0x2cb: {  	v30 =	vmul.f32 v29, v30;
	v23 =	vld [tilespmem:s25+$0x8040];
	v19 =	vadd.f32 v19, v34  }
0x2cc: {  	v61 =	vld.idx.msk [tilespmem:v21+s4+$0x0], $0xffff;
	v27 =	vadd.f32 v27, v28  }
0x2cd: {  	v30 =	vadd.f32 v30, v33;
	v63 =	vld.idx.msk [tilespmem:v21+s3+$0x0], $0xffff;
	[tilespmem:s24+$0x8020] =	vst v19  }
0x2ce: {  	v42 =	vld.idx.msk [tilespmem:v60+s16+$0x0], $0xffff;
	[tilespmem:s25+$0x8020] =	vst v27  }
0x2cf: {  	v41 =	vmul.f32 v30, v29;
	v44 =	vcvt.s32.f32 v36;
	v45 =	vld.idx.msk [tilespmem:v62+s16+$0x0], $0xffff  }
0x2d0: {  	v39 =	vcvt.s32.f32 v39;
	v46 =	vld.idx.msk [tilespmem:v60+s5+$0x0], $0xffff  }
0x2d1: {  	v43 =	vcvt.f32.s32 v31;
	v22 =	vsub.f32 v22, v44;
	v28 =	vadd.f32 v41, v61;
	v48 =	vld.idx.msk [tilespmem:v62+s5+$0x0], $0xffff  }
0x2d2: {  	v32 =	vmul.f32 $2.450000050e+00, v32;
	v23 =	vmul.f32 $2.450000050e+00, v23;
	v38 =	vsub.f32 v38, v39  }
0x2d3: {  	v47 =	vadd.s32 v5, v43;
	v28 =	vmul.f32 v28, v29;
	v49 =	vmul.f32 v22, v42  }
0x2d4: {  	v23 =	vadd.f32 $2.450000000e+01, v23;
	v50 =	vadd.f32 $2.450000000e+01, v32;
	v51 =	vld.idx.msk [tilespmem:v60+s4+$0x0], $0xffff;
	v34 =	vmul.f32 v38, v45  }
0x2d5: {  	v27 =	vcvt.s32.f32 v43;
	v53 =	vld.idx.msk [tilespmem:v62+s4+$0x0], $0xffff;
	v21 =	vadd.f32 v28, v63;
	v52 =	vadd.f32 v49, v46  }
0x2d6: {  	v33 =	vld [tilespmem:s24+$0x8050];
	v57 =	vmax.f32 v23, $1.000000000e+00;
	v55 =	vmax.f32 v50, $1.000000000e+00;
	v31 =	vadd.f32 v34, v48  }
0x2d7: {  	v37 =	vld.idx.msk [tilespmem:v60+s3+$0x0], $0xffff;
	v16 =	vsub.f32 v16, v27;
	v27 =	vmin.f32 v55, $4.700000000e+01;
	[tilespmem:s23+$0x8030] =	vst v21;
	v21 =	vmul.f32 v52, v22  }
0x2d8: {  	v40 =	vmin.f32 v57, $4.700000000e+01;
	v27 =	vtrunc.f32 v27;
	v54 =	vld.idx.msk [tilespmem:v47+s16+$0x0], $0xffff;
	v31 =	vmul.f32 v31, v38  }
0x2d9: {  	v58 =	vtrunc.f32 v40;
	v35 =	vld.idx.msk [tilespmem:v62+s3+$0x0], $0xffff;
	v27 =	vcvt.f32.s32 v27;
	v21 =	vadd.f32 v21, v51  }
0x2da: {  	v32 =	vcvt.f32.s32 v58;
	v56 =	vld.idx.msk [tilespmem:v47+s5+$0x0], $0xffff;
	v28 =	vadd.f32 v31, v53  }
0x2db: {  	v19 =	vld [tilespmem:s25+$0x8050];
	v62 =	vadd.s32 v5, v27;
	v21 =	vmul.f32 v21, v22  }
0x2dc: {  	v25 =	vmul.f32 v20, v25;
	v59 =	vld.idx.msk [tilespmem:v18+s4+$0x0], $0xffff;
	v40 =	vadd.s32 v5, v32;
	v28 =	vmul.f32 v28, v38  }
0x2dd: {  	v17 =	vadd.f32 $2.450000000e+01, v17;
	v60 =	vld.idx.msk [tilespmem:v18+s3+$0x0], $0xffff;
	v61 =	vmul.f32 v16, v54;
	v21 =	vadd.f32 v21, v37  }
0x2de: {  	v25 =	vadd.f32 v25, v26;
	v63 =	vld.idx.msk [tilespmem:v47+s4+$0x0], $0xffff;
	v28 =	vadd.f32 v28, v35  }
0x2df: {  	v24 =	vcvt.f32.s32 v24;
	v29 =	vld.idx.msk [tilespmem:v47+s3+$0x0], $0xffff;
	v31 =	vadd.f32 v61, v56;
	[tilespmem:s24+$0x8030] =	vst v21  }
0x2e0: {  	v25 =	vmul.f32 v25, v20;
	v19 =	vmul.f32 $2.450000050e+00, v19;
	v41 =	vmax.f32 v17, $1.000000000e+00;
	v43 =	vld.idx.msk [tilespmem:v62+s16+$0x0], $0xffff;
	[tilespmem:s25+$0x8030] =	vst v28  }
0x2e1: {  	v42 =	vmin.f32 v41, $4.700000000e+01;
	v27 =	vcvt.s32.f32 v27;
	v31 =	vmul.f32 v31, v16;
	v45 =	vld.idx.msk [tilespmem:v40+s16+$0x0], $0xffff  }
0x2e2: {  	v25 =	vadd.f32 v25, v59;
	v32 =	vcvt.s32.f32 v32;
	v26 =	vtrunc.f32 v42;
	v46 =	vld.idx.msk [tilespmem:v62+s5+$0x0], $0xffff  }
0x2e3: {  	v26 =	vcvt.f32.s32 v26;
	v48 =	vsub.f32 v50, v27;
	v44 =	vadd.f32 v31, v63;
	v49 =	vld.idx.msk [tilespmem:v40+s5+$0x0], $0xffff  }
0x2e4: {  	v23 =	vsub.f32 v23, v32;
	v47 =	vmul.f32 v25, v20;
	v51 =	vmul.f32 $2.450000050e+00, v33  }
0x2e5: {  	v19 =	vadd.f32 $2.450000000e+01, v19;
	v16 =	vmul.f32 v44, v16;
	v52 =	vmul.f32 v48, v43  }
0x2e6: {  	v18 =	vadd.f32 v47, v60;
	v53 =	vadd.f32 $2.450000000e+01, v51;
	v54 =	vld.idx.msk [tilespmem:v62+s4+$0x0], $0xffff;
	v31 =	vmul.f32 v23, v45  }
0x2e7: {  	v50 =	vadd.s32 v6, v26;
	v55 =	vld.idx.msk [tilespmem:v40+s4+$0x0], $0xffff;
	v16 =	vadd.f32 v16, v29;
	v33 =	vadd.f32 v52, v46  }
0x2e8: {  	v39 =	vld [tilespmem:s23+$0x8060];
	v60 =	vmax.f32 v19, $1.000000000e+00;
	v56 =	vmax.f32 v53, $1.000000000e+00;
	v57 =	vadd.f32 v31, v49  }
0x2e9: {  	v34 =	vld [tilespmem:s24+$0x8060];
	v35 =	vadd.s32 v7, v24;
	[tilespmem:s23+$0x8040] =	vst v16;
	v16 =	vmin.f32 v56, $4.700000000e+01;
	v59 =	vmul.f32 v33, v48  }
0x2ea: {  	v22 =	vld.idx.msk [tilespmem:v62+s3+$0x0], $0xffff;
	v16 =	vtrunc.f32 v16;
	v33 =	vmin.f32 v60, $4.700000000e+01;
	v20 =	vmul.f32 v57, v23  }
0x2eb: {  	v63 =	vld.idx.msk [tilespmem:v40+s3+$0x0], $0xffff;
	v16 =	vcvt.f32.s32 v16;
	v62 =	vtrunc.f32 v33;
	v61 =	vadd.f32 v59, v54  }
0x2ec: {  	v58 =	vld.idx.msk [tilespmem:v50+s16+$0x0], $0xffff;
	v30 =	vcvt.f32.s32 v62;
	v20 =	vadd.f32 v20, v55  }
0x2ed: {  	v26 =	vcvt.s32.f32 v26;
	[tilespmem:s22+$0x8050] =	vst v18;
	v21 =	vld [tilespmem:s25+$0x8060];
	v43 =	vadd.s32 v6, v16;
	v18 =	vmul.f32 v61, v48  }
0x2ee: {  	v41 =	vmul.f32 $2.450000050e+00, v39;
	v42 =	vld.idx.msk [tilespmem:v50+s5+$0x0], $0xffff;
	v45 =	vadd.s32 v6, v30;
	v20 =	vmul.f32 v20, v23  }
0x2ef: {  	v17 =	vsub.f32 v17, v26;
	v40 =	vld.idx.msk [tilespmem:v35+s16+$0x0], $0xffff;
	v18 =	vadd.f32 v18, v22  }
0x2f0: {  	v36 =	vadd.f32 $2.450000000e+01, v41;
	v44 =	vld.idx.msk [tilespmem:v50+s4+$0x0], $0xffff;
	v20 =	vadd.f32 v20, v63  }
0x2f1: {  	v15 =	vadd.f32 $2.450000000e+01, v15;
	v28 =	vld.idx.msk [tilespmem:v50+s3+$0x0], $0xffff;
	v46 =	vmul.f32 v17, v58;
	[tilespmem:s24+$0x8040] =	vst v18  }
0x2f2: {  	v47 =	vmax.f32 v36, $1.000000000e+00;
	v24 =	vcvt.s32.f32 v24;
	v21 =	vmul.f32 $2.450000050e+00, v21;
	v48 =	vld.idx.msk [tilespmem:v43+s16+$0x0], $0xffff;
	[tilespmem:s25+$0x8040] =	vst v20  }
0x2f3: {  	v51 =	vmax.f32 v15, $1.000000000e+00;
	v16 =	vcvt.s32.f32 v16;
	v22 =	vadd.f32 v46, v42;
	v50 =	vld.idx.msk [tilespmem:v45+s16+$0x0], $0xffff  }
0x2f4: {  	v11 =	vsub.f32 v11, v24;
	v21 =	vadd.f32 $2.450000000e+01, v21;
	v30 =	vcvt.s32.f32 v30;
	v52 =	vld.idx.msk [tilespmem:v43+s5+$0x0], $0xffff  }
0x2f5: {  	v31 =	vmin.f32 v47, $4.700000000e+01;
	v16 =	vsub.f32 v53, v16;
	v22 =	vmul.f32 v22, v17;
	v53 =	vld.idx.msk [tilespmem:v45+s5+$0x0], $0xffff  }
0x2f6: {  	v32 =	vld [tilespmem:s23+$0x8070];
	v33 =	vmul.f32 v11, v40;
	v54 =	vmul.f32 $2.450000050e+00, v34;
	v19 =	vsub.f32 v19, v30  }
0x2f7: {  	v49 =	vtrunc.f32 v31;
	v55 =	vld.idx.msk [tilespmem:v35+s5+$0x0], $0xffff;
	v22 =	vadd.f32 v22, v44;
	v56 =	vmul.f32 v16, v48  }
0x2f8: {  	v62 =	vmax.f32 v21, $1.000000000e+00;
	v57 =	vadd.f32 $2.450000000e+01, v54;
	v58 =	vld.idx.msk [tilespmem:v43+s4+$0x0], $0xffff;
	v24 =	vmul.f32 v19, v50  }
0x2f9: {  	v39 =	vmin.f32 v62, $4.700000000e+01;
	v17 =	vmul.f32 v22, v17;
	v59 =	vld.idx.msk [tilespmem:v45+s4+$0x0], $0xffff;
	v34 =	vadd.f32 v56, v52  }
0x2fa: {  	v27 =	vld [tilespmem:s24+$0x8070];
	v60 =	vmax.f32 v57, $1.000000000e+00;
	v20 =	vcvt.f32.s32 v49;
	v24 =	vadd.f32 v24, v53  }
0x2fb: {  	v61 =	vld.idx.msk [tilespmem:v35+s4+$0x0], $0xffff;
	v17 =	vadd.f32 v17, v28;
	v28 =	vmin.f32 v60, $4.700000000e+01;
	v34 =	vmul.f32 v34, v16  }
0x2fc: {  	v25 =	vld.idx.msk [tilespmem:v43+s3+$0x0], $0xffff;
	v37 =	vadd.s32 v7, v20;
	v28 =	vtrunc.f32 v28;
	v24 =	vmul.f32 v24, v19  }
0x2fd: {  	v40 =	vtrunc.f32 v39;
	v23 =	vld.idx.msk [tilespmem:v45+s3+$0x0], $0xffff;
	v63 =	vcvt.f32.s32 v28;
	v26 =	vadd.f32 v34, v58  }
0x2fe: {  	v18 =	vld [tilespmem:s25+$0x8070];
	v30 =	vadd.f32 v33, v55;
	v28 =	vcvt.f32.s32 v40;
	v24 =	vadd.f32 v24, v59  }
0x2ff: {  	v31 =	vmin.f32 v51, $4.700000000e+01;
	v35 =	vld.idx.msk [tilespmem:v35+s3+$0x0], $0xffff;
	v42 =	vadd.s32 v7, v63;
	v16 =	vmul.f32 v26, v16  }
0x300: {  	v30 =	vmul.f32 v30, v11;
	[tilespmem:s23+$0x8050] =	vst v17;
	v44 =	vadd.s32 v7, v28;
	v19 =	vmul.f32 v24, v19  }
0x301: {  	v27 =	vmul.f32 $2.450000050e+00, v27;
	v31 =	vtrunc.f32 v31;
	v41 =	vld.idx.msk [tilespmem:v37+s16+$0x0], $0xffff;
	v16 =	vadd.f32 v16, v25  }
0x302: {  	v47 =	vcvt.f32.s32 v31;
	v45 =	vadd.f32 v30, v61;
	v43 =	vld.idx.msk [tilespmem:v37+s5+$0x0], $0xffff;
	v19 =	vadd.f32 v19, v23  }
0x303: {  	v20 =	vcvt.s32.f32 v20;
	v18 =	vmul.f32 $2.450000050e+00, v18;
	v48 =	vld.idx.msk [tilespmem:v37+s4+$0x0], $0xffff;
	[tilespmem:s24+$0x8050] =	vst v16  }
0x304: {  	v27 =	vadd.f32 $2.450000000e+01, v27;
	v46 =	vmul.f32 $2.450000050e+00, v32;
	v11 =	vmul.f32 v45, v11;
	v51 =	vld.idx.msk [tilespmem:v42+s16+$0x0], $0xffff;
	[tilespmem:s25+$0x8050] =	vst v19  }
0x305: {  	v20 =	vsub.f32 v36, v20;
	v18 =	vadd.f32 $2.450000000e+01, v18;
	v17 =	vcvt.s32.f32 v63;
	v53 =	vld.idx.msk [tilespmem:v44+s16+$0x0], $0xffff  }
0x306: {  	v50 =	vadd.f32 $2.450000000e+01, v46;
	v11 =	vadd.f32 v11, v35;
	v28 =	vcvt.s32.f32 v28;
	v55 =	vld.idx.msk [tilespmem:v42+s5+$0x0], $0xffff  }
0x307: {  	v63 =	vmax.f32 v27, $1.000000000e+00;
	v17 =	vsub.f32 v57, v17;
	v49 =	vmul.f32 v20, v41;
	v56 =	vld.idx.msk [tilespmem:v44+s5+$0x0], $0xffff  }
0x308: {  	v61 =	vld.idx.msk [tilespmem:v37+s3+$0x0], $0xffff;
	v37 =	vmax.f32 v18, $1.000000000e+00;
	v54 =	vmax.f32 v50, $1.000000000e+00;
	v21 =	vsub.f32 v21, v28  }
0x309: {  	v36 =	vmin.f32 v63, $4.700000000e+01;
	v52 =	vadd.f32 v49, v43;
	v25 =	vmul.f32 v17, v51  }
0x30a: {  	v32 =	vmin.f32 v54, $4.700000000e+01;
	v34 =	vmin.f32 v37, $4.700000000e+01;
	v59 =	vld.idx.msk [tilespmem:v42+s4+$0x0], $0xffff;
	v31 =	vmul.f32 v21, v53  }
0x30b: {  	v32 =	vtrunc.f32 v32;
	v29 =	vmul.f32 v52, v20;
	v60 =	vld.idx.msk [tilespmem:v44+s4+$0x0], $0xffff;
	v25 =	vadd.f32 v25, v55  }
0x30c: {  	v38 =	vtrunc.f32 v34;
	v58 =	vcvt.f32.s32 v32;
	v22 =	vadd.f32 v31, v56  }
0x30d: {  	v19 =	vadd.s32 v8, v47;
	v57 =	vadd.f32 v29, v48;
	v25 =	vmul.f32 v25, v17  }
0x30e: {  	v62 =	vadd.s32 v8, v58;
	v26 =	vld.idx.msk [tilespmem:v42+s3+$0x0], $0xffff;
	v31 =	vtrunc.f32 v36;
	v22 =	vmul.f32 v22, v21  }
0x30f: {  	v24 =	vld.idx.msk [tilespmem:v44+s3+$0x0], $0xffff;
	v20 =	vmul.f32 v57, v20;
	v31 =	vcvt.f32.s32 v31;
	v25 =	vadd.f32 v25, v59  }
0x310: {  	v9 =	vld.idx.msk [tilespmem:v9+s3+$0x0], $0xffff;
	v30 =	vcvt.f32.s32 v38;
	v22 =	vadd.f32 v22, v60  }
0x311: {  	[tilespmem:s22+$0x8060] =	vst v11;
	v11 =	vadd.f32 v20, v61;
	v17 =	vmul.f32 v25, v17;
	v39 =	vadd.s32 v8, v31  }
0x312: {  	v41 =	vadd.s32 v8, v30;
	v40 =	vld.idx.msk [tilespmem:v19+s16+$0x0], $0xffff;
	v21 =	vmul.f32 v22, v21  }
0x313: {  	v42 =	vld.idx.msk [tilespmem:v19+s5+$0x0], $0xffff;
	[tilespmem:s23+$0x8060] =	vst v11;
	v11 =	vadd.f32 v17, v26  }
0x314: {  	v43 =	vld.idx.msk [tilespmem:v62+s16+$0x0], $0xffff;
	v21 =	vadd.f32 v21, v24  }
0x315: {  	v23 =	vcvt.s32.f32 v47;
	v44 =	vld.idx.msk [tilespmem:v62+s5+$0x0], $0xffff;
	[tilespmem:s24+$0x8060] =	vst v11  }
0x316: {  	v11 =	vcvt.s32.f32 v58;
	v45 =	vld.idx.msk [tilespmem:v39+s16+$0x0], $0xffff;
	[tilespmem:s25+$0x8060] =	vst v21  }
0x317: {  	v15 =	vsub.f32 v15, v23;
	v46 =	vcvt.s32.f32 v31;
	v47 =	vld.idx.msk [tilespmem:v41+s16+$0x0], $0xffff  }
0x318: {  	v49 =	vcvt.s32.f32 v30;
	v48 =	vld.idx.msk [tilespmem:v39+s5+$0x0], $0xffff;
	v11 =	vsub.f32 v50, v11  }
0x319: {  	v25 =	vmul.f32 v15, v40;
	v21 =	vsub.f32 v27, v46;
	v50 =	vld.idx.msk [tilespmem:v41+s5+$0x0], $0xffff  }
0x31a: {  	v12 =	vadd.f32 v14, v12;
	v18 =	vsub.f32 v18, v49;
	v51 =	vld.idx.msk [tilespmem:v19+s4+$0x0], $0xffff;
	v17 =	vmul.f32 v11, v43  }
0x31b: {  	v52 =	vld.idx.msk [tilespmem:v62+s4+$0x0], $0xffff;
	v25 =	vadd.f32 v25, v42;
	v26 =	vmul.f32 v21, v45  }
0x31c: {  	v12 =	vmul.f32 v12, v10;
	v53 =	vld.idx.msk [tilespmem:v39+s4+$0x0], $0xffff;
	v17 =	vadd.f32 v17, v44;
	v23 =	vmul.f32 v18, v47  }
0x31d: {  	v25 =	vmul.f32 v25, v15;
	v54 =	vld.idx.msk [tilespmem:v41+s4+$0x0], $0xffff;
	v16 =	vadd.f32 v26, v48  }
0x31e: {  	v12 =	vadd.f32 v12, v13;
	v55 =	vld.idx.msk [tilespmem:v19+s3+$0x0], $0xffff;
	v17 =	vmul.f32 v17, v11;
	v56 =	vadd.f32 v23, v50  }
0x31f: {  	v57 =	vld.idx.msk [tilespmem:v62+s3+$0x0], $0xffff;
	v14 =	vadd.f32 v25, v51;
	v16 =	vmul.f32 v16, v21  }
0x320: {  	v10 =	vmul.f32 v12, v10;
	v59 =	vld.idx.msk [tilespmem:v39+s3+$0x0], $0xffff;
	v58 =	vadd.f32 v17, v52;
	v19 =	vmul.f32 v56, v18  }
0x321: {  	v14 =	vmul.f32 v14, v15;
	v61 =	vld.idx.msk [tilespmem:v41+s3+$0x0], $0xffff;
	v60 =	vadd.f32 v16, v53  }
0x322: {  	v9 =	vadd.f32 v10, v9;
	v10 =	vmul.f32 v58, v11;
	v11 =	vadd.f32 v19, v54  }
0x323: {  	v62 =	vadd.f32 v14, v55;
	v63 =	vmul.f32 v60, v21  }
0x324: {  	[tilespmem:s21+$0x8070] =	vst v9;
	v9 =	vadd.f32 v10, v57;
	v10 =	vmul.f32 v11, v18  }
0x325: {  	[tilespmem:s22+$0x8070] =	vst v62;
	v11 =	vadd.f32 v63, v59  }
0x326: {  	[tilespmem:s23+$0x8070] =	vst v9;
	v9 =	vadd.f32 v10, v61  }
0x327: {  	[tilespmem:s24+$0x8070] =	vst v11  }
0x328: {  	[tilespmem:s25+$0x8070] =	vst v9  }
0x329: {  	s29 =	simm.s32 $0x4;
	s0 =	rddreg [dreg:$0x8]  }
0x32a: {  	[hbm4b:s0+s6] =	stream.linear.scatter [tilespmem:s2], [sflag:$0x5], $0x8000, $0x38;
	[tilespmem:$0x17900] =	vst v63  }
0x32b: {  	_ =	swait.ge [sflag:s29], $0x8000  }
0x32c: {  	[sflag:s29] =	ssyncset.done $0x0  }
0x32d: {  	s1 =	simm.s32 $0x5;
	[sflag:s29] =	ssyncadd.s32 $0xFFFF8000  }
0x32e: {  	_ =	swait.ge [sflag:s1], $0x8000  }
0x32f: {  	s30 =	rddreg [dreg:$0xa]  }
0x330: {  	s31 =	rddreg [dreg:$0x9];
	s2 =	sadd.s32 $0x1, s30  }
0x331: {  	p0 =	sne.s32 s2, s31  }
.Ltmp3:
0x332: {  	_ = 	snop;
	(pc) =	sbr.rel @p0 .LBB2_1-.Ltmp3, $3  }
0x333: {  	_ =	sdelay $0x1  }
0x334: {  	[sflag:s1] =	ssyncset.done $0x0  }
0x335: {  	[sflag:s1] =	ssyncadd.s32 $0xFFFF8000  }
0x336: {  	_ =	sfence.sel $0x180000  }
0x337: {  	[bflag:$0x0] =	sbarrier.arrive $0xFFFF  }
0x338: {  	_ =	strace $0x90000047  }
0x339: {  	s0 =	stileid.u32;
	[bflag:$0x2] =	sbarrier.arrive $0xFFFF  }
0x33a: {  	p0 =	sne.s32 s0, $0x0;
	s0 =	rddreg [dreg:$0x3]  }
0x33b: {  	s0 =	sadd.s32 @!p0 $0x100000, s0  }
0x33c: {  	[sflag:s0] =	ssyncadd.tile.s32 @!p0 $0x1;
	_ =	shalt  }
.Lfunc_end2:
_tile_overlayer_lowered:
.L_overlay_start_2:
0x33d: {  	(tag) =	ssettag $0x2  }
0x33e: {  	s0 =	rddreg [dreg:$0x0];
	s2 =	stileid.u32  }
0x33f: {  	s1 =	rddreg [dreg:$0x1];
	p0 =	sne.s32 s2, $0x0  }
0x340: {  	s3 =	rddreg [dreg:$0x2];
	[bflag:$0x3] =	sbarrier.arrive $0xFFFF;
	s2 =	simm.s32 @!p0 $0x1C06  }
0x341: {  	[timem:s3], [sflag:s2] =	dma.local @!p0 [hbm:s0], s1  }
0x342: {  	s0 =	simm.s32 @!p0 $0x6  }
0x343: {  	_ =	swait.ge @!p0 [sflag:s0], s1  }
0x344: {  	s1 =	ssub.s32 @!p0 $0x0, s1;
	[sflag:s0] =	ssyncset.done @!p0 $0x0  }
0x345: {  	[sflag:s0] =	ssyncadd.s32 @!p0 s1  }
0x346: {  	[bflag:$0x3] =	sbarrier.arrive $0xFFFF  }
0x347: {  	_ =	shalt  }

</sc_bundles>
